<compile_context>
chip_gen: v7x
topology: tpu7x:2x2x1
jax: 0.10.2.dev20260603
libtpu: 0.0.44.dev20260713+nightly
codegen_flags: <defaults>
</compile_context>

<pallas_src>
import math
import functools

import numpy as np
import jax
import jax.numpy as jnp
from jax.experimental import pallas as pl
from jax.experimental.pallas import tpu as pltpu
from jax.experimental.pallas import tpu_sc as plsc

VOCAB = 100000
EMB = 64
MAX_LEN = 200
BATCH = 4096
SEQ = 200

GATHER = 128
WINDOW = 512
NUM_ROWS = SEQ * BATCH
NUM_WINDOWS = NUM_ROWS // WINDOW


def _positional_encoding():
    position = np.arange(0, MAX_LEN, dtype=np.float32)[:, None]
    div_term = np.exp(
        np.arange(0, EMB, 2, dtype=np.float32) * np.float32(-(math.log(10000.0) / EMB))
    ).astype(np.float32)
    pe = np.zeros((MAX_LEN, EMB), dtype=np.float32)
    pe[:, 0::2] = np.sin(position * div_term, dtype=np.float32)
    pe[:, 1::2] = np.cos(position * div_term, dtype=np.float32)
    return pe


def _tc_transpose(x):
    def body(x_ref, o_ref):
        o_ref[...] = x_ref[...].T

    return pl.pallas_call(
        body,
        out_shape=jax.ShapeDtypeStruct((SEQ, BATCH), jnp.int32),
    )(x)


def _make_sc_kernel():
    mesh = plsc.VectorSubcoreMesh(core_axis_name="core", subcore_axis_name="subcore")

    @functools.partial(
        pl.kernel,
        out_type=jax.ShapeDtypeStruct((NUM_ROWS, EMB), jnp.float32),
        mesh=mesh,
        compiler_params=pltpu.CompilerParams(use_tc_tiling_on_sc=False),
        scratch_types=[pltpu.SemaphoreType.DMA] * (WINDOW // GATHER),
    )
    def sc_kernel(table_hbm, idx_hbm, pe_hbm, out_hbm, *sems):
        def body(i_vmem, pe_vmem, o_vmem):
            for j in range(WINDOW // GATHER):
                pltpu.async_copy(
                    table_hbm.at[i_vmem.at[0, pl.ds(j * GATHER, GATHER)]],
                    o_vmem.at[pl.ds(j * GATHER, GATHER), :],
                    sems[j],
                )
            pe_regs = [pe_vmem[0, pl.ds(16 * j, 16)] for j in range(EMB // 16)]

            for j in range(WINDOW // GATHER):
                pltpu.make_async_copy(
                    table_hbm.at[i_vmem.at[0, pl.ds(j * GATHER, GATHER)]],
                    o_vmem.at[pl.ds(j * GATHER, GATHER), :],
                    sems[j],
                ).wait()

                @pl.loop(j * GATHER, (j + 1) * GATHER, unroll=8)
                def _(r):
                    for k in range(EMB // 16):
                        plsc.addupdate(o_vmem.at[r, pl.ds(16 * k, 16)], pe_regs[k])

        pltpu.emit_pipeline(
            body,
            grid=(NUM_WINDOWS,),
            in_specs=[
                pl.BlockSpec((1, WINDOW), index_map=lambda i: (0, i)),
                pl.BlockSpec((1, EMB), index_map=lambda i: (i, 0)),
            ],
            out_specs=[
                pl.BlockSpec((WINDOW, EMB), index_map=lambda i: (i, 0)),
            ],
            core_axis_name=("core", "subcore"),
            dimension_semantics=(pltpu.PARALLEL,),
        )(idx_hbm, pe_hbm, out_hbm)

    return sc_kernel


_SC_KERNEL = _make_sc_kernel()


_PE_WIN = np.repeat(
    _positional_encoding(), BATCH // WINDOW, axis=0
)


def kernel(input, table):
    idx_t = _tc_transpose(input.astype(jnp.int32)).reshape(1, NUM_ROWS)
    out_flat = _SC_KERNEL(table, idx_t, _PE_WIN)
    return out_flat.reshape(SEQ, BATCH, EMB)

# --- scband reference (transcript-rebuilt; emitter-appended) ---
"""Pipeline reference for scband-positional-embedding-87746181857376 (READ-ONLY COPY).

The authoritative reference and input builder live on the scoring server;
editing this copy changes nothing except your own understanding.
"""

import math
import jax, jax.numpy as jnp
import numpy as np

VOCAB = 100000
EMB = 64
MAX_LEN = 200
BATCH = 4096
SEQ = 200

def get_positional_encoding(length, emb_size):
    position = jnp.arange(0, length).astype(jnp.float32)[:, None]
    div_term = jnp.exp(jnp.arange(0, emb_size, 2).astype(jnp.float32) * -(math.log(10000.0) / emb_size))
    pe = jnp.zeros((length, emb_size), dtype=jnp.float32)
    pe = pe.at[:, 0::2].set(jnp.sin(position * div_term))
    pe = pe.at[:, 1::2].set(jnp.cos(position * div_term))
    return pe[:, None, :]  # [length, 1, emb_size]

def setup_inputs(seed: int = 0) -> dict:
    key = jax.random.key(seed)
    k1, k2 = jax.random.split(key)
    inp = jax.random.randint(k1, (BATCH, SEQ), 0, VOCAB, dtype=jnp.int64) if jax.config.jax_enable_x64 else jax.random.randint(k1, (BATCH, SEQ), 0, VOCAB, dtype=jnp.int32)
    table = jax.random.normal(k2, (VOCAB, EMB), dtype=jnp.float32)
    table = table.at[0].set(0.0)  # padding_idx=0 row zeroed
    return {"input": inp, "table": table}

def reference(input, table):
    # padding_idx semantics: row 0 is zero
    t = table.at[0].set(0.0)
    # input: [B, L] -> transpose -> [L, B] -> embed -> [L, B, E]
    input_emb = jnp.take(t, input.T, axis=0)
    length = input_emb.shape[0]
    pe = get_positional_encoding(MAX_LEN, EMB)[:length]
    # dropout p=0.0 -> identity
    return input_emb + pe

if __name__ == "__main__":
    import jax
    _d = setup_inputs()
    print(jax.jit(kernel)(*tuple(_d.values())))

</pallas_src>

<mosaic_0001>
#map = affine_map<(d0, d1) -> (0, 0)>
module attributes {stable_mosaic.version = 14 : i64} {
  func.func @sc_kernel(%arg0: i32, %arg1: i32, %arg2: memref<100000x64xf32, #tpu.memory_space<hbm>>, %arg3: memref<1x819200xi32, #tpu.memory_space<hbm>>, %arg4: memref<1600x64xf32, #tpu.memory_space<hbm>>, %arg5: memref<819200x64xf32, #tpu.memory_space<hbm>>, %arg6: memref<!tpu.dma_semaphore, #tpu.memory_space<semaphore_mem>>, %arg7: memref<!tpu.dma_semaphore, #tpu.memory_space<semaphore_mem>>, %arg8: memref<!tpu.dma_semaphore, #tpu.memory_space<semaphore_mem>>, %arg9: memref<!tpu.dma_semaphore, #tpu.memory_space<semaphore_mem>>) attributes {dimension_semantics = [#tpu.dimension_semantics<core_parallel>, #tpu.dimension_semantics<subcore_parallel>], iteration_bounds = array<i64: 2, 16>, scalar_prefetch = 0 : i64, scratch_operands = 4 : i64, tpu.core_type = #tpu.core_type<sc_vector_subcore>, window_params = [{transform_indices = #map}, {transform_indices = #map}, {transform_indices = #map}, {transform_indices = #map}]} {
    %mul3A = arith.constant 1 : i32
    %mul3A_0 = arith.muli %arg1, %mul3A : i32
    %add3A = arith.constant 0 : i32
    %add3A_1 = arith.addi %add3A, %mul3A_0 : i32
    %mul3A_2 = arith.constant 16 : i32
    %mul3A_3 = arith.muli %arg0, %mul3A_2 : i32
    %add3A_4 = arith.addi %add3A_1, %mul3A_3 : i32
    %mul3A_5 = arith.constant 50 : i32
    %mul3A_6 = arith.muli %add3A_4, %mul3A_5 : i32
    "tpu.region"() ({
      %run_scoped3A = memref.alloca() : memref<2x1x512xi32, #tpu.memory_space<vmem>>
      %run_scoped3A_7 = tpu.sem_alloc : memref<2x!tpu.dma_semaphore, #tpu.memory_space<semaphore_mem>>
      %run_scoped3A_8 = memref.alloca() : memref<2x1x64xf32, #tpu.memory_space<vmem>>
      %run_scoped3A_9 = tpu.sem_alloc : memref<2x!tpu.dma_semaphore, #tpu.memory_space<semaphore_mem>>
      %run_scoped3A_10 = memref.alloca() : memref<2x512x64xf32, #tpu.memory_space<vmem>>
      %run_scoped3A_11 = tpu.sem_alloc : memref<2x!tpu.dma_semaphore, #tpu.memory_space<semaphore_mem>>
      %add3A_12 = arith.constant 0 : i32
      %add3A_13 = arith.addi %add3A_12, %mul3A_6 : i32
      %select_n3A = arith.constant true
      %select_n3A_14 = arith.constant 0 : i32
      %select_n3A_15 = arith.constant -1 : i32
      %select_n3A_16 = arith.select %select_n3A, %select_n3A_15, %select_n3A_14 : i32
      %eq3A = arith.constant -1 : i32
      %eq3A_17 = arith.cmpi eq, %select_n3A_16, %eq3A : i32
      %select_n3A_18 = arith.constant 49 : i32
      %select_n3A_19 = arith.select %eq3A_17, %select_n3A_18, %select_n3A_16 : i32
      %add3A_20 = arith.addi %select_n3A_19, %mul3A_6 : i32
      %select_n3A_21 = arith.constant true
      %select_n3A_22 = arith.constant 0 : i32
      %select_n3A_23 = arith.constant 1 : i32
      %select_n3A_24 = arith.select %select_n3A_21, %select_n3A_23, %select_n3A_22 : i32
      %eq3A_25 = arith.constant 50 : i32
      %eq3A_26 = arith.cmpi eq, %select_n3A_24, %eq3A_25 : i32
      %select_n3A_27 = arith.constant 0 : i32
      %select_n3A_28 = arith.select %eq3A_26, %select_n3A_27, %select_n3A_24 : i32
      %add3A_29 = arith.addi %select_n3A_28, %mul3A_6 : i32
      %add3A_30 = arith.constant 1 : i32
      %add3A_31 = arith.addi %select_n3A_28, %add3A_30 : i32
      %select_n3A_32 = arith.constant true
      %select_n3A_33 = arith.select %select_n3A_32, %add3A_31, %select_n3A_28 : i32
      %eq3A_34 = arith.constant 50 : i32
      %eq3A_35 = arith.cmpi eq, %select_n3A_33, %eq3A_34 : i32
      %select_n3A_36 = arith.constant 0 : i32
      %select_n3A_37 = arith.select %eq3A_35, %select_n3A_36, %select_n3A_33 : i32
      %add3A_38 = arith.addi %select_n3A_37, %mul3A_6 : i32
      "tpu.trace_start"() <{level = 10 : i32, message = "ep_initialize_0"}> : () -> ()
      %rem3A = arith.constant 0 : i32
      %rem3A_39 = arith.constant 2 : i32
      %rem3A_40 = arith.remui %rem3A, %rem3A_39 : i32
      %mul3A_41 = arith.constant 512 : i32
      %mul3A_42 = arith.muli %mul3A_41, %add3A_13 : i32
      %dma_start3A = arith.constant 0 : i32
      %dma_start3A_43 = arith.constant 0 : i32
      %dma_start3A_44 = tpu.memref_slice %run_scoped3A[%rem3A_40, %dma_start3A, %dma_start3A_43] : memref<2x1x512xi32, #tpu.memory_space<vmem>> -> memref<1x1x512xi32, #tpu.memory_space<vmem>>
      %dma_start3A_45 = tpu.memref_squeeze %dma_start3A_44 : memref<1x1x512xi32, #tpu.memory_space<vmem>> -> memref<1x512xi32, #tpu.memory_space<vmem>>
      %dma_start3A_46 = arith.constant 0 : i32
      %dma_start3A_47 = tpu.memref_slice %arg3[%dma_start3A_46, %mul3A_42] : memref<1x819200xi32, #tpu.memory_space<hbm>> -> memref<1x512xi32, #tpu.memory_space<hbm>>
      %dma_start3A_48 = tpu.memref_slice %run_scoped3A_7[%rem3A_40] : memref<2x!tpu.dma_semaphore, #tpu.memory_space<semaphore_mem>> -> memref<1x!tpu.dma_semaphore, #tpu.memory_space<semaphore_mem>>
      %dma_start3A_49 = tpu.memref_squeeze %dma_start3A_48 : memref<1x!tpu.dma_semaphore, #tpu.memory_space<semaphore_mem>> -> memref<!tpu.dma_semaphore, #tpu.memory_space<semaphore_mem>>
      %dma_start3A_50 = arith.constant 0 : i32
      %dma_start3A_51 = arith.constant 0 : i32
      %dma_start3A_52 = tpu.memref_slice %run_scoped3A[%rem3A_40, %dma_start3A_50, %dma_start3A_51] : memref<2x1x512xi32, #tpu.memory_space<vmem>> -> memref<1x1x512xi32, #tpu.memory_space<vmem>>
      %dma_start3A_53 = tpu.memref_squeeze %dma_start3A_52 : memref<1x1x512xi32, #tpu.memory_space<vmem>> -> memref<1x512xi32, #tpu.memory_space<vmem>>
      %dma_start3A_54 = arith.constant 0 : i32
      %dma_start3A_55 = tpu.memref_slice %arg3[%dma_start3A_54, %mul3A_42] : memref<1x819200xi32, #tpu.memory_space<hbm>> -> memref<1x512xi32, #tpu.memory_space<hbm>>
      tpu.enqueue_dma source(%dma_start3A_55 : memref<1x512xi32, #tpu.memory_space<hbm>>) target(%dma_start3A_53 : memref<1x512xi32, #tpu.memory_space<vmem>>) target_semaphore(%dma_start3A_49 : memref<!tpu.dma_semaphore, #tpu.memory_space<semaphore_mem>>)
      %add3A_56 = arith.constant 0 : i32
      %add3A_57 = arith.constant 1 : i32
      %add3A_58 = arith.addi %add3A_56, %add3A_57 : i32
      %select_n3A_59 = arith.constant true
      %select_n3A_60 = arith.constant 0 : i32
      %select_n3A_61 = arith.select %select_n3A_59, %add3A_58, %select_n3A_60 : i32
      %rem3A_62 = arith.constant 0 : i32
      %rem3A_63 = arith.constant 2 : i32
      %rem3A_64 = arith.remui %rem3A_62, %rem3A_63 : i32
      %mul3A_65 = arith.constant 1 : i32
      %mul3A_66 = arith.muli %mul3A_65, %add3A_13 : i32
      %dma_start3A_67 = arith.constant 0 : i32
      %dma_start3A_68 = arith.constant 0 : i32
      %dma_start3A_69 = tpu.memref_slice %run_scoped3A_8[%rem3A_64, %dma_start3A_67, %dma_start3A_68] : memref<2x1x64xf32, #tpu.memory_space<vmem>> -> memref<1x1x64xf32, #tpu.memory_space<vmem>>
      %dma_start3A_70 = tpu.memref_squeeze %dma_start3A_69 : memref<1x1x64xf32, #tpu.memory_space<vmem>> -> memref<1x64xf32, #tpu.memory_space<vmem>>
      %dma_start3A_71 = arith.constant 0 : i32
      %dma_start3A_72 = tpu.memref_slice %arg4[%mul3A_66, %dma_start3A_71] : memref<1600x64xf32, #tpu.memory_space<hbm>> -> memref<1x64xf32, #tpu.memory_space<hbm>>
      %dma_start3A_73 = tpu.memref_slice %run_scoped3A_9[%rem3A_64] : memref<2x!tpu.dma_semaphore, #tpu.memory_space<semaphore_mem>> -> memref<1x!tpu.dma_semaphore, #tpu.memory_space<semaphore_mem>>
      %dma_start3A_74 = tpu.memref_squeeze %dma_start3A_73 : memref<1x!tpu.dma_semaphore, #tpu.memory_space<semaphore_mem>> -> memref<!tpu.dma_semaphore, #tpu.memory_space<semaphore_mem>>
      %dma_start3A_75 = arith.constant 0 : i32
      %dma_start3A_76 = arith.constant 0 : i32
      %dma_start3A_77 = tpu.memref_slice %run_scoped3A_8[%rem3A_64, %dma_start3A_75, %dma_start3A_76] : memref<2x1x64xf32, #tpu.memory_space<vmem>> -> memref<1x1x64xf32, #tpu.memory_space<vmem>>
      %dma_start3A_78 = tpu.memref_squeeze %dma_start3A_77 : memref<1x1x64xf32, #tpu.memory_space<vmem>> -> memref<1x64xf32, #tpu.memory_space<vmem>>
      %dma_start3A_79 = arith.constant 0 : i32
      %dma_start3A_80 = tpu.memref_slice %arg4[%mul3A_66, %dma_start3A_79] : memref<1600x64xf32, #tpu.memory_space<hbm>> -> memref<1x64xf32, #tpu.memory_space<hbm>>
      tpu.enqueue_dma source(%dma_start3A_80 : memref<1x64xf32, #tpu.memory_space<hbm>>) target(%dma_start3A_78 : memref<1x64xf32, #tpu.memory_space<vmem>>) target_semaphore(%dma_start3A_74 : memref<!tpu.dma_semaphore, #tpu.memory_space<semaphore_mem>>)
      %add3A_81 = arith.constant 0 : i32
      %add3A_82 = arith.constant 1 : i32
      %add3A_83 = arith.addi %add3A_81, %add3A_82 : i32
      %select_n3A_84 = arith.constant true
      %select_n3A_85 = arith.constant 0 : i32
      %select_n3A_86 = arith.select %select_n3A_84, %add3A_83, %select_n3A_85 : i32
      "tpu.trace_stop"() : () -> ()
      %scan3A = arith.constant 0 : i32
      %scan3A_87 = arith.constant 0 : i32
      %scan3A_88 = arith.constant 0 : i32
      %scan3A_89 = arith.constant 0 : i32
      %scan3A_90 = arith.constant 0 : i32
      %scan3A_91 = arith.constant 0 : i32
      %scan3A_92 = arith.constant 50 : i32
      %scan3A_93 = arith.addi %scan3A_91, %scan3A_92 : i32
      %scan3A_94 = arith.constant 1 : i32
      %scan3A_95:7 = scf.for %scan3A_149 = %scan3A_91 to %scan3A_93 step %scan3A_94 iter_args(%scan3A_150 = %select_n3A_61, %scan3A_151 = %scan3A, %scan3A_152 = %select_n3A_86, %scan3A_153 = %scan3A_87, %scan3A_154 = %scan3A_88, %scan3A_155 = %scan3A_89, %scan3A_156 = %scan3A_90) -> (i32, i32, i32, i32, i32, i32, i32)  : i32 {
        %eq3A_157 = arith.constant 0 : i32
        %eq3A_158 = arith.cmpi eq, %scan3A_149, %eq3A_157 : i32
        %eq3A_159 = arith.constant 49 : i32
        %eq3A_160 = arith.cmpi eq, %scan3A_149, %eq3A_159 : i32
        %add3A_161 = arith.addi %scan3A_156, %mul3A_6 : i32
        %sub3A_162 = arith.constant 1 : i32
        %sub3A_163 = arith.subi %scan3A_156, %sub3A_162 : i32
        %select_n3A_164 = arith.constant true
        %select_n3A_165 = arith.select %select_n3A_164, %sub3A_163, %scan3A_156 : i32
        %eq3A_166 = arith.constant -1 : i32
        %eq3A_167 = arith.cmpi eq, %select_n3A_165, %eq3A_166 : i32
        %select_n3A_168 = arith.constant 49 : i32
        %select_n3A_169 = arith.select %eq3A_167, %select_n3A_168, %select_n3A_165 : i32
        %add3A_170 = arith.addi %select_n3A_169, %mul3A_6 : i32
        %add3A_171 = arith.constant 1 : i32
        %add3A_172 = arith.addi %scan3A_156, %add3A_171 : i32
        %select_n3A_173 = arith.constant true
        %select_n3A_174 = arith.select %select_n3A_173, %add3A_172, %scan3A_156 : i32
        %eq3A_175 = arith.constant 50 : i32
        %eq3A_176 = arith.cmpi eq, %select_n3A_174, %eq3A_175 : i32
        %select_n3A_177 = arith.constant 0 : i32
        %select_n3A_178 = arith.select %eq3A_176, %select_n3A_177, %select_n3A_174 : i32
        %add3A_179 = arith.addi %select_n3A_178, %mul3A_6 : i32
        %add3A_180 = arith.constant 1 : i32
        %add3A_181 = arith.addi %select_n3A_178, %add3A_180 : i32
        %select_n3A_182 = arith.constant true
        %select_n3A_183 = arith.select %select_n3A_182, %add3A_181, %select_n3A_178 : i32
        %eq3A_184 = arith.constant 50 : i32
        %eq3A_185 = arith.cmpi eq, %select_n3A_183, %eq3A_184 : i32
        %select_n3A_186 = arith.constant 0 : i32
        %select_n3A_187 = arith.select %eq3A_185, %select_n3A_186, %select_n3A_183 : i32
        %add3A_188 = arith.addi %select_n3A_187, %mul3A_6 : i32
        %ne3A = arith.cmpi ne, %add3A_161, %add3A_179 : i32
        %or3A = arith.constant false
        %or3A_189 = arith.ori %or3A, %ne3A : i1
        %ge3A = arith.constant 49 : i32
        %ge3A_190 = arith.cmpi sge, %scan3A_149, %ge3A : i32
        %not3A = arith.constant true
        %not3A_191 = arith.xori %ge3A_190, %not3A : i1
        %and3A = arith.andi %or3A_189, %not3A_191 : i1
        %convert_element_type3A = arith.extui %and3A : i1 to i32
        %cond3A = arith.constant 0 : i32
        %cond3A_192 = arith.cmpi ne, %convert_element_type3A, %cond3A : i32
        scf.if %cond3A_192 {
          "tpu.trace_start"() <{level = 10 : i32, message = "ep_copy_in"}> : () -> ()
          %rem3A_554 = arith.constant 2 : i32
          %rem3A_555 = arith.remui %scan3A_150, %rem3A_554 : i32
          %mul3A_556 = arith.constant 512 : i32
          %mul3A_557 = arith.muli %mul3A_556, %add3A_179 : i32
          %dma_start3A_558 = arith.constant 0 : i32
          %dma_start3A_559 = arith.constant 0 : i32
          %dma_start3A_560 = tpu.memref_slice %run_scoped3A[%rem3A_555, %dma_start3A_558, %dma_start3A_559] : memref<2x1x512xi32, #tpu.memory_space<vmem>> -> memref<1x1x512xi32, #tpu.memory_space<vmem>>
          %dma_start3A_561 = tpu.memref_squeeze %dma_start3A_560 : memref<1x1x512xi32, #tpu.memory_space<vmem>> -> memref<1x512xi32, #tpu.memory_space<vmem>>
          %dma_start3A_562 = arith.constant 0 : i32
          %dma_start3A_563 = tpu.memref_slice %arg3[%dma_start3A_562, %mul3A_557] : memref<1x819200xi32, #tpu.memory_space<hbm>> -> memref<1x512xi32, #tpu.memory_space<hbm>>
          %dma_start3A_564 = tpu.memref_slice %run_scoped3A_7[%rem3A_555] : memref<2x!tpu.dma_semaphore, #tpu.memory_space<semaphore_mem>> -> memref<1x!tpu.dma_semaphore, #tpu.memory_space<semaphore_mem>>
          %dma_start3A_565 = tpu.memref_squeeze %dma_start3A_564 : memref<1x!tpu.dma_semaphore, #tpu.memory_space<semaphore_mem>> -> memref<!tpu.dma_semaphore, #tpu.memory_space<semaphore_mem>>
          %dma_start3A_566 = arith.constant 0 : i32
          %dma_start3A_567 = arith.constant 0 : i32
          %dma_start3A_568 = tpu.memref_slice %run_scoped3A[%rem3A_555, %dma_start3A_566, %dma_start3A_567] : memref<2x1x512xi32, #tpu.memory_space<vmem>> -> memref<1x1x512xi32, #tpu.memory_space<vmem>>
          %dma_start3A_569 = tpu.memref_squeeze %dma_start3A_568 : memref<1x1x512xi32, #tpu.memory_space<vmem>> -> memref<1x512xi32, #tpu.memory_space<vmem>>
          %dma_start3A_570 = arith.constant 0 : i32
          %dma_start3A_571 = tpu.memref_slice %arg3[%dma_start3A_570, %mul3A_557] : memref<1x819200xi32, #tpu.memory_space<hbm>> -> memref<1x512xi32, #tpu.memory_space<hbm>>
          tpu.enqueue_dma source(%dma_start3A_571 : memref<1x512xi32, #tpu.memory_space<hbm>>) target(%dma_start3A_569 : memref<1x512xi32, #tpu.memory_space<vmem>>) target_semaphore(%dma_start3A_565 : memref<!tpu.dma_semaphore, #tpu.memory_space<semaphore_mem>>)
          "tpu.trace_stop"() : () -> ()
        } else {
        }
        %and3A_193 = arith.constant true
        %and3A_194 = arith.andi %and3A, %and3A_193 : i1
        %add3A_195 = arith.constant 1 : i32
        %add3A_196 = arith.addi %scan3A_150, %add3A_195 : i32
        %select_n3A_197 = arith.select %and3A_194, %add3A_196, %scan3A_150 : i32
        %ne3A_198 = arith.cmpi ne, %add3A_161, %add3A_179 : i32
        %or3A_199 = arith.constant false
        %or3A_200 = arith.ori %or3A_199, %ne3A_198 : i1
        %or3A_201 = arith.constant false
        %or3A_202 = arith.ori %or3A_200, %or3A_201 : i1
        %ge3A_203 = arith.constant 49 : i32
        %ge3A_204 = arith.cmpi sge, %scan3A_149, %ge3A_203 : i32
        %not3A_205 = arith.constant true
        %not3A_206 = arith.xori %ge3A_204, %not3A_205 : i1
        %and3A_207 = arith.andi %or3A_202, %not3A_206 : i1
        %convert_element_type3A_208 = arith.extui %and3A_207 : i1 to i32
        %cond3A_209 = arith.constant 0 : i32
        %cond3A_210 = arith.cmpi ne, %convert_element_type3A_208, %cond3A_209 : i32
        scf.if %cond3A_210 {
          "tpu.trace_start"() <{level = 10 : i32, message = "ep_copy_in"}> : () -> ()
          %rem3A_554 = arith.constant 2 : i32
          %rem3A_555 = arith.remui %scan3A_152, %rem3A_554 : i32
          %mul3A_556 = arith.constant 1 : i32
          %mul3A_557 = arith.muli %mul3A_556, %add3A_179 : i32
          %dma_start3A_558 = arith.constant 0 : i32
          %dma_start3A_559 = arith.constant 0 : i32
          %dma_start3A_560 = tpu.memref_slice %run_scoped3A_8[%rem3A_555, %dma_start3A_558, %dma_start3A_559] : memref<2x1x64xf32, #tpu.memory_space<vmem>> -> memref<1x1x64xf32, #tpu.memory_space<vmem>>
          %dma_start3A_561 = tpu.memref_squeeze %dma_start3A_560 : memref<1x1x64xf32, #tpu.memory_space<vmem>> -> memref<1x64xf32, #tpu.memory_space<vmem>>
          %dma_start3A_562 = arith.constant 0 : i32
          %dma_start3A_563 = tpu.memref_slice %arg4[%mul3A_557, %dma_start3A_562] : memref<1600x64xf32, #tpu.memory_space<hbm>> -> memref<1x64xf32, #tpu.memory_space<hbm>>
          %dma_start3A_564 = tpu.memref_slice %run_scoped3A_9[%rem3A_555] : memref<2x!tpu.dma_semaphore, #tpu.memory_space<semaphore_mem>> -> memref<1x!tpu.dma_semaphore, #tpu.memory_space<semaphore_mem>>
          %dma_start3A_565 = tpu.memref_squeeze %dma_start3A_564 : memref<1x!tpu.dma_semaphore, #tpu.memory_space<semaphore_mem>> -> memref<!tpu.dma_semaphore, #tpu.memory_space<semaphore_mem>>
          %dma_start3A_566 = arith.constant 0 : i32
          %dma_start3A_567 = arith.constant 0 : i32
          %dma_start3A_568 = tpu.memref_slice %run_scoped3A_8[%rem3A_555, %dma_start3A_566, %dma_start3A_567] : memref<2x1x64xf32, #tpu.memory_space<vmem>> -> memref<1x1x64xf32, #tpu.memory_space<vmem>>
          %dma_start3A_569 = tpu.memref_squeeze %dma_start3A_568 : memref<1x1x64xf32, #tpu.memory_space<vmem>> -> memref<1x64xf32, #tpu.memory_space<vmem>>
          %dma_start3A_570 = arith.constant 0 : i32
          %dma_start3A_571 = tpu.memref_slice %arg4[%mul3A_557, %dma_start3A_570] : memref<1600x64xf32, #tpu.memory_space<hbm>> -> memref<1x64xf32, #tpu.memory_space<hbm>>
          tpu.enqueue_dma source(%dma_start3A_571 : memref<1x64xf32, #tpu.memory_space<hbm>>) target(%dma_start3A_569 : memref<1x64xf32, #tpu.memory_space<vmem>>) target_semaphore(%dma_start3A_565 : memref<!tpu.dma_semaphore, #tpu.memory_space<semaphore_mem>>)
          "tpu.trace_stop"() : () -> ()
        } else {
        }
        %and3A_211 = arith.constant true
        %and3A_212 = arith.andi %and3A_207, %and3A_211 : i1
        %add3A_213 = arith.constant 1 : i32
        %add3A_214 = arith.addi %scan3A_152, %add3A_213 : i32
        %select_n3A_215 = arith.select %and3A_212, %add3A_214, %scan3A_152 : i32
        %ne3A_216 = arith.cmpi ne, %add3A_161, %add3A_179 : i32
        %or3A_217 = arith.constant false
        %or3A_218 = arith.ori %or3A_217, %ne3A_216 : i1
        %or3A_219 = arith.constant false
        %or3A_220 = arith.ori %or3A_218, %or3A_219 : i1
        %ge3A_221 = arith.constant 49 : i32
        %ge3A_222 = arith.cmpi sge, %scan3A_149, %ge3A_221 : i32
        %not3A_223 = arith.constant true
        %not3A_224 = arith.xori %ge3A_222, %not3A_223 : i1
        %and3A_225 = arith.andi %or3A_220, %not3A_224 : i1
        %ne3A_226 = arith.cmpi ne, %add3A_161, %add3A_170 : i32
        %or3A_227 = arith.constant false
        %or3A_228 = arith.ori %or3A_227, %ne3A_226 : i1
        %or3A_229 = arith.ori %or3A_228, %eq3A_158 : i1
        %convert_element_type3A_230 = arith.extui %or3A_229 : i1 to i32
        %cond3A_231 = arith.constant 0 : i32
        %cond3A_232 = arith.cmpi ne, %convert_element_type3A_230, %cond3A_231 : i32
        scf.if %cond3A_232 {
          "tpu.trace_start"() <{level = 10 : i32, message = "ep_wait_in"}> : () -> ()
          %mul3A_554 = arith.constant 512 : i32
          %mul3A_555 = arith.muli %mul3A_554, %add3A_161 : i32
          %rem3A_556 = arith.constant 2 : i32
          %rem3A_557 = arith.remui %scan3A_151, %rem3A_556 : i32
          %dma_wait3A_558 = arith.constant 0 : i32
          %dma_wait3A_559 = arith.constant 0 : i32
          %dma_wait3A_560 = tpu.memref_slice %run_scoped3A[%rem3A_557, %dma_wait3A_558, %dma_wait3A_559] : memref<2x1x512xi32, #tpu.memory_space<vmem>> -> memref<1x1x512xi32, #tpu.memory_space<vmem>>
          %dma_wait3A_561 = tpu.memref_squeeze %dma_wait3A_560 : memref<1x1x512xi32, #tpu.memory_space<vmem>> -> memref<1x512xi32, #tpu.memory_space<vmem>>
          %dma_wait3A_562 = arith.constant 0 : i32
          %dma_wait3A_563 = tpu.memref_slice %arg3[%dma_wait3A_562, %mul3A_555] : memref<1x819200xi32, #tpu.memory_space<hbm>> -> memref<1x512xi32, #tpu.memory_space<hbm>>
          %dma_wait3A_564 = tpu.memref_slice %run_scoped3A_7[%rem3A_557] : memref<2x!tpu.dma_semaphore, #tpu.memory_space<semaphore_mem>> -> memref<1x!tpu.dma_semaphore, #tpu.memory_space<semaphore_mem>>
          %dma_wait3A_565 = tpu.memref_squeeze %dma_wait3A_564 : memref<1x!tpu.dma_semaphore, #tpu.memory_space<semaphore_mem>> -> memref<!tpu.dma_semaphore, #tpu.memory_space<semaphore_mem>>
          %dma_wait3A_566 = arith.constant 0 : i32
          %dma_wait3A_567 = arith.constant 0 : i32
          %dma_wait3A_568 = tpu.memref_slice %run_scoped3A[%rem3A_557, %dma_wait3A_566, %dma_wait3A_567] : memref<2x1x512xi32, #tpu.memory_space<vmem>> -> memref<1x1x512xi32, #tpu.memory_space<vmem>>
          %dma_wait3A_569 = tpu.memref_squeeze %dma_wait3A_568 : memref<1x1x512xi32, #tpu.memory_space<vmem>> -> memref<1x512xi32, #tpu.memory_space<vmem>>
          %dma_wait3A_570 = arith.constant 0 : i32
          %dma_wait3A_571 = tpu.memref_slice %arg3[%dma_wait3A_570, %mul3A_555] : memref<1x819200xi32, #tpu.memory_space<hbm>> -> memref<1x512xi32, #tpu.memory_space<hbm>>
          tpu.wait_dma2 semaphore(%dma_wait3A_565 : memref<!tpu.dma_semaphore, #tpu.memory_space<semaphore_mem>>) src(%dma_wait3A_571 : memref<1x512xi32, #tpu.memory_space<hbm>>) dst(%dma_wait3A_569 : memref<1x512xi32, #tpu.memory_space<vmem>>)
          "tpu.trace_stop"() : () -> ()
        } else {
        }
        %ne3A_233 = arith.cmpi ne, %add3A_161, %add3A_170 : i32
        %or3A_234 = arith.constant false
        %or3A_235 = arith.ori %or3A_234, %ne3A_233 : i1
        %or3A_236 = arith.constant false
        %or3A_237 = arith.ori %or3A_235, %or3A_236 : i1
        %or3A_238 = arith.ori %or3A_237, %eq3A_158 : i1
        %convert_element_type3A_239 = arith.extui %or3A_238 : i1 to i32
        %cond3A_240 = arith.constant 0 : i32
        %cond3A_241 = arith.cmpi ne, %convert_element_type3A_239, %cond3A_240 : i32
        scf.if %cond3A_241 {
          "tpu.trace_start"() <{level = 10 : i32, message = "ep_wait_in"}> : () -> ()
          %mul3A_554 = arith.constant 1 : i32
          %mul3A_555 = arith.muli %mul3A_554, %add3A_161 : i32
          %rem3A_556 = arith.constant 2 : i32
          %rem3A_557 = arith.remui %scan3A_153, %rem3A_556 : i32
          %dma_wait3A_558 = arith.constant 0 : i32
          %dma_wait3A_559 = arith.constant 0 : i32
          %dma_wait3A_560 = tpu.memref_slice %run_scoped3A_8[%rem3A_557, %dma_wait3A_558, %dma_wait3A_559] : memref<2x1x64xf32, #tpu.memory_space<vmem>> -> memref<1x1x64xf32, #tpu.memory_space<vmem>>
          %dma_wait3A_561 = tpu.memref_squeeze %dma_wait3A_560 : memref<1x1x64xf32, #tpu.memory_space<vmem>> -> memref<1x64xf32, #tpu.memory_space<vmem>>
          %dma_wait3A_562 = arith.constant 0 : i32
          %dma_wait3A_563 = tpu.memref_slice %arg4[%mul3A_555, %dma_wait3A_562] : memref<1600x64xf32, #tpu.memory_space<hbm>> -> memref<1x64xf32, #tpu.memory_space<hbm>>
          %dma_wait3A_564 = tpu.memref_slice %run_scoped3A_9[%rem3A_557] : memref<2x!tpu.dma_semaphore, #tpu.memory_space<semaphore_mem>> -> memref<1x!tpu.dma_semaphore, #tpu.memory_space<semaphore_mem>>
          %dma_wait3A_565 = tpu.memref_squeeze %dma_wait3A_564 : memref<1x!tpu.dma_semaphore, #tpu.memory_space<semaphore_mem>> -> memref<!tpu.dma_semaphore, #tpu.memory_space<semaphore_mem>>
          %dma_wait3A_566 = arith.constant 0 : i32
          %dma_wait3A_567 = arith.constant 0 : i32
          %dma_wait3A_568 = tpu.memref_slice %run_scoped3A_8[%rem3A_557, %dma_wait3A_566, %dma_wait3A_567] : memref<2x1x64xf32, #tpu.memory_space<vmem>> -> memref<1x1x64xf32, #tpu.memory_space<vmem>>
          %dma_wait3A_569 = tpu.memref_squeeze %dma_wait3A_568 : memref<1x1x64xf32, #tpu.memory_space<vmem>> -> memref<1x64xf32, #tpu.memory_space<vmem>>
          %dma_wait3A_570 = arith.constant 0 : i32
          %dma_wait3A_571 = tpu.memref_slice %arg4[%mul3A_555, %dma_wait3A_570] : memref<1600x64xf32, #tpu.memory_space<hbm>> -> memref<1x64xf32, #tpu.memory_space<hbm>>
          tpu.wait_dma2 semaphore(%dma_wait3A_565 : memref<!tpu.dma_semaphore, #tpu.memory_space<semaphore_mem>>) src(%dma_wait3A_571 : memref<1x64xf32, #tpu.memory_space<hbm>>) dst(%dma_wait3A_569 : memref<1x64xf32, #tpu.memory_space<vmem>>)
          "tpu.trace_stop"() : () -> ()
        } else {
        }
        %ne3A_242 = arith.cmpi ne, %add3A_161, %add3A_170 : i32
        %or3A_243 = arith.constant false
        %or3A_244 = arith.ori %or3A_243, %ne3A_242 : i1
        %or3A_245 = arith.constant false
        %or3A_246 = arith.ori %or3A_244, %or3A_245 : i1
        %or3A_247 = arith.ori %or3A_246, %eq3A_158 : i1
        %convert_element_type3A_248 = arith.extui %or3A_247 : i1 to i32
        %cond3A_249 = arith.constant 0 : i32
        %cond3A_250 = arith.cmpi ne, %convert_element_type3A_248, %cond3A_249 : i32
        scf.if %cond3A_250 {
        } else {
        }
        %rem3A_251 = arith.constant 2 : i32
        %rem3A_252 = arith.remui %scan3A_151, %rem3A_251 : i32
        %rem3A_253 = arith.constant 2 : i32
        %rem3A_254 = arith.remui %scan3A_153, %rem3A_253 : i32
        %rem3A_255 = arith.constant 2 : i32
        %rem3A_256 = arith.remui %scan3A_154, %rem3A_255 : i32
        %dma_start3A_257 = arith.constant 0 : i32
        "tpu.trace_start"() <{level = 10 : i32, message = "ep_run_kernel"}> : () -> ()
        %dma_start3A_258 = arith.constant 0 : i32
        %dma_start3A_259 = arith.constant 0 : i32
        %dma_start3A_260 = tpu.memref_slice %run_scoped3A_10[%rem3A_256, %dma_start3A_258, %dma_start3A_259] : memref<2x512x64xf32, #tpu.memory_space<vmem>> -> memref<1x512x64xf32, #tpu.memory_space<vmem>>
        %dma_start3A_261 = tpu.memref_squeeze %dma_start3A_260 : memref<1x512x64xf32, #tpu.memory_space<vmem>> -> memref<512x64xf32, #tpu.memory_space<vmem>>
        %dma_start3A_262 = arith.constant 0 : i32
        %dma_start3A_263 = arith.constant 0 : i32
        %dma_start3A_264 = tpu.memref_slice %dma_start3A_261[%dma_start3A_262, %dma_start3A_263] : memref<512x64xf32, #tpu.memory_space<vmem>> -> memref<128x64xf32, #tpu.memory_space<vmem>>
        %dma_start3A_265 = arith.constant 0 : i32
        %dma_start3A_266 = arith.constant 0 : i32
        %dma_start3A_267 = tpu.memref_slice %run_scoped3A[%rem3A_252, %dma_start3A_265, %dma_start3A_266] : memref<2x1x512xi32, #tpu.memory_space<vmem>> -> memref<1x1x512xi32, #tpu.memory_space<vmem>>
        %dma_start3A_268 = tpu.memref_squeeze %dma_start3A_267 : memref<1x1x512xi32, #tpu.memory_space<vmem>> -> memref<1x512xi32, #tpu.memory_space<vmem>>
        %dma_start3A_269 = arith.constant 0 : i32
        %dma_start3A_270 = tpu.memref_slice %dma_start3A_268[%dma_start3A_257, %dma_start3A_269] : memref<1x512xi32, #tpu.memory_space<vmem>> -> memref<1x128xi32, #tpu.memory_space<vmem>>
        %dma_start3A_271 = tpu.memref_squeeze %dma_start3A_270 : memref<1x128xi32, #tpu.memory_space<vmem>> -> memref<128xi32, #tpu.memory_space<vmem>>
        %dma_start3A_272 = arith.constant 0 : i32
        %dma_start3A_273 = arith.constant 0 : i32
        %dma_start3A_274 = tpu.memref_slice %arg2[%dma_start3A_272, %dma_start3A_273] : memref<100000x64xf32, #tpu.memory_space<hbm>> -> memref<100000x64xf32, #tpu.memory_space<hbm>>
        tpu.enqueue_indirect_dma source(%dma_start3A_274 : memref<100000x64xf32, #tpu.memory_space<hbm>>) target(%dma_start3A_264 : memref<128x64xf32, #tpu.memory_space<vmem>>) offsets(%dma_start3A_271 : memref<128xi32, #tpu.memory_space<vmem>>) semaphore(%arg6 : memref<!tpu.dma_semaphore, #tpu.memory_space<semaphore_mem>>)
        %dma_start3A_275 = arith.constant 0 : i32
        %dma_start3A_276 = arith.constant 0 : i32
        %dma_start3A_277 = arith.constant 0 : i32
        %dma_start3A_278 = tpu.memref_slice %run_scoped3A_10[%rem3A_256, %dma_start3A_276, %dma_start3A_277] : memref<2x512x64xf32, #tpu.memory_space<vmem>> -> memref<1x512x64xf32, #tpu.memory_space<vmem>>
        %dma_start3A_279 = tpu.memref_squeeze %dma_start3A_278 : memref<1x512x64xf32, #tpu.memory_space<vmem>> -> memref<512x64xf32, #tpu.memory_space<vmem>>
        %dma_start3A_280 = arith.constant 128 : i32
        %dma_start3A_281 = arith.constant 0 : i32
        %dma_start3A_282 = tpu.memref_slice %dma_start3A_279[%dma_start3A_280, %dma_start3A_281] : memref<512x64xf32, #tpu.memory_space<vmem>> -> memref<128x64xf32, #tpu.memory_space<vmem>>
        %dma_start3A_283 = arith.constant 0 : i32
        %dma_start3A_284 = arith.constant 0 : i32
        %dma_start3A_285 = tpu.memref_slice %run_scoped3A[%rem3A_252, %dma_start3A_283, %dma_start3A_284] : memref<2x1x512xi32, #tpu.memory_space<vmem>> -> memref<1x1x512xi32, #tpu.memory_space<vmem>>
        %dma_start3A_286 = tpu.memref_squeeze %dma_start3A_285 : memref<1x1x512xi32, #tpu.memory_space<vmem>> -> memref<1x512xi32, #tpu.memory_space<vmem>>
        %dma_start3A_287 = arith.constant 128 : i32
        %dma_start3A_288 = tpu.memref_slice %dma_start3A_286[%dma_start3A_275, %dma_start3A_287] : memref<1x512xi32, #tpu.memory_space<vmem>> -> memref<1x128xi32, #tpu.memory_space<vmem>>
        %dma_start3A_289 = tpu.memref_squeeze %dma_start3A_288 : memref<1x128xi32, #tpu.memory_space<vmem>> -> memref<128xi32, #tpu.memory_space<vmem>>
        %dma_start3A_290 = arith.constant 0 : i32
        %dma_start3A_291 = arith.constant 0 : i32
        %dma_start3A_292 = tpu.memref_slice %arg2[%dma_start3A_290, %dma_start3A_291] : memref<100000x64xf32, #tpu.memory_space<hbm>> -> memref<100000x64xf32, #tpu.memory_space<hbm>>
        tpu.enqueue_indirect_dma source(%dma_start3A_292 : memref<100000x64xf32, #tpu.memory_space<hbm>>) target(%dma_start3A_282 : memref<128x64xf32, #tpu.memory_space<vmem>>) offsets(%dma_start3A_289 : memref<128xi32, #tpu.memory_space<vmem>>) semaphore(%arg7 : memref<!tpu.dma_semaphore, #tpu.memory_space<semaphore_mem>>)
        %dma_start3A_293 = arith.constant 0 : i32
        %dma_start3A_294 = arith.constant 0 : i32
        %dma_start3A_295 = arith.constant 0 : i32
        %dma_start3A_296 = tpu.memref_slice %run_scoped3A_10[%rem3A_256, %dma_start3A_294, %dma_start3A_295] : memref<2x512x64xf32, #tpu.memory_space<vmem>> -> memref<1x512x64xf32, #tpu.memory_space<vmem>>
        %dma_start3A_297 = tpu.memref_squeeze %dma_start3A_296 : memref<1x512x64xf32, #tpu.memory_space<vmem>> -> memref<512x64xf32, #tpu.memory_space<vmem>>
        %dma_start3A_298 = arith.constant 256 : i32
        %dma_start3A_299 = arith.constant 0 : i32
        %dma_start3A_300 = tpu.memref_slice %dma_start3A_297[%dma_start3A_298, %dma_start3A_299] : memref<512x64xf32, #tpu.memory_space<vmem>> -> memref<128x64xf32, #tpu.memory_space<vmem>>
        %dma_start3A_301 = arith.constant 0 : i32
        %dma_start3A_302 = arith.constant 0 : i32
        %dma_start3A_303 = tpu.memref_slice %run_scoped3A[%rem3A_252, %dma_start3A_301, %dma_start3A_302] : memref<2x1x512xi32, #tpu.memory_space<vmem>> -> memref<1x1x512xi32, #tpu.memory_space<vmem>>
        %dma_start3A_304 = tpu.memref_squeeze %dma_start3A_303 : memref<1x1x512xi32, #tpu.memory_space<vmem>> -> memref<1x512xi32, #tpu.memory_space<vmem>>
        %dma_start3A_305 = arith.constant 256 : i32
        %dma_start3A_306 = tpu.memref_slice %dma_start3A_304[%dma_start3A_293, %dma_start3A_305] : memref<1x512xi32, #tpu.memory_space<vmem>> -> memref<1x128xi32, #tpu.memory_space<vmem>>
        %dma_start3A_307 = tpu.memref_squeeze %dma_start3A_306 : memref<1x128xi32, #tpu.memory_space<vmem>> -> memref<128xi32, #tpu.memory_space<vmem>>
        %dma_start3A_308 = arith.constant 0 : i32
        %dma_start3A_309 = arith.constant 0 : i32
        %dma_start3A_310 = tpu.memref_slice %arg2[%dma_start3A_308, %dma_start3A_309] : memref<100000x64xf32, #tpu.memory_space<hbm>> -> memref<100000x64xf32, #tpu.memory_space<hbm>>
        tpu.enqueue_indirect_dma source(%dma_start3A_310 : memref<100000x64xf32, #tpu.memory_space<hbm>>) target(%dma_start3A_300 : memref<128x64xf32, #tpu.memory_space<vmem>>) offsets(%dma_start3A_307 : memref<128xi32, #tpu.memory_space<vmem>>) semaphore(%arg8 : memref<!tpu.dma_semaphore, #tpu.memory_space<semaphore_mem>>)
        %dma_start3A_311 = arith.constant 0 : i32
        %dma_start3A_312 = arith.constant 0 : i32
        %dma_start3A_313 = arith.constant 0 : i32
        %dma_start3A_314 = tpu.memref_slice %run_scoped3A_10[%rem3A_256, %dma_start3A_312, %dma_start3A_313] : memref<2x512x64xf32, #tpu.memory_space<vmem>> -> memref<1x512x64xf32, #tpu.memory_space<vmem>>
        %dma_start3A_315 = tpu.memref_squeeze %dma_start3A_314 : memref<1x512x64xf32, #tpu.memory_space<vmem>> -> memref<512x64xf32, #tpu.memory_space<vmem>>
        %dma_start3A_316 = arith.constant 384 : i32
        %dma_start3A_317 = arith.constant 0 : i32
        %dma_start3A_318 = tpu.memref_slice %dma_start3A_315[%dma_start3A_316, %dma_start3A_317] : memref<512x64xf32, #tpu.memory_space<vmem>> -> memref<128x64xf32, #tpu.memory_space<vmem>>
        %dma_start3A_319 = arith.constant 0 : i32
        %dma_start3A_320 = arith.constant 0 : i32
        %dma_start3A_321 = tpu.memref_slice %run_scoped3A[%rem3A_252, %dma_start3A_319, %dma_start3A_320] : memref<2x1x512xi32, #tpu.memory_space<vmem>> -> memref<1x1x512xi32, #tpu.memory_space<vmem>>
        %dma_start3A_322 = tpu.memref_squeeze %dma_start3A_321 : memref<1x1x512xi32, #tpu.memory_space<vmem>> -> memref<1x512xi32, #tpu.memory_space<vmem>>
        %dma_start3A_323 = arith.constant 384 : i32
        %dma_start3A_324 = tpu.memref_slice %dma_start3A_322[%dma_start3A_311, %dma_start3A_323] : memref<1x512xi32, #tpu.memory_space<vmem>> -> memref<1x128xi32, #tpu.memory_space<vmem>>
        %dma_start3A_325 = tpu.memref_squeeze %dma_start3A_324 : memref<1x128xi32, #tpu.memory_space<vmem>> -> memref<128xi32, #tpu.memory_space<vmem>>
        %dma_start3A_326 = arith.constant 0 : i32
        %dma_start3A_327 = arith.constant 0 : i32
        %dma_start3A_328 = tpu.memref_slice %arg2[%dma_start3A_326, %dma_start3A_327] : memref<100000x64xf32, #tpu.memory_space<hbm>> -> memref<100000x64xf32, #tpu.memory_space<hbm>>
        tpu.enqueue_indirect_dma source(%dma_start3A_328 : memref<100000x64xf32, #tpu.memory_space<hbm>>) target(%dma_start3A_318 : memref<128x64xf32, #tpu.memory_space<vmem>>) offsets(%dma_start3A_325 : memref<128xi32, #tpu.memory_space<vmem>>) semaphore(%arg9 : memref<!tpu.dma_semaphore, #tpu.memory_space<semaphore_mem>>)
        %get3A = arith.constant 0 : i32
        %get3A_329 = arith.constant 0 : i32
        %get3A_330 = arith.constant 0 : i32
        %get3A_331 = tpu.memref_slice %run_scoped3A_8[%rem3A_254, %get3A_329, %get3A_330] : memref<2x1x64xf32, #tpu.memory_space<vmem>> -> memref<1x1x64xf32, #tpu.memory_space<vmem>>
        %get3A_332 = tpu.memref_squeeze %get3A_331 : memref<1x1x64xf32, #tpu.memory_space<vmem>> -> memref<1x64xf32, #tpu.memory_space<vmem>>
        %get3A_333 = arith.index_cast %get3A : i32 to index
        %get3A_334 = arith.constant 0 : index
        %get3A_335 = tpu.vector_load %get3A_332[%get3A_333, %get3A_334] {strides = array<i32>} : memref<1x64xf32, #tpu.memory_space<vmem>>, vector<1x16xf32>,
        %get3A_336 = vector.shape_cast %get3A_335 : vector<1x16xf32> to vector<16xf32>
        %get3A_337 = arith.constant 0 : i32
        %get3A_338 = arith.constant 0 : i32
        %get3A_339 = arith.constant 0 : i32
        %get3A_340 = tpu.memref_slice %run_scoped3A_8[%rem3A_254, %get3A_338, %get3A_339] : memref<2x1x64xf32, #tpu.memory_space<vmem>> -> memref<1x1x64xf32, #tpu.memory_space<vmem>>
        %get3A_341 = tpu.memref_squeeze %get3A_340 : memref<1x1x64xf32, #tpu.memory_space<vmem>> -> memref<1x64xf32, #tpu.memory_space<vmem>>
        %get3A_342 = arith.index_cast %get3A_337 : i32 to index
        %get3A_343 = arith.constant 16 : index
        %get3A_344 = tpu.vector_load %get3A_341[%get3A_342, %get3A_343] {strides = array<i32>} : memref<1x64xf32, #tpu.memory_space<vmem>>, vector<1x16xf32>,
        %get3A_345 = vector.shape_cast %get3A_344 : vector<1x16xf32> to vector<16xf32>
        %get3A_346 = arith.constant 0 : i32
        %get3A_347 = arith.constant 0 : i32
        %get3A_348 = arith.constant 0 : i32
        %get3A_349 = tpu.memref_slice %run_scoped3A_8[%rem3A_254, %get3A_347, %get3A_348] : memref<2x1x64xf32, #tpu.memory_space<vmem>> -> memref<1x1x64xf32, #tpu.memory_space<vmem>>
        %get3A_350 = tpu.memref_squeeze %get3A_349 : memref<1x1x64xf32, #tpu.memory_space<vmem>> -> memref<1x64xf32, #tpu.memory_space<vmem>>
        %get3A_351 = arith.index_cast %get3A_346 : i32 to index
        %get3A_352 = arith.constant 32 : index
        %get3A_353 = tpu.vector_load %get3A_350[%get3A_351, %get3A_352] {strides = array<i32>} : memref<1x64xf32, #tpu.memory_space<vmem>>, vector<1x16xf32>,
        %get3A_354 = vector.shape_cast %get3A_353 : vector<1x16xf32> to vector<16xf32>
        %get3A_355 = arith.constant 0 : i32
        %get3A_356 = arith.constant 0 : i32
        %get3A_357 = arith.constant 0 : i32
        %get3A_358 = tpu.memref_slice %run_scoped3A_8[%rem3A_254, %get3A_356, %get3A_357] : memref<2x1x64xf32, #tpu.memory_space<vmem>> -> memref<1x1x64xf32, #tpu.memory_space<vmem>>
        %get3A_359 = tpu.memref_squeeze %get3A_358 : memref<1x1x64xf32, #tpu.memory_space<vmem>> -> memref<1x64xf32, #tpu.memory_space<vmem>>
        %get3A_360 = arith.index_cast %get3A_355 : i32 to index
        %get3A_361 = arith.constant 48 : index
        %get3A_362 = tpu.vector_load %get3A_359[%get3A_360, %get3A_361] {strides = array<i32>} : memref<1x64xf32, #tpu.memory_space<vmem>>, vector<1x16xf32>,
        %get3A_363 = vector.shape_cast %get3A_362 : vector<1x16xf32> to vector<16xf32>
        %dma_wait3A_364 = arith.constant 0 : i32
        %dma_wait3A_365 = arith.constant 0 : i32
        %dma_wait3A_366 = arith.constant 0 : i32
        %dma_wait3A_367 = tpu.memref_slice %run_scoped3A_10[%rem3A_256, %dma_wait3A_365, %dma_wait3A_366] : memref<2x512x64xf32, #tpu.memory_space<vmem>> -> memref<1x512x64xf32, #tpu.memory_space<vmem>>
        %dma_wait3A_368 = tpu.memref_squeeze %dma_wait3A_367 : memref<1x512x64xf32, #tpu.memory_space<vmem>> -> memref<512x64xf32, #tpu.memory_space<vmem>>
        %dma_wait3A_369 = arith.constant 0 : i32
        %dma_wait3A_370 = arith.constant 0 : i32
        %dma_wait3A_371 = tpu.memref_slice %dma_wait3A_368[%dma_wait3A_369, %dma_wait3A_370] : memref<512x64xf32, #tpu.memory_space<vmem>> -> memref<128x64xf32, #tpu.memory_space<vmem>>
        %dma_wait3A_372 = arith.constant 0 : i32
        %dma_wait3A_373 = arith.constant 0 : i32
        %dma_wait3A_374 = tpu.memref_slice %run_scoped3A[%rem3A_252, %dma_wait3A_372, %dma_wait3A_373] : memref<2x1x512xi32, #tpu.memory_space<vmem>> -> memref<1x1x512xi32, #tpu.memory_space<vmem>>
        %dma_wait3A_375 = tpu.memref_squeeze %dma_wait3A_374 : memref<1x1x512xi32, #tpu.memory_space<vmem>> -> memref<1x512xi32, #tpu.memory_space<vmem>>
        %dma_wait3A_376 = arith.constant 0 : i32
        %dma_wait3A_377 = tpu.memref_slice %dma_wait3A_375[%dma_wait3A_364, %dma_wait3A_376] : memref<1x512xi32, #tpu.memory_space<vmem>> -> memref<1x128xi32, #tpu.memory_space<vmem>>
        %dma_wait3A_378 = tpu.memref_squeeze %dma_wait3A_377 : memref<1x128xi32, #tpu.memory_space<vmem>> -> memref<128xi32, #tpu.memory_space<vmem>>
        %dma_wait3A_379 = arith.constant 0 : i32
        %dma_wait3A_380 = arith.constant 0 : i32
        %dma_wait3A_381 = tpu.memref_slice %arg2[%dma_wait3A_379, %dma_wait3A_380] : memref<100000x64xf32, #tpu.memory_space<hbm>> -> memref<100000x64xf32, #tpu.memory_space<hbm>>
        tpu.wait_indirect_dma semaphore(%arg6 : memref<!tpu.dma_semaphore, #tpu.memory_space<semaphore_mem>>) src(%dma_wait3A_381 : memref<100000x64xf32, #tpu.memory_space<hbm>>) dst(%dma_wait3A_371 : memref<128x64xf32, #tpu.memory_space<vmem>>)
        %scan3A_382 = arith.constant 0 : i32
        %scan3A_383 = arith.constant 128 : i32
        %scan3A_384 = arith.addi %scan3A_382, %scan3A_383 : i32
        %scan3A_385 = arith.constant 8 : i32
        scf.for %scan3A_554 = %scan3A_382 to %scan3A_384 step %scan3A_385  : i32 {
          %mul3A_555 = arith.constant 1 : i32
          %mul3A_556 = arith.muli %scan3A_554, %mul3A_555 : i32
          %add3A_557 = arith.constant 0 : i32
          %add3A_558 = arith.addi %add3A_557, %mul3A_556 : i32
          %swap3A = arith.constant 0 : i32
          %swap3A_559 = arith.constant 0 : i32
          %swap3A_560 = tpu.memref_slice %run_scoped3A_10[%rem3A_256, %swap3A, %swap3A_559] : memref<2x512x64xf32, #tpu.memory_space<vmem>> -> memref<1x512x64xf32, #tpu.memory_space<vmem>>
          %swap3A_561 = tpu.memref_squeeze %swap3A_560 : memref<1x512x64xf32, #tpu.memory_space<vmem>> -> memref<512x64xf32, #tpu.memory_space<vmem>>
          %swap3A_562 = arith.index_cast %add3A_558 : i32 to index
          %swap3A_563 = arith.constant 0 : index
          %swap3A_564 = tpu.vector_load %swap3A_561[%swap3A_562, %swap3A_563] {strides = array<i32>} : memref<512x64xf32, #tpu.memory_space<vmem>>, vector<1x16xf32>,
          %swap3A_565 = vector.shape_cast %swap3A_564 : vector<1x16xf32> to vector<16xf32>
          %swap3A_566 = vector.shape_cast %get3A_336 : vector<16xf32> to vector<1x16xf32>
          tpu.vector_store %swap3A_561[%swap3A_562, %swap3A_563], %swap3A_566 {add = true, strides = array<i32>} : memref<512x64xf32, #tpu.memory_space<vmem>>, vector<1x16xf32>,
          %swap3A_567 = arith.constant 0 : i32
          %swap3A_568 = arith.constant 0 : i32
          %swap3A_569 = tpu.memref_slice %run_scoped3A_10[%rem3A_256, %swap3A_567, %swap3A_568] : memref<2x512x64xf32, #tpu.memory_space<vmem>> -> memref<1x512x64xf32, #tpu.memory_space<vmem>>
          %swap3A_570 = tpu.memref_squeeze %swap3A_569 : memref<1x512x64xf32, #tpu.memory_space<vmem>> -> memref<512x64xf32, #tpu.memory_space<vmem>>
          %swap3A_571 = arith.index_cast %add3A_558 : i32 to index
          %swap3A_572 = arith.constant 16 : index
          %swap3A_573 = tpu.vector_load %swap3A_570[%swap3A_571, %swap3A_572] {strides = array<i32>} : memref<512x64xf32, #tpu.memory_space<vmem>>, vector<1x16xf32>,
          %swap3A_574 = vector.shape_cast %swap3A_573 : vector<1x16xf32> to vector<16xf32>
          %swap3A_575 = vector.shape_cast %get3A_345 : vector<16xf32> to vector<1x16xf32>
          tpu.vector_store %swap3A_570[%swap3A_571, %swap3A_572], %swap3A_575 {add = true, strides = array<i32>} : memref<512x64xf32, #tpu.memory_space<vmem>>, vector<1x16xf32>,
          %swap3A_576 = arith.constant 0 : i32
          %swap3A_577 = arith.constant 0 : i32
          %swap3A_578 = tpu.memref_slice %run_scoped3A_10[%rem3A_256, %swap3A_576, %swap3A_577] : memref<2x512x64xf32, #tpu.memory_space<vmem>> -> memref<1x512x64xf32, #tpu.memory_space<vmem>>
          %swap3A_579 = tpu.memref_squeeze %swap3A_578 : memref<1x512x64xf32, #tpu.memory_space<vmem>> -> memref<512x64xf32, #tpu.memory_space<vmem>>
          %swap3A_580 = arith.index_cast %add3A_558 : i32 to index
          %swap3A_581 = arith.constant 32 : index
          %swap3A_582 = tpu.vector_load %swap3A_579[%swap3A_580, %swap3A_581] {strides = array<i32>} : memref<512x64xf32, #tpu.memory_space<vmem>>, vector<1x16xf32>,
          %swap3A_583 = vector.shape_cast %swap3A_582 : vector<1x16xf32> to vector<16xf32>
          %swap3A_584 = vector.shape_cast %get3A_354 : vector<16xf32> to vector<1x16xf32>
          tpu.vector_store %swap3A_579[%swap3A_580, %swap3A_581], %swap3A_584 {add = true, strides = array<i32>} : memref<512x64xf32, #tpu.memory_space<vmem>>, vector<1x16xf32>,
          %swap3A_585 = arith.constant 0 : i32
          %swap3A_586 = arith.constant 0 : i32
          %swap3A_587 = tpu.memref_slice %run_scoped3A_10[%rem3A_256, %swap3A_585, %swap3A_586] : memref<2x512x64xf32, #tpu.memory_space<vmem>> -> memref<1x512x64xf32, #tpu.memory_space<vmem>>
          %swap3A_588 = tpu.memref_squeeze %swap3A_587 : memref<1x512x64xf32, #tpu.memory_space<vmem>> -> memref<512x64xf32, #tpu.memory_space<vmem>>
          %swap3A_589 = arith.index_cast %add3A_558 : i32 to index
          %swap3A_590 = arith.constant 48 : index
          %swap3A_591 = tpu.vector_load %swap3A_588[%swap3A_589, %swap3A_590] {strides = array<i32>} : memref<512x64xf32, #tpu.memory_space<vmem>>, vector<1x16xf32>,
          %swap3A_592 = vector.shape_cast %swap3A_591 : vector<1x16xf32> to vector<16xf32>
          %swap3A_593 = vector.shape_cast %get3A_363 : vector<16xf32> to vector<1x16xf32>
          tpu.vector_store %swap3A_588[%swap3A_589, %swap3A_590], %swap3A_593 {add = true, strides = array<i32>} : memref<512x64xf32, #tpu.memory_space<vmem>>, vector<1x16xf32>,
          %scan3A_594 = arith.constant 1 : i32
          %scan3A_595 = arith.addi %scan3A_554, %scan3A_594 : i32
          %mul3A_596 = arith.constant 1 : i32
          %mul3A_597 = arith.muli %scan3A_595, %mul3A_596 : i32
          %add3A_598 = arith.constant 0 : i32
          %add3A_599 = arith.addi %add3A_598, %mul3A_597 : i32
          %swap3A_600 = arith.constant 0 : i32
          %swap3A_601 = arith.constant 0 : i32
          %swap3A_602 = tpu.memref_slice %run_scoped3A_10[%rem3A_256, %swap3A_600, %swap3A_601] : memref<2x512x64xf32, #tpu.memory_space<vmem>> -> memref<1x512x64xf32, #tpu.memory_space<vmem>>
          %swap3A_603 = tpu.memref_squeeze %swap3A_602 : memref<1x512x64xf32, #tpu.memory_space<vmem>> -> memref<512x64xf32, #tpu.memory_space<vmem>>
          %swap3A_604 = arith.index_cast %add3A_599 : i32 to index
          %swap3A_605 = arith.constant 0 : index
          %swap3A_606 = tpu.vector_load %swap3A_603[%swap3A_604, %swap3A_605] {strides = array<i32>} : memref<512x64xf32, #tpu.memory_space<vmem>>, vector<1x16xf32>,
          %swap3A_607 = vector.shape_cast %swap3A_606 : vector<1x16xf32> to vector<16xf32>
          %swap3A_608 = vector.shape_cast %get3A_336 : vector<16xf32> to vector<1x16xf32>
          tpu.vector_store %swap3A_603[%swap3A_604, %swap3A_605], %swap3A_608 {add = true, strides = array<i32>} : memref<512x64xf32, #tpu.memory_space<vmem>>, vector<1x16xf32>,
          %swap3A_609 = arith.constant 0 : i32
          %swap3A_610 = arith.constant 0 : i32
          %swap3A_611 = tpu.memref_slice %run_scoped3A_10[%rem3A_256, %swap3A_609, %swap3A_610] : memref<2x512x64xf32, #tpu.memory_space<vmem>> -> memref<1x512x64xf32, #tpu.memory_space<vmem>>
          %swap3A_612 = tpu.memref_squeeze %swap3A_611 : memref<1x512x64xf32, #tpu.memory_space<vmem>> -> memref<512x64xf32, #tpu.memory_space<vmem>>
          %swap3A_613 = arith.index_cast %add3A_599 : i32 to index
          %swap3A_614 = arith.constant 16 : index
          %swap3A_615 = tpu.vector_load %swap3A_612[%swap3A_613, %swap3A_614] {strides = array<i32>} : memref<512x64xf32, #tpu.memory_space<vmem>>, vector<1x16xf32>,
          %swap3A_616 = vector.shape_cast %swap3A_615 : vector<1x16xf32> to vector<16xf32>
          %swap3A_617 = vector.shape_cast %get3A_345 : vector<16xf32> to vector<1x16xf32>
          tpu.vector_store %swap3A_612[%swap3A_613, %swap3A_614], %swap3A_617 {add = true, strides = array<i32>} : memref<512x64xf32, #tpu.memory_space<vmem>>, vector<1x16xf32>,
          %swap3A_618 = arith.constant 0 : i32
          %swap3A_619 = arith.constant 0 : i32
          %swap3A_620 = tpu.memref_slice %run_scoped3A_10[%rem3A_256, %swap3A_618, %swap3A_619] : memref<2x512x64xf32, #tpu.memory_space<vmem>> -> memref<1x512x64xf32, #tpu.memory_space<vmem>>
          %swap3A_621 = tpu.memref_squeeze %swap3A_620 : memref<1x512x64xf32, #tpu.memory_space<vmem>> -> memref<512x64xf32, #tpu.memory_space<vmem>>
          %swap3A_622 = arith.index_cast %add3A_599 : i32 to index
          %swap3A_623 = arith.constant 32 : index
          %swap3A_624 = tpu.vector_load %swap3A_621[%swap3A_622, %swap3A_623] {strides = array<i32>} : memref<512x64xf32, #tpu.memory_space<vmem>>, vector<1x16xf32>,
          %swap3A_625 = vector.shape_cast %swap3A_624 : vector<1x16xf32> to vector<16xf32>
          %swap3A_626 = vector.shape_cast %get3A_354 : vector<16xf32> to vector<1x16xf32>
          tpu.vector_store %swap3A_621[%swap3A_622, %swap3A_623], %swap3A_626 {add = true, strides = array<i32>} : memref<512x64xf32, #tpu.memory_space<vmem>>, vector<1x16xf32>,
          %swap3A_627 = arith.constant 0 : i32
          %swap3A_628 = arith.constant 0 : i32
          %swap3A_629 = tpu.memref_slice %run_scoped3A_10[%rem3A_256, %swap3A_627, %swap3A_628] : memref<2x512x64xf32, #tpu.memory_space<vmem>> -> memref<1x512x64xf32, #tpu.memory_space<vmem>>
          %swap3A_630 = tpu.memref_squeeze %swap3A_629 : memref<1x512x64xf32, #tpu.memory_space<vmem>> -> memref<512x64xf32, #tpu.memory_space<vmem>>
          %swap3A_631 = arith.index_cast %add3A_599 : i32 to index
          %swap3A_632 = arith.constant 48 : index
          %swap3A_633 = tpu.vector_load %swap3A_630[%swap3A_631, %swap3A_632] {strides = array<i32>} : memref<512x64xf32, #tpu.memory_space<vmem>>, vector<1x16xf32>,
          %swap3A_634 = vector.shape_cast %swap3A_633 : vector<1x16xf32> to vector<16xf32>
          %swap3A_635 = vector.shape_cast %get3A_363 : vector<16xf32> to vector<1x16xf32>
          tpu.vector_store %swap3A_630[%swap3A_631, %swap3A_632], %swap3A_635 {add = true, strides = array<i32>} : memref<512x64xf32, #tpu.memory_space<vmem>>, vector<1x16xf32>,
          %scan3A_636 = arith.constant 2 : i32
          %scan3A_637 = arith.addi %scan3A_554, %scan3A_636 : i32
          %mul3A_638 = arith.constant 1 : i32
          %mul3A_639 = arith.muli %scan3A_637, %mul3A_638 : i32
          %add3A_640 = arith.constant 0 : i32
          %add3A_641 = arith.addi %add3A_640, %mul3A_639 : i32
          %swap3A_642 = arith.constant 0 : i32
          %swap3A_643 = arith.constant 0 : i32
          %swap3A_644 = tpu.memref_slice %run_scoped3A_10[%rem3A_256, %swap3A_642, %swap3A_643] : memref<2x512x64xf32, #tpu.memory_space<vmem>> -> memref<1x512x64xf32, #tpu.memory_space<vmem>>
          %swap3A_645 = tpu.memref_squeeze %swap3A_644 : memref<1x512x64xf32, #tpu.memory_space<vmem>> -> memref<512x64xf32, #tpu.memory_space<vmem>>
          %swap3A_646 = arith.index_cast %add3A_641 : i32 to index
          %swap3A_647 = arith.constant 0 : index
          %swap3A_648 = tpu.vector_load %swap3A_645[%swap3A_646, %swap3A_647] {strides = array<i32>} : memref<512x64xf32, #tpu.memory_space<vmem>>, vector<1x16xf32>,
          %swap3A_649 = vector.shape_cast %swap3A_648 : vector<1x16xf32> to vector<16xf32>
          %swap3A_650 = vector.shape_cast %get3A_336 : vector<16xf32> to vector<1x16xf32>
          tpu.vector_store %swap3A_645[%swap3A_646, %swap3A_647], %swap3A_650 {add = true, strides = array<i32>} : memref<512x64xf32, #tpu.memory_space<vmem>>, vector<1x16xf32>,
          %swap3A_651 = arith.constant 0 : i32
          %swap3A_652 = arith.constant 0 : i32
          %swap3A_653 = tpu.memref_slice %run_scoped3A_10[%rem3A_256, %swap3A_651, %swap3A_652] : memref<2x512x64xf32, #tpu.memory_space<vmem>> -> memref<1x512x64xf32, #tpu.memory_space<vmem>>
          %swap3A_654 = tpu.memref_squeeze %swap3A_653 : memref<1x512x64xf32, #tpu.memory_space<vmem>> -> memref<512x64xf32, #tpu.memory_space<vmem>>
          %swap3A_655 = arith.index_cast %add3A_641 : i32 to index
          %swap3A_656 = arith.constant 16 : index
          %swap3A_657 = tpu.vector_load %swap3A_654[%swap3A_655, %swap3A_656] {strides = array<i32>} : memref<512x64xf32, #tpu.memory_space<vmem>>, vector<1x16xf32>,
          %swap3A_658 = vector.shape_cast %swap3A_657 : vector<1x16xf32> to vector<16xf32>
          %swap3A_659 = vector.shape_cast %get3A_345 : vector<16xf32> to vector<1x16xf32>
          tpu.vector_store %swap3A_654[%swap3A_655, %swap3A_656], %swap3A_659 {add = true, strides = array<i32>} : memref<512x64xf32, #tpu.memory_space<vmem>>, vector<1x16xf32>,
          %swap3A_660 = arith.constant 0 : i32
          %swap3A_661 = arith.constant 0 : i32
          %swap3A_662 = tpu.memref_slice %run_scoped3A_10[%rem3A_256, %swap3A_660, %swap3A_661] : memref<2x512x64xf32, #tpu.memory_space<vmem>> -> memref<1x512x64xf32, #tpu.memory_space<vmem>>
          %swap3A_663 = tpu.memref_squeeze %swap3A_662 : memref<1x512x64xf32, #tpu.memory_space<vmem>> -> memref<512x64xf32, #tpu.memory_space<vmem>>
          %swap3A_664 = arith.index_cast %add3A_641 : i32 to index
          %swap3A_665 = arith.constant 32 : index
          %swap3A_666 = tpu.vector_load %swap3A_663[%swap3A_664, %swap3A_665] {strides = array<i32>} : memref<512x64xf32, #tpu.memory_space<vmem>>, vector<1x16xf32>,
          %swap3A_667 = vector.shape_cast %swap3A_666 : vector<1x16xf32> to vector<16xf32>
          %swap3A_668 = vector.shape_cast %get3A_354 : vector<16xf32> to vector<1x16xf32>
          tpu.vector_store %swap3A_663[%swap3A_664, %swap3A_665], %swap3A_668 {add = true, strides = array<i32>} : memref<512x64xf32, #tpu.memory_space<vmem>>, vector<1x16xf32>,
          %swap3A_669 = arith.constant 0 : i32
          %swap3A_670 = arith.constant 0 : i32
          %swap3A_671 = tpu.memref_slice %run_scoped3A_10[%rem3A_256, %swap3A_669, %swap3A_670] : memref<2x512x64xf32, #tpu.memory_space<vmem>> -> memref<1x512x64xf32, #tpu.memory_space<vmem>>
          %swap3A_672 = tpu.memref_squeeze %swap3A_671 : memref<1x512x64xf32, #tpu.memory_space<vmem>> -> memref<512x64xf32, #tpu.memory_space<vmem>>
          %swap3A_673 = arith.index_cast %add3A_641 : i32 to index
          %swap3A_674 = arith.constant 48 : index
          %swap3A_675 = tpu.vector_load %swap3A_672[%swap3A_673, %swap3A_674] {strides = array<i32>} : memref<512x64xf32, #tpu.memory_space<vmem>>, vector<1x16xf32>,
          %swap3A_676 = vector.shape_cast %swap3A_675 : vector<1x16xf32> to vector<16xf32>
          %swap3A_677 = vector.shape_cast %get3A_363 : vector<16xf32> to vector<1x16xf32>
          tpu.vector_store %swap3A_672[%swap3A_673, %swap3A_674], %swap3A_677 {add = true, strides = array<i32>} : memref<512x64xf32, #tpu.memory_space<vmem>>, vector<1x16xf32>,
          %scan3A_678 = arith.constant 3 : i32
          %scan3A_679 = arith.addi %scan3A_554, %scan3A_678 : i32
          %mul3A_680 = arith.constant 1 : i32
          %mul3A_681 = arith.muli %scan3A_679, %mul3A_680 : i32
          %add3A_682 = arith.constant 0 : i32
          %add3A_683 = arith.addi %add3A_682, %mul3A_681 : i32
          %swap3A_684 = arith.constant 0 : i32
          %swap3A_685 = arith.constant 0 : i32
          %swap3A_686 = tpu.memref_slice %run_scoped3A_10[%rem3A_256, %swap3A_684, %swap3A_685] : memref<2x512x64xf32, #tpu.memory_space<vmem>> -> memref<1x512x64xf32, #tpu.memory_space<vmem>>
          %swap3A_687 = tpu.memref_squeeze %swap3A_686 : memref<1x512x64xf32, #tpu.memory_space<vmem>> -> memref<512x64xf32, #tpu.memory_space<vmem>>
          %swap3A_688 = arith.index_cast %add3A_683 : i32 to index
          %swap3A_689 = arith.constant 0 : index
          %swap3A_690 = tpu.vector_load %swap3A_687[%swap3A_688, %swap3A_689] {strides = array<i32>} : memref<512x64xf32, #tpu.memory_space<vmem>>, vector<1x16xf32>,
          %swap3A_691 = vector.shape_cast %swap3A_690 : vector<1x16xf32> to vector<16xf32>
          %swap3A_692 = vector.shape_cast %get3A_336 : vector<16xf32> to vector<1x16xf32>
          tpu.vector_store %swap3A_687[%swap3A_688, %swap3A_689], %swap3A_692 {add = true, strides = array<i32>} : memref<512x64xf32, #tpu.memory_space<vmem>>, vector<1x16xf32>,
          %swap3A_693 = arith.constant 0 : i32
          %swap3A_694 = arith.constant 0 : i32
          %swap3A_695 = tpu.memref_slice %run_scoped3A_10[%rem3A_256, %swap3A_693, %swap3A_694] : memref<2x512x64xf32, #tpu.memory_space<vmem>> -> memref<1x512x64xf32, #tpu.memory_space<vmem>>
          %swap3A_696 = tpu.memref_squeeze %swap3A_695 : memref<1x512x64xf32, #tpu.memory_space<vmem>> -> memref<512x64xf32, #tpu.memory_space<vmem>>
          %swap3A_697 = arith.index_cast %add3A_683 : i32 to index
          %swap3A_698 = arith.constant 16 : index
          %swap3A_699 = tpu.vector_load %swap3A_696[%swap3A_697, %swap3A_698] {strides = array<i32>} : memref<512x64xf32, #tpu.memory_space<vmem>>, vector<1x16xf32>,
          %swap3A_700 = vector.shape_cast %swap3A_699 : vector<1x16xf32> to vector<16xf32>
          %swap3A_701 = vector.shape_cast %get3A_345 : vector<16xf32> to vector<1x16xf32>
          tpu.vector_store %swap3A_696[%swap3A_697, %swap3A_698], %swap3A_701 {add = true, strides = array<i32>} : memref<512x64xf32, #tpu.memory_space<vmem>>, vector<1x16xf32>,
          %swap3A_702 = arith.constant 0 : i32
          %swap3A_703 = arith.constant 0 : i32
          %swap3A_704 = tpu.memref_slice %run_scoped3A_10[%rem3A_256, %swap3A_702, %swap3A_703] : memref<2x512x64xf32, #tpu.memory_space<vmem>> -> memref<1x512x64xf32, #tpu.memory_space<vmem>>
          %swap3A_705 = tpu.memref_squeeze %swap3A_704 : memref<1x512x64xf32, #tpu.memory_space<vmem>> -> memref<512x64xf32, #tpu.memory_space<vmem>>
          %swap3A_706 = arith.index_cast %add3A_683 : i32 to index
          %swap3A_707 = arith.constant 32 : index
          %swap3A_708 = tpu.vector_load %swap3A_705[%swap3A_706, %swap3A_707] {strides = array<i32>} : memref<512x64xf32, #tpu.memory_space<vmem>>, vector<1x16xf32>,
          %swap3A_709 = vector.shape_cast %swap3A_708 : vector<1x16xf32> to vector<16xf32>
          %swap3A_710 = vector.shape_cast %get3A_354 : vector<16xf32> to vector<1x16xf32>
          tpu.vector_store %swap3A_705[%swap3A_706, %swap3A_707], %swap3A_710 {add = true, strides = array<i32>} : memref<512x64xf32, #tpu.memory_space<vmem>>, vector<1x16xf32>,
          %swap3A_711 = arith.constant 0 : i32
          %swap3A_712 = arith.constant 0 : i32
          %swap3A_713 = tpu.memref_slice %run_scoped3A_10[%rem3A_256, %swap3A_711, %swap3A_712] : memref<2x512x64xf32, #tpu.memory_space<vmem>> -> memref<1x512x64xf32, #tpu.memory_space<vmem>>
          %swap3A_714 = tpu.memref_squeeze %swap3A_713 : memref<1x512x64xf32, #tpu.memory_space<vmem>> -> memref<512x64xf32, #tpu.memory_space<vmem>>
          %swap3A_715 = arith.index_cast %add3A_683 : i32 to index
          %swap3A_716 = arith.constant 48 : index
          %swap3A_717 = tpu.vector_load %swap3A_714[%swap3A_715, %swap3A_716] {strides = array<i32>} : memref<512x64xf32, #tpu.memory_space<vmem>>, vector<1x16xf32>,
          %swap3A_718 = vector.shape_cast %swap3A_717 : vector<1x16xf32> to vector<16xf32>
          %swap3A_719 = vector.shape_cast %get3A_363 : vector<16xf32> to vector<1x16xf32>
          tpu.vector_store %swap3A_714[%swap3A_715, %swap3A_716], %swap3A_719 {add = true, strides = array<i32>} : memref<512x64xf32, #tpu.memory_space<vmem>>, vector<1x16xf32>,
          %scan3A_720 = arith.constant 4 : i32
          %scan3A_721 = arith.addi %scan3A_554, %scan3A_720 : i32
          %mul3A_722 = arith.constant 1 : i32
          %mul3A_723 = arith.muli %scan3A_721, %mul3A_722 : i32
          %add3A_724 = arith.constant 0 : i32
          %add3A_725 = arith.addi %add3A_724, %mul3A_723 : i32
          %swap3A_726 = arith.constant 0 : i32
          %swap3A_727 = arith.constant 0 : i32
          %swap3A_728 = tpu.memref_slice %run_scoped3A_10[%rem3A_256, %swap3A_726, %swap3A_727] : memref<2x512x64xf32, #tpu.memory_space<vmem>> -> memref<1x512x64xf32, #tpu.memory_space<vmem>>
          %swap3A_729 = tpu.memref_squeeze %swap3A_728 : memref<1x512x64xf32, #tpu.memory_space<vmem>> -> memref<512x64xf32, #tpu.memory_space<vmem>>
          %swap3A_730 = arith.index_cast %add3A_725 : i32 to index
          %swap3A_731 = arith.constant 0 : index
          %swap3A_732 = tpu.vector_load %swap3A_729[%swap3A_730, %swap3A_731] {strides = array<i32>} : memref<512x64xf32, #tpu.memory_space<vmem>>, vector<1x16xf32>,
          %swap3A_733 = vector.shape_cast %swap3A_732 : vector<1x16xf32> to vector<16xf32>
          %swap3A_734 = vector.shape_cast %get3A_336 : vector<16xf32> to vector<1x16xf32>
          tpu.vector_store %swap3A_729[%swap3A_730, %swap3A_731], %swap3A_734 {add = true, strides = array<i32>} : memref<512x64xf32, #tpu.memory_space<vmem>>, vector<1x16xf32>,
          %swap3A_735 = arith.constant 0 : i32
          %swap3A_736 = arith.constant 0 : i32
          %swap3A_737 = tpu.memref_slice %run_scoped3A_10[%rem3A_256, %swap3A_735, %swap3A_736] : memref<2x512x64xf32, #tpu.memory_space<vmem>> -> memref<1x512x64xf32, #tpu.memory_space<vmem>>
          %swap3A_738 = tpu.memref_squeeze %swap3A_737 : memref<1x512x64xf32, #tpu.memory_space<vmem>> -> memref<512x64xf32, #tpu.memory_space<vmem>>
          %swap3A_739 = arith.index_cast %add3A_725 : i32 to index
          %swap3A_740 = arith.constant 16 : index
          %swap3A_741 = tpu.vector_load %swap3A_738[%swap3A_739, %swap3A_740] {strides = array<i32>} : memref<512x64xf32, #tpu.memory_space<vmem>>, vector<1x16xf32>,
          %swap3A_742 = vector.shape_cast %swap3A_741 : vector<1x16xf32> to vector<16xf32>
          %swap3A_743 = vector.shape_cast %get3A_345 : vector<16xf32> to vector<1x16xf32>
          tpu.vector_store %swap3A_738[%swap3A_739, %swap3A_740], %swap3A_743 {add = true, strides = array<i32>} : memref<512x64xf32, #tpu.memory_space<vmem>>, vector<1x16xf32>,
          %swap3A_744 = arith.constant 0 : i32
          %swap3A_745 = arith.constant 0 : i32
          %swap3A_746 = tpu.memref_slice %run_scoped3A_10[%rem3A_256, %swap3A_744, %swap3A_745] : memref<2x512x64xf32, #tpu.memory_space<vmem>> -> memref<1x512x64xf32, #tpu.memory_space<vmem>>
          %swap3A_747 = tpu.memref_squeeze %swap3A_746 : memref<1x512x64xf32, #tpu.memory_space<vmem>> -> memref<512x64xf32, #tpu.memory_space<vmem>>
          %swap3A_748 = arith.index_cast %add3A_725 : i32 to index
          %swap3A_749 = arith.constant 32 : index
          %swap3A_750 = tpu.vector_load %swap3A_747[%swap3A_748, %swap3A_749] {strides = array<i32>} : memref<512x64xf32, #tpu.memory_space<vmem>>, vector<1x16xf32>,
          %swap3A_751 = vector.shape_cast %swap3A_750 : vector<1x16xf32> to vector<16xf32>
          %swap3A_752 = vector.shape_cast %get3A_354 : vector<16xf32> to vector<1x16xf32>
          tpu.vector_store %swap3A_747[%swap3A_748, %swap3A_749], %swap3A_752 {add = true, strides = array<i32>} : memref<512x64xf32, #tpu.memory_space<vmem>>, vector<1x16xf32>,
          %swap3A_753 = arith.constant 0 : i32
          %swap3A_754 = arith.constant 0 : i32
          %swap3A_755 = tpu.memref_slice %run_scoped3A_10[%rem3A_256, %swap3A_753, %swap3A_754] : memref<2x512x64xf32, #tpu.memory_space<vmem>> -> memref<1x512x64xf32, #tpu.memory_space<vmem>>
          %swap3A_756 = tpu.memref_squeeze %swap3A_755 : memref<1x512x64xf32, #tpu.memory_space<vmem>> -> memref<512x64xf32, #tpu.memory_space<vmem>>
          %swap3A_757 = arith.index_cast %add3A_725 : i32 to index
          %swap3A_758 = arith.constant 48 : index
          %swap3A_759 = tpu.vector_load %swap3A_756[%swap3A_757, %swap3A_758] {strides = array<i32>} : memref<512x64xf32, #tpu.memory_space<vmem>>, vector<1x16xf32>,
          %swap3A_760 = vector.shape_cast %swap3A_759 : vector<1x16xf32> to vector<16xf32>
          %swap3A_761 = vector.shape_cast %get3A_363 : vector<16xf32> to vector<1x16xf32>
          tpu.vector_store %swap3A_756[%swap3A_757, %swap3A_758], %swap3A_761 {add = true, strides = array<i32>} : memref<512x64xf32, #tpu.memory_space<vmem>>, vector<1x16xf32>,
          %scan3A_762 = arith.constant 5 : i32
          %scan3A_763 = arith.addi %scan3A_554, %scan3A_762 : i32
          %mul3A_764 = arith.constant 1 : i32
          %mul3A_765 = arith.muli %scan3A_763, %mul3A_764 : i32
          %add3A_766 = arith.constant 0 : i32
          %add3A_767 = arith.addi %add3A_766, %mul3A_765 : i32
          %swap3A_768 = arith.constant 0 : i32
          %swap3A_769 = arith.constant 0 : i32
          %swap3A_770 = tpu.memref_slice %run_scoped3A_10[%rem3A_256, %swap3A_768, %swap3A_769] : memref<2x512x64xf32, #tpu.memory_space<vmem>> -> memref<1x512x64xf32, #tpu.memory_space<vmem>>
          %swap3A_771 = tpu.memref_squeeze %swap3A_770 : memref<1x512x64xf32, #tpu.memory_space<vmem>> -> memref<512x64xf32, #tpu.memory_space<vmem>>
          %swap3A_772 = arith.index_cast %add3A_767 : i32 to index
          %swap3A_773 = arith.constant 0 : index
          %swap3A_774 = tpu.vector_load %swap3A_771[%swap3A_772, %swap3A_773] {strides = array<i32>} : memref<512x64xf32, #tpu.memory_space<vmem>>, vector<1x16xf32>,
          %swap3A_775 = vector.shape_cast %swap3A_774 : vector<1x16xf32> to vector<16xf32>
          %swap3A_776 = vector.shape_cast %get3A_336 : vector<16xf32> to vector<1x16xf32>
          tpu.vector_store %swap3A_771[%swap3A_772, %swap3A_773], %swap3A_776 {add = true, strides = array<i32>} : memref<512x64xf32, #tpu.memory_space<vmem>>, vector<1x16xf32>,
          %swap3A_777 = arith.constant 0 : i32
          %swap3A_778 = arith.constant 0 : i32
          %swap3A_779 = tpu.memref_slice %run_scoped3A_10[%rem3A_256, %swap3A_777, %swap3A_778] : memref<2x512x64xf32, #tpu.memory_space<vmem>> -> memref<1x512x64xf32, #tpu.memory_space<vmem>>
          %swap3A_780 = tpu.memref_squeeze %swap3A_779 : memref<1x512x64xf32, #tpu.memory_space<vmem>> -> memref<512x64xf32, #tpu.memory_space<vmem>>
          %swap3A_781 = arith.index_cast %add3A_767 : i32 to index
          %swap3A_782 = arith.constant 16 : index
          %swap3A_783 = tpu.vector_load %swap3A_780[%swap3A_781, %swap3A_782] {strides = array<i32>} : memref<512x64xf32, #tpu.memory_space<vmem>>, vector<1x16xf32>,
          %swap3A_784 = vector.shape_cast %swap3A_783 : vector<1x16xf32> to vector<16xf32>
          %swap3A_785 = vector.shape_cast %get3A_345 : vector<16xf32> to vector<1x16xf32>
          tpu.vector_store %swap3A_780[%swap3A_781, %swap3A_782], %swap3A_785 {add = true, strides = array<i32>} : memref<512x64xf32, #tpu.memory_space<vmem>>, vector<1x16xf32>,
          %swap3A_786 = arith.constant 0 : i32
          %swap3A_787 = arith.constant 0 : i32
          %swap3A_788 = tpu.memref_slice %run_scoped3A_10[%rem3A_256, %swap3A_786, %swap3A_787] : memref<2x512x64xf32, #tpu.memory_space<vmem>> -> memref<1x512x64xf32, #tpu.memory_space<vmem>>
          %swap3A_789 = tpu.memref_squeeze %swap3A_788 : memref<1x512x64xf32, #tpu.memory_space<vmem>> -> memref<512x64xf32, #tpu.memory_space<vmem>>
          %swap3A_790 = arith.index_cast %add3A_767 : i32 to index
          %swap3A_791 = arith.constant 32 : index
          %swap3A_792 = tpu.vector_load %swap3A_789[%swap3A_790, %swap3A_791] {strides = array<i32>} : memref<512x64xf32, #tpu.memory_space<vmem>>, vector<1x16xf32>,
          %swap3A_793 = vector.shape_cast %swap3A_792 : vector<1x16xf32> to vector<16xf32>
          %swap3A_794 = vector.shape_cast %get3A_354 : vector<16xf32> to vector<1x16xf32>
          tpu.vector_store %swap3A_789[%swap3A_790, %swap3A_791], %swap3A_794 {add = true, strides = array<i32>} : memref<512x64xf32, #tpu.memory_space<vmem>>, vector<1x16xf32>,
          %swap3A_795 = arith.constant 0 : i32
          %swap3A_796 = arith.constant 0 : i32
          %swap3A_797 = tpu.memref_slice %run_scoped3A_10[%rem3A_256, %swap3A_795, %swap3A_796] : memref<2x512x64xf32, #tpu.memory_space<vmem>> -> memref<1x512x64xf32, #tpu.memory_space<vmem>>
          %swap3A_798 = tpu.memref_squeeze %swap3A_797 : memref<1x512x64xf32, #tpu.memory_space<vmem>> -> memref<512x64xf32, #tpu.memory_space<vmem>>
          %swap3A_799 = arith.index_cast %add3A_767 : i32 to index
          %swap3A_800 = arith.constant 48 : index
          %swap3A_801 = tpu.vector_load %swap3A_798[%swap3A_799, %swap3A_800] {strides = array<i32>} : memref<512x64xf32, #tpu.memory_space<vmem>>, vector<1x16xf32>,
          %swap3A_802 = vector.shape_cast %swap3A_801 : vector<1x16xf32> to vector<16xf32>
          %swap3A_803 = vector.shape_cast %get3A_363 : vector<16xf32> to vector<1x16xf32>
          tpu.vector_store %swap3A_798[%swap3A_799, %swap3A_800], %swap3A_803 {add = true, strides = array<i32>} : memref<512x64xf32, #tpu.memory_space<vmem>>, vector<1x16xf32>,
          %scan3A_804 = arith.constant 6 : i32
          %scan3A_805 = arith.addi %scan3A_554, %scan3A_804 : i32
          %mul3A_806 = arith.constant 1 : i32
          %mul3A_807 = arith.muli %scan3A_805, %mul3A_806 : i32
          %add3A_808 = arith.constant 0 : i32
          %add3A_809 = arith.addi %add3A_808, %mul3A_807 : i32
          %swap3A_810 = arith.constant 0 : i32
          %swap3A_811 = arith.constant 0 : i32
          %swap3A_812 = tpu.memref_slice %run_scoped3A_10[%rem3A_256, %swap3A_810, %swap3A_811] : memref<2x512x64xf32, #tpu.memory_space<vmem>> -> memref<1x512x64xf32, #tpu.memory_space<vmem>>
          %swap3A_813 = tpu.memref_squeeze %swap3A_812 : memref<1x512x64xf32, #tpu.memory_space<vmem>> -> memref<512x64xf32, #tpu.memory_space<vmem>>
          %swap3A_814 = arith.index_cast %add3A_809 : i32 to index
          %swap3A_815 = arith.constant 0 : index
          %swap3A_816 = tpu.vector_load %swap3A_813[%swap3A_814, %swap3A_815] {strides = array<i32>} : memref<512x64xf32, #tpu.memory_space<vmem>>, vector<1x16xf32>,
          %swap3A_817 = vector.shape_cast %swap3A_816 : vector<1x16xf32> to vector<16xf32>
          %swap3A_818 = vector.shape_cast %get3A_336 : vector<16xf32> to vector<1x16xf32>
          tpu.vector_store %swap3A_813[%swap3A_814, %swap3A_815], %swap3A_818 {add = true, strides = array<i32>} : memref<512x64xf32, #tpu.memory_space<vmem>>, vector<1x16xf32>,
          %swap3A_819 = arith.constant 0 : i32
          %swap3A_820 = arith.constant 0 : i32
          %swap3A_821 = tpu.memref_slice %run_scoped3A_10[%rem3A_256, %swap3A_819, %swap3A_820] : memref<2x512x64xf32, #tpu.memory_space<vmem>> -> memref<1x512x64xf32, #tpu.memory_space<vmem>>
          %swap3A_822 = tpu.memref_squeeze %swap3A_821 : memref<1x512x64xf32, #tpu.memory_space<vmem>> -> memref<512x64xf32, #tpu.memory_space<vmem>>
          %swap3A_823 = arith.index_cast %add3A_809 : i32 to index
          %swap3A_824 = arith.constant 16 : index
          %swap3A_825 = tpu.vector_load %swap3A_822[%swap3A_823, %swap3A_824] {strides = array<i32>} : memref<512x64xf32, #tpu.memory_space<vmem>>, vector<1x16xf32>,
          %swap3A_826 = vector.shape_cast %swap3A_825 : vector<1x16xf32> to vector<16xf32>
          %swap3A_827 = vector.shape_cast %get3A_345 : vector<16xf32> to vector<1x16xf32>
          tpu.vector_store %swap3A_822[%swap3A_823, %swap3A_824], %swap3A_827 {add = true, strides = array<i32>} : memref<512x64xf32, #tpu.memory_space<vmem>>, vector<1x16xf32>,
          %swap3A_828 = arith.constant 0 : i32
          %swap3A_829 = arith.constant 0 : i32
          %swap3A_830 = tpu.memref_slice %run_scoped3A_10[%rem3A_256, %swap3A_828, %swap3A_829] : memref<2x512x64xf32, #tpu.memory_space<vmem>> -> memref<1x512x64xf32, #tpu.memory_space<vmem>>
          %swap3A_831 = tpu.memref_squeeze %swap3A_830 : memref<1x512x64xf32, #tpu.memory_space<vmem>> -> memref<512x64xf32, #tpu.memory_space<vmem>>
          %swap3A_832 = arith.index_cast %add3A_809 : i32 to index
          %swap3A_833 = arith.constant 32 : index
          %swap3A_834 = tpu.vector_load %swap3A_831[%swap3A_832, %swap3A_833] {strides = array<i32>} : memref<512x64xf32, #tpu.memory_space<vmem>>, vector<1x16xf32>,
          %swap3A_835 = vector.shape_cast %swap3A_834 : vector<1x16xf32> to vector<16xf32>
          %swap3A_836 = vector.shape_cast %get3A_354 : vector<16xf32> to vector<1x16xf32>
          tpu.vector_store %swap3A_831[%swap3A_832, %swap3A_833], %swap3A_836 {add = true, strides = array<i32>} : memref<512x64xf32, #tpu.memory_space<vmem>>, vector<1x16xf32>,
          %swap3A_837 = arith.constant 0 : i32
          %swap3A_838 = arith.constant 0 : i32
          %swap3A_839 = tpu.memref_slice %run_scoped3A_10[%rem3A_256, %swap3A_837, %swap3A_838] : memref<2x512x64xf32, #tpu.memory_space<vmem>> -> memref<1x512x64xf32, #tpu.memory_space<vmem>>
          %swap3A_840 = tpu.memref_squeeze %swap3A_839 : memref<1x512x64xf32, #tpu.memory_space<vmem>> -> memref<512x64xf32, #tpu.memory_space<vmem>>
          %swap3A_841 = arith.index_cast %add3A_809 : i32 to index
          %swap3A_842 = arith.constant 48 : index
          %swap3A_843 = tpu.vector_load %swap3A_840[%swap3A_841, %swap3A_842] {strides = array<i32>} : memref<512x64xf32, #tpu.memory_space<vmem>>, vector<1x16xf32>,
          %swap3A_844 = vector.shape_cast %swap3A_843 : vector<1x16xf32> to vector<16xf32>
          %swap3A_845 = vector.shape_cast %get3A_363 : vector<16xf32> to vector<1x16xf32>
          tpu.vector_store %swap3A_840[%swap3A_841, %swap3A_842], %swap3A_845 {add = true, strides = array<i32>} : memref<512x64xf32, #tpu.memory_space<vmem>>, vector<1x16xf32>,
          %scan3A_846 = arith.constant 7 : i32
          %scan3A_847 = arith.addi %scan3A_554, %scan3A_846 : i32
          %mul3A_848 = arith.constant 1 : i32
          %mul3A_849 = arith.muli %scan3A_847, %mul3A_848 : i32
          %add3A_850 = arith.constant 0 : i32
          %add3A_851 = arith.addi %add3A_850, %mul3A_849 : i32
          %swap3A_852 = arith.constant 0 : i32
          %swap3A_853 = arith.constant 0 : i32
          %swap3A_854 = tpu.memref_slice %run_scoped3A_10[%rem3A_256, %swap3A_852, %swap3A_853] : memref<2x512x64xf32, #tpu.memory_space<vmem>> -> memref<1x512x64xf32, #tpu.memory_space<vmem>>
          %swap3A_855 = tpu.memref_squeeze %swap3A_854 : memref<1x512x64xf32, #tpu.memory_space<vmem>> -> memref<512x64xf32, #tpu.memory_space<vmem>>
          %swap3A_856 = arith.index_cast %add3A_851 : i32 to index
          %swap3A_857 = arith.constant 0 : index
          %swap3A_858 = tpu.vector_load %swap3A_855[%swap3A_856, %swap3A_857] {strides = array<i32>} : memref<512x64xf32, #tpu.memory_space<vmem>>, vector<1x16xf32>,
          %swap3A_859 = vector.shape_cast %swap3A_858 : vector<1x16xf32> to vector<16xf32>
          %swap3A_860 = vector.shape_cast %get3A_336 : vector<16xf32> to vector<1x16xf32>
          tpu.vector_store %swap3A_855[%swap3A_856, %swap3A_857], %swap3A_860 {add = true, strides = array<i32>} : memref<512x64xf32, #tpu.memory_space<vmem>>, vector<1x16xf32>,
          %swap3A_861 = arith.constant 0 : i32
          %swap3A_862 = arith.constant 0 : i32
          %swap3A_863 = tpu.memref_slice %run_scoped3A_10[%rem3A_256, %swap3A_861, %swap3A_862] : memref<2x512x64xf32, #tpu.memory_space<vmem>> -> memref<1x512x64xf32, #tpu.memory_space<vmem>>
          %swap3A_864 = tpu.memref_squeeze %swap3A_863 : memref<1x512x64xf32, #tpu.memory_space<vmem>> -> memref<512x64xf32, #tpu.memory_space<vmem>>
          %swap3A_865 = arith.index_cast %add3A_851 : i32 to index
          %swap3A_866 = arith.constant 16 : index
          %swap3A_867 = tpu.vector_load %swap3A_864[%swap3A_865, %swap3A_866] {strides = array<i32>} : memref<512x64xf32, #tpu.memory_space<vmem>>, vector<1x16xf32>,
          %swap3A_868 = vector.shape_cast %swap3A_867 : vector<1x16xf32> to vector<16xf32>
          %swap3A_869 = vector.shape_cast %get3A_345 : vector<16xf32> to vector<1x16xf32>
          tpu.vector_store %swap3A_864[%swap3A_865, %swap3A_866], %swap3A_869 {add = true, strides = array<i32>} : memref<512x64xf32, #tpu.memory_space<vmem>>, vector<1x16xf32>,
          %swap3A_870 = arith.constant 0 : i32
          %swap3A_871 = arith.constant 0 : i32
          %swap3A_872 = tpu.memref_slice %run_scoped3A_10[%rem3A_256, %swap3A_870, %swap3A_871] : memref<2x512x64xf32, #tpu.memory_space<vmem>> -> memref<1x512x64xf32, #tpu.memory_space<vmem>>
          %swap3A_873 = tpu.memref_squeeze %swap3A_872 : memref<1x512x64xf32, #tpu.memory_space<vmem>> -> memref<512x64xf32, #tpu.memory_space<vmem>>
          %swap3A_874 = arith.index_cast %add3A_851 : i32 to index
          %swap3A_875 = arith.constant 32 : index
          %swap3A_876 = tpu.vector_load %swap3A_873[%swap3A_874, %swap3A_875] {strides = array<i32>} : memref<512x64xf32, #tpu.memory_space<vmem>>, vector<1x16xf32>,
          %swap3A_877 = vector.shape_cast %swap3A_876 : vector<1x16xf32> to vector<16xf32>
          %swap3A_878 = vector.shape_cast %get3A_354 : vector<16xf32> to vector<1x16xf32>
          tpu.vector_store %swap3A_873[%swap3A_874, %swap3A_875], %swap3A_878 {add = true, strides = array<i32>} : memref<512x64xf32, #tpu.memory_space<vmem>>, vector<1x16xf32>,
          %swap3A_879 = arith.constant 0 : i32
          %swap3A_880 = arith.constant 0 : i32
          %swap3A_881 = tpu.memref_slice %run_scoped3A_10[%rem3A_256, %swap3A_879, %swap3A_880] : memref<2x512x64xf32, #tpu.memory_space<vmem>> -> memref<1x512x64xf32, #tpu.memory_space<vmem>>
          %swap3A_882 = tpu.memref_squeeze %swap3A_881 : memref<1x512x64xf32, #tpu.memory_space<vmem>> -> memref<512x64xf32, #tpu.memory_space<vmem>>
          %swap3A_883 = arith.index_cast %add3A_851 : i32 to index
          %swap3A_884 = arith.constant 48 : index
          %swap3A_885 = tpu.vector_load %swap3A_882[%swap3A_883, %swap3A_884] {strides = array<i32>} : memref<512x64xf32, #tpu.memory_space<vmem>>, vector<1x16xf32>,
          %swap3A_886 = vector.shape_cast %swap3A_885 : vector<1x16xf32> to vector<16xf32>
          %swap3A_887 = vector.shape_cast %get3A_363 : vector<16xf32> to vector<1x16xf32>
          tpu.vector_store %swap3A_882[%swap3A_883, %swap3A_884], %swap3A_887 {add = true, strides = array<i32>} : memref<512x64xf32, #tpu.memory_space<vmem>>, vector<1x16xf32>,
        }
        %scan3A_386 = arith.constant 128 : i32
        %dma_wait3A_387 = arith.constant 0 : i32
        %dma_wait3A_388 = arith.constant 0 : i32
        %dma_wait3A_389 = arith.constant 0 : i32
        %dma_wait3A_390 = tpu.memref_slice %run_scoped3A_10[%rem3A_256, %dma_wait3A_388, %dma_wait3A_389] : memref<2x512x64xf32, #tpu.memory_space<vmem>> -> memref<1x512x64xf32, #tpu.memory_space<vmem>>
        %dma_wait3A_391 = tpu.memref_squeeze %dma_wait3A_390 : memref<1x512x64xf32, #tpu.memory_space<vmem>> -> memref<512x64xf32, #tpu.memory_space<vmem>>
        %dma_wait3A_392 = arith.constant 128 : i32
        %dma_wait3A_393 = arith.constant 0 : i32
        %dma_wait3A_394 = tpu.memref_slice %dma_wait3A_391[%dma_wait3A_392, %dma_wait3A_393] : memref<512x64xf32, #tpu.memory_space<vmem>> -> memref<128x64xf32, #tpu.memory_space<vmem>>
        %dma_wait3A_395 = arith.constant 0 : i32
        %dma_wait3A_396 = arith.constant 0 : i32
        %dma_wait3A_397 = tpu.memref_slice %run_scoped3A[%rem3A_252, %dma_wait3A_395, %dma_wait3A_396] : memref<2x1x512xi32, #tpu.memory_space<vmem>> -> memref<1x1x512xi32, #tpu.memory_space<vmem>>
        %dma_wait3A_398 = tpu.memref_squeeze %dma_wait3A_397 : memref<1x1x512xi32, #tpu.memory_space<vmem>> -> memref<1x512xi32, #tpu.memory_space<vmem>>
        %dma_wait3A_399 = arith.constant 128 : i32
        %dma_wait3A_400 = tpu.memref_slice %dma_wait3A_398[%dma_wait3A_387, %dma_wait3A_399] : memref<1x512xi32, #tpu.memory_space<vmem>> -> memref<1x128xi32, #tpu.memory_space<vmem>>
        %dma_wait3A_401 = tpu.memref_squeeze %dma_wait3A_400 : memref<1x128xi32, #tpu.memory_space<vmem>> -> memref<128xi32, #tpu.memory_space<vmem>>
        %dma_wait3A_402 = arith.constant 0 : i32
        %dma_wait3A_403 = arith.constant 0 : i32
        %dma_wait3A_404 = tpu.memref_slice %arg2[%dma_wait3A_402, %dma_wait3A_403] : memref<100000x64xf32, #tpu.memory_space<hbm>> -> memref<100000x64xf32, #tpu.memory_space<hbm>>
        tpu.wait_indirect_dma semaphore(%arg7 : memref<!tpu.dma_semaphore, #tpu.memory_space<semaphore_mem>>) src(%dma_wait3A_404 : memref<100000x64xf32, #tpu.memory_space<hbm>>) dst(%dma_wait3A_394 : memref<128x64xf32, #tpu.memory_space<vmem>>)
        %scan3A_405 = arith.constant 0 : i32
        %scan3A_406 = arith.constant 128 : i32
        %scan3A_407 = arith.addi %scan3A_405, %scan3A_406 : i32
        %scan3A_408 = arith.constant 8 : i32
        scf.for %scan3A_554 = %scan3A_405 to %scan3A_407 step %scan3A_408  : i32 {
          %mul3A_555 = arith.constant 1 : i32
          %mul3A_556 = arith.muli %scan3A_554, %mul3A_555 : i32
          %add3A_557 = arith.constant 128 : i32
          %add3A_558 = arith.addi %add3A_557, %mul3A_556 : i32
          %swap3A = arith.constant 0 : i32
          %swap3A_559 = arith.constant 0 : i32
          %swap3A_560 = tpu.memref_slice %run_scoped3A_10[%rem3A_256, %swap3A, %swap3A_559] : memref<2x512x64xf32, #tpu.memory_space<vmem>> -> memref<1x512x64xf32, #tpu.memory_space<vmem>>
          %swap3A_561 = tpu.memref_squeeze %swap3A_560 : memref<1x512x64xf32, #tpu.memory_space<vmem>> -> memref<512x64xf32, #tpu.memory_space<vmem>>
          %swap3A_562 = arith.index_cast %add3A_558 : i32 to index
          %swap3A_563 = arith.constant 0 : index
          %swap3A_564 = tpu.vector_load %swap3A_561[%swap3A_562, %swap3A_563] {strides = array<i32>} : memref<512x64xf32, #tpu.memory_space<vmem>>, vector<1x16xf32>,
          %swap3A_565 = vector.shape_cast %swap3A_564 : vector<1x16xf32> to vector<16xf32>
          %swap3A_566 = vector.shape_cast %get3A_336 : vector<16xf32> to vector<1x16xf32>
          tpu.vector_store %swap3A_561[%swap3A_562, %swap3A_563], %swap3A_566 {add = true, strides = array<i32>} : memref<512x64xf32, #tpu.memory_space<vmem>>, vector<1x16xf32>,
          %swap3A_567 = arith.constant 0 : i32
          %swap3A_568 = arith.constant 0 : i32
          %swap3A_569 = tpu.memref_slice %run_scoped3A_10[%rem3A_256, %swap3A_567, %swap3A_568] : memref<2x512x64xf32, #tpu.memory_space<vmem>> -> memref<1x512x64xf32, #tpu.memory_space<vmem>>
          %swap3A_570 = tpu.memref_squeeze %swap3A_569 : memref<1x512x64xf32, #tpu.memory_space<vmem>> -> memref<512x64xf32, #tpu.memory_space<vmem>>
          %swap3A_571 = arith.index_cast %add3A_558 : i32 to index
          %swap3A_572 = arith.constant 16 : index
          %swap3A_573 = tpu.vector_load %swap3A_570[%swap3A_571, %swap3A_572] {strides = array<i32>} : memref<512x64xf32, #tpu.memory_space<vmem>>, vector<1x16xf32>,
          %swap3A_574 = vector.shape_cast %swap3A_573 : vector<1x16xf32> to vector<16xf32>
          %swap3A_575 = vector.shape_cast %get3A_345 : vector<16xf32> to vector<1x16xf32>
          tpu.vector_store %swap3A_570[%swap3A_571, %swap3A_572], %swap3A_575 {add = true, strides = array<i32>} : memref<512x64xf32, #tpu.memory_space<vmem>>, vector<1x16xf32>,
          %swap3A_576 = arith.constant 0 : i32
          %swap3A_577 = arith.constant 0 : i32
          %swap3A_578 = tpu.memref_slice %run_scoped3A_10[%rem3A_256, %swap3A_576, %swap3A_577] : memref<2x512x64xf32, #tpu.memory_space<vmem>> -> memref<1x512x64xf32, #tpu.memory_space<vmem>>
          %swap3A_579 = tpu.memref_squeeze %swap3A_578 : memref<1x512x64xf32, #tpu.memory_space<vmem>> -> memref<512x64xf32, #tpu.memory_space<vmem>>
          %swap3A_580 = arith.index_cast %add3A_558 : i32 to index
          %swap3A_581 = arith.constant 32 : index
          %swap3A_582 = tpu.vector_load %swap3A_579[%swap3A_580, %swap3A_581] {strides = array<i32>} : memref<512x64xf32, #tpu.memory_space<vmem>>, vector<1x16xf32>,
          %swap3A_583 = vector.shape_cast %swap3A_582 : vector<1x16xf32> to vector<16xf32>
          %swap3A_584 = vector.shape_cast %get3A_354 : vector<16xf32> to vector<1x16xf32>
          tpu.vector_store %swap3A_579[%swap3A_580, %swap3A_581], %swap3A_584 {add = true, strides = array<i32>} : memref<512x64xf32, #tpu.memory_space<vmem>>, vector<1x16xf32>,
          %swap3A_585 = arith.constant 0 : i32
          %swap3A_586 = arith.constant 0 : i32
          %swap3A_587 = tpu.memref_slice %run_scoped3A_10[%rem3A_256, %swap3A_585, %swap3A_586] : memref<2x512x64xf32, #tpu.memory_space<vmem>> -> memref<1x512x64xf32, #tpu.memory_space<vmem>>
          %swap3A_588 = tpu.memref_squeeze %swap3A_587 : memref<1x512x64xf32, #tpu.memory_space<vmem>> -> memref<512x64xf32, #tpu.memory_space<vmem>>
          %swap3A_589 = arith.index_cast %add3A_558 : i32 to index
          %swap3A_590 = arith.constant 48 : index
          %swap3A_591 = tpu.vector_load %swap3A_588[%swap3A_589, %swap3A_590] {strides = array<i32>} : memref<512x64xf32, #tpu.memory_space<vmem>>, vector<1x16xf32>,
          %swap3A_592 = vector.shape_cast %swap3A_591 : vector<1x16xf32> to vector<16xf32>
          %swap3A_593 = vector.shape_cast %get3A_363 : vector<16xf32> to vector<1x16xf32>
          tpu.vector_store %swap3A_588[%swap3A_589, %swap3A_590], %swap3A_593 {add = true, strides = array<i32>} : memref<512x64xf32, #tpu.memory_space<vmem>>, vector<1x16xf32>,
          %scan3A_594 = arith.constant 1 : i32
          %scan3A_595 = arith.addi %scan3A_554, %scan3A_594 : i32
          %mul3A_596 = arith.constant 1 : i32
          %mul3A_597 = arith.muli %scan3A_595, %mul3A_596 : i32
          %add3A_598 = arith.constant 128 : i32
          %add3A_599 = arith.addi %add3A_598, %mul3A_597 : i32
          %swap3A_600 = arith.constant 0 : i32
          %swap3A_601 = arith.constant 0 : i32
          %swap3A_602 = tpu.memref_slice %run_scoped3A_10[%rem3A_256, %swap3A_600, %swap3A_601] : memref<2x512x64xf32, #tpu.memory_space<vmem>> -> memref<1x512x64xf32, #tpu.memory_space<vmem>>
          %swap3A_603 = tpu.memref_squeeze %swap3A_602 : memref<1x512x64xf32, #tpu.memory_space<vmem>> -> memref<512x64xf32, #tpu.memory_space<vmem>>
          %swap3A_604 = arith.index_cast %add3A_599 : i32 to index
          %swap3A_605 = arith.constant 0 : index
          %swap3A_606 = tpu.vector_load %swap3A_603[%swap3A_604, %swap3A_605] {strides = array<i32>} : memref<512x64xf32, #tpu.memory_space<vmem>>, vector<1x16xf32>,
          %swap3A_607 = vector.shape_cast %swap3A_606 : vector<1x16xf32> to vector<16xf32>
          %swap3A_608 = vector.shape_cast %get3A_336 : vector<16xf32> to vector<1x16xf32>
          tpu.vector_store %swap3A_603[%swap3A_604, %swap3A_605], %swap3A_608 {add = true, strides = array<i32>} : memref<512x64xf32, #tpu.memory_space<vmem>>, vector<1x16xf32>,
          %swap3A_609 = arith.constant 0 : i32
          %swap3A_610 = arith.constant 0 : i32
          %swap3A_611 = tpu.memref_slice %run_scoped3A_10[%rem3A_256, %swap3A_609, %swap3A_610] : memref<2x512x64xf32, #tpu.memory_space<vmem>> -> memref<1x512x64xf32, #tpu.memory_space<vmem>>
          %swap3A_612 = tpu.memref_squeeze %swap3A_611 : memref<1x512x64xf32, #tpu.memory_space<vmem>> -> memref<512x64xf32, #tpu.memory_space<vmem>>
          %swap3A_613 = arith.index_cast %add3A_599 : i32 to index
          %swap3A_614 = arith.constant 16 : index
          %swap3A_615 = tpu.vector_load %swap3A_612[%swap3A_613, %swap3A_614] {strides = array<i32>} : memref<512x64xf32, #tpu.memory_space<vmem>>, vector<1x16xf32>,
          %swap3A_616 = vector.shape_cast %swap3A_615 : vector<1x16xf32> to vector<16xf32>
          %swap3A_617 = vector.shape_cast %get3A_345 : vector<16xf32> to vector<1x16xf32>
          tpu.vector_store %swap3A_612[%swap3A_613, %swap3A_614], %swap3A_617 {add = true, strides = array<i32>} : memref<512x64xf32, #tpu.memory_space<vmem>>, vector<1x16xf32>,
          %swap3A_618 = arith.constant 0 : i32
          %swap3A_619 = arith.constant 0 : i32
          %swap3A_620 = tpu.memref_slice %run_scoped3A_10[%rem3A_256, %swap3A_618, %swap3A_619] : memref<2x512x64xf32, #tpu.memory_space<vmem>> -> memref<1x512x64xf32, #tpu.memory_space<vmem>>
          %swap3A_621 = tpu.memref_squeeze %swap3A_620 : memref<1x512x64xf32, #tpu.memory_space<vmem>> -> memref<512x64xf32, #tpu.memory_space<vmem>>
          %swap3A_622 = arith.index_cast %add3A_599 : i32 to index
          %swap3A_623 = arith.constant 32 : index
          %swap3A_624 = tpu.vector_load %swap3A_621[%swap3A_622, %swap3A_623] {strides = array<i32>} : memref<512x64xf32, #tpu.memory_space<vmem>>, vector<1x16xf32>,
          %swap3A_625 = vector.shape_cast %swap3A_624 : vector<1x16xf32> to vector<16xf32>
          %swap3A_626 = vector.shape_cast %get3A_354 : vector<16xf32> to vector<1x16xf32>
          tpu.vector_store %swap3A_621[%swap3A_622, %swap3A_623], %swap3A_626 {add = true, strides = array<i32>} : memref<512x64xf32, #tpu.memory_space<vmem>>, vector<1x16xf32>,
          %swap3A_627 = arith.constant 0 : i32
          %swap3A_628 = arith.constant 0 : i32
          %swap3A_629 = tpu.memref_slice %run_scoped3A_10[%rem3A_256, %swap3A_627, %swap3A_628] : memref<2x512x64xf32, #tpu.memory_space<vmem>> -> memref<1x512x64xf32, #tpu.memory_space<vmem>>
          %swap3A_630 = tpu.memref_squeeze %swap3A_629 : memref<1x512x64xf32, #tpu.memory_space<vmem>> -> memref<512x64xf32, #tpu.memory_space<vmem>>
          %swap3A_631 = arith.index_cast %add3A_599 : i32 to index
          %swap3A_632 = arith.constant 48 : index
          %swap3A_633 = tpu.vector_load %swap3A_630[%swap3A_631, %swap3A_632] {strides = array<i32>} : memref<512x64xf32, #tpu.memory_space<vmem>>, vector<1x16xf32>,
          %swap3A_634 = vector.shape_cast %swap3A_633 : vector<1x16xf32> to vector<16xf32>
          %swap3A_635 = vector.shape_cast %get3A_363 : vector<16xf32> to vector<1x16xf32>
          tpu.vector_store %swap3A_630[%swap3A_631, %swap3A_632], %swap3A_635 {add = true, strides = array<i32>} : memref<512x64xf32, #tpu.memory_space<vmem>>, vector<1x16xf32>,
          %scan3A_636 = arith.constant 2 : i32
          %scan3A_637 = arith.addi %scan3A_554, %scan3A_636 : i32
          %mul3A_638 = arith.constant 1 : i32
          %mul3A_639 = arith.muli %scan3A_637, %mul3A_638 : i32
          %add3A_640 = arith.constant 128 : i32
          %add3A_641 = arith.addi %add3A_640, %mul3A_639 : i32
          %swap3A_642 = arith.constant 0 : i32
          %swap3A_643 = arith.constant 0 : i32
          %swap3A_644 = tpu.memref_slice %run_scoped3A_10[%rem3A_256, %swap3A_642, %swap3A_643] : memref<2x512x64xf32, #tpu.memory_space<vmem>> -> memref<1x512x64xf32, #tpu.memory_space<vmem>>
          %swap3A_645 = tpu.memref_squeeze %swap3A_644 : memref<1x512x64xf32, #tpu.memory_space<vmem>> -> memref<512x64xf32, #tpu.memory_space<vmem>>
          %swap3A_646 = arith.index_cast %add3A_641 : i32 to index
          %swap3A_647 = arith.constant 0 : index
          %swap3A_648 = tpu.vector_load %swap3A_645[%swap3A_646, %swap3A_647] {strides = array<i32>} : memref<512x64xf32, #tpu.memory_space<vmem>>, vector<1x16xf32>,
          %swap3A_649 = vector.shape_cast %swap3A_648 : vector<1x16xf32> to vector<16xf32>
          %swap3A_650 = vector.shape_cast %get3A_336 : vector<16xf32> to vector<1x16xf32>
          tpu.vector_store %swap3A_645[%swap3A_646, %swap3A_647], %swap3A_650 {add = true, strides = array<i32>} : memref<512x64xf32, #tpu.memory_space<vmem>>, vector<1x16xf32>,
          %swap3A_651 = arith.constant 0 : i32
          %swap3A_652 = arith.constant 0 : i32
          %swap3A_653 = tpu.memref_slice %run_scoped3A_10[%rem3A_256, %swap3A_651, %swap3A_652] : memref<2x512x64xf32, #tpu.memory_space<vmem>> -> memref<1x512x64xf32, #tpu.memory_space<vmem>>
          %swap3A_654 = tpu.memref_squeeze %swap3A_653 : memref<1x512x64xf32, #tpu.memory_space<vmem>> -> memref<512x64xf32, #tpu.memory_space<vmem>>
          %swap3A_655 = arith.index_cast %add3A_641 : i32 to index
          %swap3A_656 = arith.constant 16 : index
          %swap3A_657 = tpu.vector_load %swap3A_654[%swap3A_655, %swap3A_656] {strides = array<i32>} : memref<512x64xf32, #tpu.memory_space<vmem>>, vector<1x16xf32>,
          %swap3A_658 = vector.shape_cast %swap3A_657 : vector<1x16xf32> to vector<16xf32>
          %swap3A_659 = vector.shape_cast %get3A_345 : vector<16xf32> to vector<1x16xf32>
          tpu.vector_store %swap3A_654[%swap3A_655, %swap3A_656], %swap3A_659 {add = true, strides = array<i32>} : memref<512x64xf32, #tpu.memory_space<vmem>>, vector<1x16xf32>,
          %swap3A_660 = arith.constant 0 : i32
          %swap3A_661 = arith.constant 0 : i32
          %swap3A_662 = tpu.memref_slice %run_scoped3A_10[%rem3A_256, %swap3A_660, %swap3A_661] : memref<2x512x64xf32, #tpu.memory_space<vmem>> -> memref<1x512x64xf32, #tpu.memory_space<vmem>>
          %swap3A_663 = tpu.memref_squeeze %swap3A_662 : memref<1x512x64xf32, #tpu.memory_space<vmem>> -> memref<512x64xf32, #tpu.memory_space<vmem>>
          %swap3A_664 = arith.index_cast %add3A_641 : i32 to index
          %swap3A_665 = arith.constant 32 : index
          %swap3A_666 = tpu.vector_load %swap3A_663[%swap3A_664, %swap3A_665] {strides = array<i32>} : memref<512x64xf32, #tpu.memory_space<vmem>>, vector<1x16xf32>,
          %swap3A_667 = vector.shape_cast %swap3A_666 : vector<1x16xf32> to vector<16xf32>
          %swap3A_668 = vector.shape_cast %get3A_354 : vector<16xf32> to vector<1x16xf32>
          tpu.vector_store %swap3A_663[%swap3A_664, %swap3A_665], %swap3A_668 {add = true, strides = array<i32>} : memref<512x64xf32, #tpu.memory_space<vmem>>, vector<1x16xf32>,
          %swap3A_669 = arith.constant 0 : i32
          %swap3A_670 = arith.constant 0 : i32
          %swap3A_671 = tpu.memref_slice %run_scoped3A_10[%rem3A_256, %swap3A_669, %swap3A_670] : memref<2x512x64xf32, #tpu.memory_space<vmem>> -> memref<1x512x64xf32, #tpu.memory_space<vmem>>
          %swap3A_672 = tpu.memref_squeeze %swap3A_671 : memref<1x512x64xf32, #tpu.memory_space<vmem>> -> memref<512x64xf32, #tpu.memory_space<vmem>>
          %swap3A_673 = arith.index_cast %add3A_641 : i32 to index
          %swap3A_674 = arith.constant 48 : index
          %swap3A_675 = tpu.vector_load %swap3A_672[%swap3A_673, %swap3A_674] {strides = array<i32>} : memref<512x64xf32, #tpu.memory_space<vmem>>, vector<1x16xf32>,
          %swap3A_676 = vector.shape_cast %swap3A_675 : vector<1x16xf32> to vector<16xf32>
          %swap3A_677 = vector.shape_cast %get3A_363 : vector<16xf32> to vector<1x16xf32>
          tpu.vector_store %swap3A_672[%swap3A_673, %swap3A_674], %swap3A_677 {add = true, strides = array<i32>} : memref<512x64xf32, #tpu.memory_space<vmem>>, vector<1x16xf32>,
          %scan3A_678 = arith.constant 3 : i32
          %scan3A_679 = arith.addi %scan3A_554, %scan3A_678 : i32
          %mul3A_680 = arith.constant 1 : i32
          %mul3A_681 = arith.muli %scan3A_679, %mul3A_680 : i32
          %add3A_682 = arith.constant 128 : i32
          %add3A_683 = arith.addi %add3A_682, %mul3A_681 : i32
          %swap3A_684 = arith.constant 0 : i32
          %swap3A_685 = arith.constant 0 : i32
          %swap3A_686 = tpu.memref_slice %run_scoped3A_10[%rem3A_256, %swap3A_684, %swap3A_685] : memref<2x512x64xf32, #tpu.memory_space<vmem>> -> memref<1x512x64xf32, #tpu.memory_space<vmem>>
          %swap3A_687 = tpu.memref_squeeze %swap3A_686 : memref<1x512x64xf32, #tpu.memory_space<vmem>> -> memref<512x64xf32, #tpu.memory_space<vmem>>
          %swap3A_688 = arith.index_cast %add3A_683 : i32 to index
          %swap3A_689 = arith.constant 0 : index
          %swap3A_690 = tpu.vector_load %swap3A_687[%swap3A_688, %swap3A_689] {strides = array<i32>} : memref<512x64xf32, #tpu.memory_space<vmem>>, vector<1x16xf32>,
          %swap3A_691 = vector.shape_cast %swap3A_690 : vector<1x16xf32> to vector<16xf32>
          %swap3A_692 = vector.shape_cast %get3A_336 : vector<16xf32> to vector<1x16xf32>
          tpu.vector_store %swap3A_687[%swap3A_688, %swap3A_689], %swap3A_692 {add = true, strides = array<i32>} : memref<512x64xf32, #tpu.memory_space<vmem>>, vector<1x16xf32>,
          %swap3A_693 = arith.constant 0 : i32
          %swap3A_694 = arith.constant 0 : i32
          %swap3A_695 = tpu.memref_slice %run_scoped3A_10[%rem3A_256, %swap3A_693, %swap3A_694] : memref<2x512x64xf32, #tpu.memory_space<vmem>> -> memref<1x512x64xf32, #tpu.memory_space<vmem>>
          %swap3A_696 = tpu.memref_squeeze %swap3A_695 : memref<1x512x64xf32, #tpu.memory_space<vmem>> -> memref<512x64xf32, #tpu.memory_space<vmem>>
          %swap3A_697 = arith.index_cast %add3A_683 : i32 to index
          %swap3A_698 = arith.constant 16 : index
          %swap3A_699 = tpu.vector_load %swap3A_696[%swap3A_697, %swap3A_698] {strides = array<i32>} : memref<512x64xf32, #tpu.memory_space<vmem>>, vector<1x16xf32>,
          %swap3A_700 = vector.shape_cast %swap3A_699 : vector<1x16xf32> to vector<16xf32>
          %swap3A_701 = vector.shape_cast %get3A_345 : vector<16xf32> to vector<1x16xf32>
          tpu.vector_store %swap3A_696[%swap3A_697, %swap3A_698], %swap3A_701 {add = true, strides = array<i32>} : memref<512x64xf32, #tpu.memory_space<vmem>>, vector<1x16xf32>,
          %swap3A_702 = arith.constant 0 : i32
          %swap3A_703 = arith.constant 0 : i32
          %swap3A_704 = tpu.memref_slice %run_scoped3A_10[%rem3A_256, %swap3A_702, %swap3A_703] : memref<2x512x64xf32, #tpu.memory_space<vmem>> -> memref<1x512x64xf32, #tpu.memory_space<vmem>>
          %swap3A_705 = tpu.memref_squeeze %swap3A_704 : memref<1x512x64xf32, #tpu.memory_space<vmem>> -> memref<512x64xf32, #tpu.memory_space<vmem>>
          %swap3A_706 = arith.index_cast %add3A_683 : i32 to index
          %swap3A_707 = arith.constant 32 : index
          %swap3A_708 = tpu.vector_load %swap3A_705[%swap3A_706, %swap3A_707] {strides = array<i32>} : memref<512x64xf32, #tpu.memory_space<vmem>>, vector<1x16xf32>,
          %swap3A_709 = vector.shape_cast %swap3A_708 : vector<1x16xf32> to vector<16xf32>
          %swap3A_710 = vector.shape_cast %get3A_354 : vector<16xf32> to vector<1x16xf32>
          tpu.vector_store %swap3A_705[%swap3A_706, %swap3A_707], %swap3A_710 {add = true, strides = array<i32>} : memref<512x64xf32, #tpu.memory_space<vmem>>, vector<1x16xf32>,
          %swap3A_711 = arith.constant 0 : i32
          %swap3A_712 = arith.constant 0 : i32
          %swap3A_713 = tpu.memref_slice %run_scoped3A_10[%rem3A_256, %swap3A_711, %swap3A_712] : memref<2x512x64xf32, #tpu.memory_space<vmem>> -> memref<1x512x64xf32, #tpu.memory_space<vmem>>
          %swap3A_714 = tpu.memref_squeeze %swap3A_713 : memref<1x512x64xf32, #tpu.memory_space<vmem>> -> memref<512x64xf32, #tpu.memory_space<vmem>>
          %swap3A_715 = arith.index_cast %add3A_683 : i32 to index
          %swap3A_716 = arith.constant 48 : index
          %swap3A_717 = tpu.vector_load %swap3A_714[%swap3A_715, %swap3A_716] {strides = array<i32>} : memref<512x64xf32, #tpu.memory_space<vmem>>, vector<1x16xf32>,
          %swap3A_718 = vector.shape_cast %swap3A_717 : vector<1x16xf32> to vector<16xf32>
          %swap3A_719 = vector.shape_cast %get3A_363 : vector<16xf32> to vector<1x16xf32>
          tpu.vector_store %swap3A_714[%swap3A_715, %swap3A_716], %swap3A_719 {add = true, strides = array<i32>} : memref<512x64xf32, #tpu.memory_space<vmem>>, vector<1x16xf32>,
          %scan3A_720 = arith.constant 4 : i32
          %scan3A_721 = arith.addi %scan3A_554, %scan3A_720 : i32
          %mul3A_722 = arith.constant 1 : i32
          %mul3A_723 = arith.muli %scan3A_721, %mul3A_722 : i32
          %add3A_724 = arith.constant 128 : i32
          %add3A_725 = arith.addi %add3A_724, %mul3A_723 : i32
          %swap3A_726 = arith.constant 0 : i32
          %swap3A_727 = arith.constant 0 : i32
          %swap3A_728 = tpu.memref_slice %run_scoped3A_10[%rem3A_256, %swap3A_726, %swap3A_727] : memref<2x512x64xf32, #tpu.memory_space<vmem>> -> memref<1x512x64xf32, #tpu.memory_space<vmem>>
          %swap3A_729 = tpu.memref_squeeze %swap3A_728 : memref<1x512x64xf32, #tpu.memory_space<vmem>> -> memref<512x64xf32, #tpu.memory_space<vmem>>
          %swap3A_730 = arith.index_cast %add3A_725 : i32 to index
          %swap3A_731 = arith.constant 0 : index
          %swap3A_732 = tpu.vector_load %swap3A_729[%swap3A_730, %swap3A_731] {strides = array<i32>} : memref<512x64xf32, #tpu.memory_space<vmem>>, vector<1x16xf32>,
          %swap3A_733 = vector.shape_cast %swap3A_732 : vector<1x16xf32> to vector<16xf32>
          %swap3A_734 = vector.shape_cast %get3A_336 : vector<16xf32> to vector<1x16xf32>
          tpu.vector_store %swap3A_729[%swap3A_730, %swap3A_731], %swap3A_734 {add = true, strides = array<i32>} : memref<512x64xf32, #tpu.memory_space<vmem>>, vector<1x16xf32>,
          %swap3A_735 = arith.constant 0 : i32
          %swap3A_736 = arith.constant 0 : i32
          %swap3A_737 = tpu.memref_slice %run_scoped3A_10[%rem3A_256, %swap3A_735, %swap3A_736] : memref<2x512x64xf32, #tpu.memory_space<vmem>> -> memref<1x512x64xf32, #tpu.memory_space<vmem>>
          %swap3A_738 = tpu.memref_squeeze %swap3A_737 : memref<1x512x64xf32, #tpu.memory_space<vmem>> -> memref<512x64xf32, #tpu.memory_space<vmem>>
          %swap3A_739 = arith.index_cast %add3A_725 : i32 to index
          %swap3A_740 = arith.constant 16 : index
          %swap3A_741 = tpu.vector_load %swap3A_738[%swap3A_739, %swap3A_740] {strides = array<i32>} : memref<512x64xf32, #tpu.memory_space<vmem>>, vector<1x16xf32>,
          %swap3A_742 = vector.shape_cast %swap3A_741 : vector<1x16xf32> to vector<16xf32>
          %swap3A_743 = vector.shape_cast %get3A_345 : vector<16xf32> to vector<1x16xf32>
          tpu.vector_store %swap3A_738[%swap3A_739, %swap3A_740], %swap3A_743 {add = true, strides = array<i32>} : memref<512x64xf32, #tpu.memory_space<vmem>>, vector<1x16xf32>,
          %swap3A_744 = arith.constant 0 : i32
          %swap3A_745 = arith.constant 0 : i32
          %swap3A_746 = tpu.memref_slice %run_scoped3A_10[%rem3A_256, %swap3A_744, %swap3A_745] : memref<2x512x64xf32, #tpu.memory_space<vmem>> -> memref<1x512x64xf32, #tpu.memory_space<vmem>>
          %swap3A_747 = tpu.memref_squeeze %swap3A_746 : memref<1x512x64xf32, #tpu.memory_space<vmem>> -> memref<512x64xf32, #tpu.memory_space<vmem>>
          %swap3A_748 = arith.index_cast %add3A_725 : i32 to index
          %swap3A_749 = arith.constant 32 : index
          %swap3A_750 = tpu.vector_load %swap3A_747[%swap3A_748, %swap3A_749] {strides = array<i32>} : memref<512x64xf32, #tpu.memory_space<vmem>>, vector<1x16xf32>,
          %swap3A_751 = vector.shape_cast %swap3A_750 : vector<1x16xf32> to vector<16xf32>
          %swap3A_752 = vector.shape_cast %get3A_354 : vector<16xf32> to vector<1x16xf32>
          tpu.vector_store %swap3A_747[%swap3A_748, %swap3A_749], %swap3A_752 {add = true, strides = array<i32>} : memref<512x64xf32, #tpu.memory_space<vmem>>, vector<1x16xf32>,
          %swap3A_753 = arith.constant 0 : i32
          %swap3A_754 = arith.constant 0 : i32
          %swap3A_755 = tpu.memref_slice %run_scoped3A_10[%rem3A_256, %swap3A_753, %swap3A_754] : memref<2x512x64xf32, #tpu.memory_space<vmem>> -> memref<1x512x64xf32, #tpu.memory_space<vmem>>
          %swap3A_756 = tpu.memref_squeeze %swap3A_755 : memref<1x512x64xf32, #tpu.memory_space<vmem>> -> memref<512x64xf32, #tpu.memory_space<vmem>>
          %swap3A_757 = arith.index_cast %add3A_725 : i32 to index
          %swap3A_758 = arith.constant 48 : index
          %swap3A_759 = tpu.vector_load %swap3A_756[%swap3A_757, %swap3A_758] {strides = array<i32>} : memref<512x64xf32, #tpu.memory_space<vmem>>, vector<1x16xf32>,
          %swap3A_760 = vector.shape_cast %swap3A_759 : vector<1x16xf32> to vector<16xf32>
          %swap3A_761 = vector.shape_cast %get3A_363 : vector<16xf32> to vector<1x16xf32>
          tpu.vector_store %swap3A_756[%swap3A_757, %swap3A_758], %swap3A_761 {add = true, strides = array<i32>} : memref<512x64xf32, #tpu.memory_space<vmem>>, vector<1x16xf32>,
          %scan3A_762 = arith.constant 5 : i32
          %scan3A_763 = arith.addi %scan3A_554, %scan3A_762 : i32
          %mul3A_764 = arith.constant 1 : i32
          %mul3A_765 = arith.muli %scan3A_763, %mul3A_764 : i32
          %add3A_766 = arith.constant 128 : i32
          %add3A_767 = arith.addi %add3A_766, %mul3A_765 : i32
          %swap3A_768 = arith.constant 0 : i32
          %swap3A_769 = arith.constant 0 : i32
          %swap3A_770 = tpu.memref_slice %run_scoped3A_10[%rem3A_256, %swap3A_768, %swap3A_769] : memref<2x512x64xf32, #tpu.memory_space<vmem>> -> memref<1x512x64xf32, #tpu.memory_space<vmem>>
          %swap3A_771 = tpu.memref_squeeze %swap3A_770 : memref<1x512x64xf32, #tpu.memory_space<vmem>> -> memref<512x64xf32, #tpu.memory_space<vmem>>
          %swap3A_772 = arith.index_cast %add3A_767 : i32 to index
          %swap3A_773 = arith.constant 0 : index
          %swap3A_774 = tpu.vector_load %swap3A_771[%swap3A_772, %swap3A_773] {strides = array<i32>} : memref<512x64xf32, #tpu.memory_space<vmem>>, vector<1x16xf32>,
          %swap3A_775 = vector.shape_cast %swap3A_774 : vector<1x16xf32> to vector<16xf32>
          %swap3A_776 = vector.shape_cast %get3A_336 : vector<16xf32> to vector<1x16xf32>
          tpu.vector_store %swap3A_771[%swap3A_772, %swap3A_773], %swap3A_776 {add = true, strides = array<i32>} : memref<512x64xf32, #tpu.memory_space<vmem>>, vector<1x16xf32>,
          %swap3A_777 = arith.constant 0 : i32
          %swap3A_778 = arith.constant 0 : i32
          %swap3A_779 = tpu.memref_slice %run_scoped3A_10[%rem3A_256, %swap3A_777, %swap3A_778] : memref<2x512x64xf32, #tpu.memory_space<vmem>> -> memref<1x512x64xf32, #tpu.memory_space<vmem>>
          %swap3A_780 = tpu.memref_squeeze %swap3A_779 : memref<1x512x64xf32, #tpu.memory_space<vmem>> -> memref<512x64xf32, #tpu.memory_space<vmem>>
          %swap3A_781 = arith.index_cast %add3A_767 : i32 to index
          %swap3A_782 = arith.constant 16 : index
          %swap3A_783 = tpu.vector_load %swap3A_780[%swap3A_781, %swap3A_782] {strides = array<i32>} : memref<512x64xf32, #tpu.memory_space<vmem>>, vector<1x16xf32>,
          %swap3A_784 = vector.shape_cast %swap3A_783 : vector<1x16xf32> to vector<16xf32>
          %swap3A_785 = vector.shape_cast %get3A_345 : vector<16xf32> to vector<1x16xf32>
          tpu.vector_store %swap3A_780[%swap3A_781, %swap3A_782], %swap3A_785 {add = true, strides = array<i32>} : memref<512x64xf32, #tpu.memory_space<vmem>>, vector<1x16xf32>,
          %swap3A_786 = arith.constant 0 : i32
          %swap3A_787 = arith.constant 0 : i32
          %swap3A_788 = tpu.memref_slice %run_scoped3A_10[%rem3A_256, %swap3A_786, %swap3A_787] : memref<2x512x64xf32, #tpu.memory_space<vmem>> -> memref<1x512x64xf32, #tpu.memory_space<vmem>>
          %swap3A_789 = tpu.memref_squeeze %swap3A_788 : memref<1x512x64xf32, #tpu.memory_space<vmem>> -> memref<512x64xf32, #tpu.memory_space<vmem>>
          %swap3A_790 = arith.index_cast %add3A_767 : i32 to index
          %swap3A_791 = arith.constant 32 : index
          %swap3A_792 = tpu.vector_load %swap3A_789[%swap3A_790, %swap3A_791] {strides = array<i32>} : memref<512x64xf32, #tpu.memory_space<vmem>>, vector<1x16xf32>,
          %swap3A_793 = vector.shape_cast %swap3A_792 : vector<1x16xf32> to vector<16xf32>
          %swap3A_794 = vector.shape_cast %get3A_354 : vector<16xf32> to vector<1x16xf32>
          tpu.vector_store %swap3A_789[%swap3A_790, %swap3A_791], %swap3A_794 {add = true, strides = array<i32>} : memref<512x64xf32, #tpu.memory_space<vmem>>, vector<1x16xf32>,
          %swap3A_795 = arith.constant 0 : i32
          %swap3A_796 = arith.constant 0 : i32
          %swap3A_797 = tpu.memref_slice %run_scoped3A_10[%rem3A_256, %swap3A_795, %swap3A_796] : memref<2x512x64xf32, #tpu.memory_space<vmem>> -> memref<1x512x64xf32, #tpu.memory_space<vmem>>
          %swap3A_798 = tpu.memref_squeeze %swap3A_797 : memref<1x512x64xf32, #tpu.memory_space<vmem>> -> memref<512x64xf32, #tpu.memory_space<vmem>>
          %swap3A_799 = arith.index_cast %add3A_767 : i32 to index
          %swap3A_800 = arith.constant 48 : index
          %swap3A_801 = tpu.vector_load %swap3A_798[%swap3A_799, %swap3A_800] {strides = array<i32>} : memref<512x64xf32, #tpu.memory_space<vmem>>, vector<1x16xf32>,
          %swap3A_802 = vector.shape_cast %swap3A_801 : vector<1x16xf32> to vector<16xf32>
          %swap3A_803 = vector.shape_cast %get3A_363 : vector<16xf32> to vector<1x16xf32>
          tpu.vector_store %swap3A_798[%swap3A_799, %swap3A_800], %swap3A_803 {add = true, strides = array<i32>} : memref<512x64xf32, #tpu.memory_space<vmem>>, vector<1x16xf32>,
          %scan3A_804 = arith.constant 6 : i32
          %scan3A_805 = arith.addi %scan3A_554, %scan3A_804 : i32
          %mul3A_806 = arith.constant 1 : i32
          %mul3A_807 = arith.muli %scan3A_805, %mul3A_806 : i32
          %add3A_808 = arith.constant 128 : i32
          %add3A_809 = arith.addi %add3A_808, %mul3A_807 : i32
          %swap3A_810 = arith.constant 0 : i32
          %swap3A_811 = arith.constant 0 : i32
          %swap3A_812 = tpu.memref_slice %run_scoped3A_10[%rem3A_256, %swap3A_810, %swap3A_811] : memref<2x512x64xf32, #tpu.memory_space<vmem>> -> memref<1x512x64xf32, #tpu.memory_space<vmem>>
          %swap3A_813 = tpu.memref_squeeze %swap3A_812 : memref<1x512x64xf32, #tpu.memory_space<vmem>> -> memref<512x64xf32, #tpu.memory_space<vmem>>
          %swap3A_814 = arith.index_cast %add3A_809 : i32 to index
          %swap3A_815 = arith.constant 0 : index
          %swap3A_816 = tpu.vector_load %swap3A_813[%swap3A_814, %swap3A_815] {strides = array<i32>} : memref<512x64xf32, #tpu.memory_space<vmem>>, vector<1x16xf32>,
          %swap3A_817 = vector.shape_cast %swap3A_816 : vector<1x16xf32> to vector<16xf32>
          %swap3A_818 = vector.shape_cast %get3A_336 : vector<16xf32> to vector<1x16xf32>
          tpu.vector_store %swap3A_813[%swap3A_814, %swap3A_815], %swap3A_818 {add = true, strides = array<i32>} : memref<512x64xf32, #tpu.memory_space<vmem>>, vector<1x16xf32>,
          %swap3A_819 = arith.constant 0 : i32
          %swap3A_820 = arith.constant 0 : i32
          %swap3A_821 = tpu.memref_slice %run_scoped3A_10[%rem3A_256, %swap3A_819, %swap3A_820] : memref<2x512x64xf32, #tpu.memory_space<vmem>> -> memref<1x512x64xf32, #tpu.memory_space<vmem>>
          %swap3A_822 = tpu.memref_squeeze %swap3A_821 : memref<1x512x64xf32, #tpu.memory_space<vmem>> -> memref<512x64xf32, #tpu.memory_space<vmem>>
          %swap3A_823 = arith.index_cast %add3A_809 : i32 to index
          %swap3A_824 = arith.constant 16 : index
          %swap3A_825 = tpu.vector_load %swap3A_822[%swap3A_823, %swap3A_824] {strides = array<i32>} : memref<512x64xf32, #tpu.memory_space<vmem>>, vector<1x16xf32>,
          %swap3A_826 = vector.shape_cast %swap3A_825 : vector<1x16xf32> to vector<16xf32>
          %swap3A_827 = vector.shape_cast %get3A_345 : vector<16xf32> to vector<1x16xf32>
          tpu.vector_store %swap3A_822[%swap3A_823, %swap3A_824], %swap3A_827 {add = true, strides = array<i32>} : memref<512x64xf32, #tpu.memory_space<vmem>>, vector<1x16xf32>,
          %swap3A_828 = arith.constant 0 : i32
          %swap3A_829 = arith.constant 0 : i32
          %swap3A_830 = tpu.memref_slice %run_scoped3A_10[%rem3A_256, %swap3A_828, %swap3A_829] : memref<2x512x64xf32, #tpu.memory_space<vmem>> -> memref<1x512x64xf32, #tpu.memory_space<vmem>>
          %swap3A_831 = tpu.memref_squeeze %swap3A_830 : memref<1x512x64xf32, #tpu.memory_space<vmem>> -> memref<512x64xf32, #tpu.memory_space<vmem>>
          %swap3A_832 = arith.index_cast %add3A_809 : i32 to index
          %swap3A_833 = arith.constant 32 : index
          %swap3A_834 = tpu.vector_load %swap3A_831[%swap3A_832, %swap3A_833] {strides = array<i32>} : memref<512x64xf32, #tpu.memory_space<vmem>>, vector<1x16xf32>,
          %swap3A_835 = vector.shape_cast %swap3A_834 : vector<1x16xf32> to vector<16xf32>
          %swap3A_836 = vector.shape_cast %get3A_354 : vector<16xf32> to vector<1x16xf32>
          tpu.vector_store %swap3A_831[%swap3A_832, %swap3A_833], %swap3A_836 {add = true, strides = array<i32>} : memref<512x64xf32, #tpu.memory_space<vmem>>, vector<1x16xf32>,
          %swap3A_837 = arith.constant 0 : i32
          %swap3A_838 = arith.constant 0 : i32
          %swap3A_839 = tpu.memref_slice %run_scoped3A_10[%rem3A_256, %swap3A_837, %swap3A_838] : memref<2x512x64xf32, #tpu.memory_space<vmem>> -> memref<1x512x64xf32, #tpu.memory_space<vmem>>
          %swap3A_840 = tpu.memref_squeeze %swap3A_839 : memref<1x512x64xf32, #tpu.memory_space<vmem>> -> memref<512x64xf32, #tpu.memory_space<vmem>>
          %swap3A_841 = arith.index_cast %add3A_809 : i32 to index
          %swap3A_842 = arith.constant 48 : index
          %swap3A_843 = tpu.vector_load %swap3A_840[%swap3A_841, %swap3A_842] {strides = array<i32>} : memref<512x64xf32, #tpu.memory_space<vmem>>, vector<1x16xf32>,
          %swap3A_844 = vector.shape_cast %swap3A_843 : vector<1x16xf32> to vector<16xf32>
          %swap3A_845 = vector.shape_cast %get3A_363 : vector<16xf32> to vector<1x16xf32>
          tpu.vector_store %swap3A_840[%swap3A_841, %swap3A_842], %swap3A_845 {add = true, strides = array<i32>} : memref<512x64xf32, #tpu.memory_space<vmem>>, vector<1x16xf32>,
          %scan3A_846 = arith.constant 7 : i32
          %scan3A_847 = arith.addi %scan3A_554, %scan3A_846 : i32
          %mul3A_848 = arith.constant 1 : i32
          %mul3A_849 = arith.muli %scan3A_847, %mul3A_848 : i32
          %add3A_850 = arith.constant 128 : i32
          %add3A_851 = arith.addi %add3A_850, %mul3A_849 : i32
          %swap3A_852 = arith.constant 0 : i32
          %swap3A_853 = arith.constant 0 : i32
          %swap3A_854 = tpu.memref_slice %run_scoped3A_10[%rem3A_256, %swap3A_852, %swap3A_853] : memref<2x512x64xf32, #tpu.memory_space<vmem>> -> memref<1x512x64xf32, #tpu.memory_space<vmem>>
          %swap3A_855 = tpu.memref_squeeze %swap3A_854 : memref<1x512x64xf32, #tpu.memory_space<vmem>> -> memref<512x64xf32, #tpu.memory_space<vmem>>
          %swap3A_856 = arith.index_cast %add3A_851 : i32 to index
          %swap3A_857 = arith.constant 0 : index
          %swap3A_858 = tpu.vector_load %swap3A_855[%swap3A_856, %swap3A_857] {strides = array<i32>} : memref<512x64xf32, #tpu.memory_space<vmem>>, vector<1x16xf32>,
          %swap3A_859 = vector.shape_cast %swap3A_858 : vector<1x16xf32> to vector<16xf32>
          %swap3A_860 = vector.shape_cast %get3A_336 : vector<16xf32> to vector<1x16xf32>
          tpu.vector_store %swap3A_855[%swap3A_856, %swap3A_857], %swap3A_860 {add = true, strides = array<i32>} : memref<512x64xf32, #tpu.memory_space<vmem>>, vector<1x16xf32>,
          %swap3A_861 = arith.constant 0 : i32
          %swap3A_862 = arith.constant 0 : i32
          %swap3A_863 = tpu.memref_slice %run_scoped3A_10[%rem3A_256, %swap3A_861, %swap3A_862] : memref<2x512x64xf32, #tpu.memory_space<vmem>> -> memref<1x512x64xf32, #tpu.memory_space<vmem>>
          %swap3A_864 = tpu.memref_squeeze %swap3A_863 : memref<1x512x64xf32, #tpu.memory_space<vmem>> -> memref<512x64xf32, #tpu.memory_space<vmem>>
          %swap3A_865 = arith.index_cast %add3A_851 : i32 to index
          %swap3A_866 = arith.constant 16 : index
          %swap3A_867 = tpu.vector_load %swap3A_864[%swap3A_865, %swap3A_866] {strides = array<i32>} : memref<512x64xf32, #tpu.memory_space<vmem>>, vector<1x16xf32>,
          %swap3A_868 = vector.shape_cast %swap3A_867 : vector<1x16xf32> to vector<16xf32>
          %swap3A_869 = vector.shape_cast %get3A_345 : vector<16xf32> to vector<1x16xf32>
          tpu.vector_store %swap3A_864[%swap3A_865, %swap3A_866], %swap3A_869 {add = true, strides = array<i32>} : memref<512x64xf32, #tpu.memory_space<vmem>>, vector<1x16xf32>,
          %swap3A_870 = arith.constant 0 : i32
          %swap3A_871 = arith.constant 0 : i32
          %swap3A_872 = tpu.memref_slice %run_scoped3A_10[%rem3A_256, %swap3A_870, %swap3A_871] : memref<2x512x64xf32, #tpu.memory_space<vmem>> -> memref<1x512x64xf32, #tpu.memory_space<vmem>>
          %swap3A_873 = tpu.memref_squeeze %swap3A_872 : memref<1x512x64xf32, #tpu.memory_space<vmem>> -> memref<512x64xf32, #tpu.memory_space<vmem>>
          %swap3A_874 = arith.index_cast %add3A_851 : i32 to index
          %swap3A_875 = arith.constant 32 : index
          %swap3A_876 = tpu.vector_load %swap3A_873[%swap3A_874, %swap3A_875] {strides = array<i32>} : memref<512x64xf32, #tpu.memory_space<vmem>>, vector<1x16xf32>,
          %swap3A_877 = vector.shape_cast %swap3A_876 : vector<1x16xf32> to vector<16xf32>
          %swap3A_878 = vector.shape_cast %get3A_354 : vector<16xf32> to vector<1x16xf32>
          tpu.vector_store %swap3A_873[%swap3A_874, %swap3A_875], %swap3A_878 {add = true, strides = array<i32>} : memref<512x64xf32, #tpu.memory_space<vmem>>, vector<1x16xf32>,
          %swap3A_879 = arith.constant 0 : i32
          %swap3A_880 = arith.constant 0 : i32
          %swap3A_881 = tpu.memref_slice %run_scoped3A_10[%rem3A_256, %swap3A_879, %swap3A_880] : memref<2x512x64xf32, #tpu.memory_space<vmem>> -> memref<1x512x64xf32, #tpu.memory_space<vmem>>
          %swap3A_882 = tpu.memref_squeeze %swap3A_881 : memref<1x512x64xf32, #tpu.memory_space<vmem>> -> memref<512x64xf32, #tpu.memory_space<vmem>>
          %swap3A_883 = arith.index_cast %add3A_851 : i32 to index
          %swap3A_884 = arith.constant 48 : index
          %swap3A_885 = tpu.vector_load %swap3A_882[%swap3A_883, %swap3A_884] {strides = array<i32>} : memref<512x64xf32, #tpu.memory_space<vmem>>, vector<1x16xf32>,
          %swap3A_886 = vector.shape_cast %swap3A_885 : vector<1x16xf32> to vector<16xf32>
          %swap3A_887 = vector.shape_cast %get3A_363 : vector<16xf32> to vector<1x16xf32>
          tpu.vector_store %swap3A_882[%swap3A_883, %swap3A_884], %swap3A_887 {add = true, strides = array<i32>} : memref<512x64xf32, #tpu.memory_space<vmem>>, vector<1x16xf32>,
        }
        %scan3A_409 = arith.constant 128 : i32
        %dma_wait3A_410 = arith.constant 0 : i32
        %dma_wait3A_411 = arith.constant 0 : i32
        %dma_wait3A_412 = arith.constant 0 : i32
        %dma_wait3A_413 = tpu.memref_slice %run_scoped3A_10[%rem3A_256, %dma_wait3A_411, %dma_wait3A_412] : memref<2x512x64xf32, #tpu.memory_space<vmem>> -> memref<1x512x64xf32, #tpu.memory_space<vmem>>
        %dma_wait3A_414 = tpu.memref_squeeze %dma_wait3A_413 : memref<1x512x64xf32, #tpu.memory_space<vmem>> -> memref<512x64xf32, #tpu.memory_space<vmem>>
        %dma_wait3A_415 = arith.constant 256 : i32
        %dma_wait3A_416 = arith.constant 0 : i32
        %dma_wait3A_417 = tpu.memref_slice %dma_wait3A_414[%dma_wait3A_415, %dma_wait3A_416] : memref<512x64xf32, #tpu.memory_space<vmem>> -> memref<128x64xf32, #tpu.memory_space<vmem>>
        %dma_wait3A_418 = arith.constant 0 : i32
        %dma_wait3A_419 = arith.constant 0 : i32
        %dma_wait3A_420 = tpu.memref_slice %run_scoped3A[%rem3A_252, %dma_wait3A_418, %dma_wait3A_419] : memref<2x1x512xi32, #tpu.memory_space<vmem>> -> memref<1x1x512xi32, #tpu.memory_space<vmem>>
        %dma_wait3A_421 = tpu.memref_squeeze %dma_wait3A_420 : memref<1x1x512xi32, #tpu.memory_space<vmem>> -> memref<1x512xi32, #tpu.memory_space<vmem>>
        %dma_wait3A_422 = arith.constant 256 : i32
        %dma_wait3A_423 = tpu.memref_slice %dma_wait3A_421[%dma_wait3A_410, %dma_wait3A_422] : memref<1x512xi32, #tpu.memory_space<vmem>> -> memref<1x128xi32, #tpu.memory_space<vmem>>
        %dma_wait3A_424 = tpu.memref_squeeze %dma_wait3A_423 : memref<1x128xi32, #tpu.memory_space<vmem>> -> memref<128xi32, #tpu.memory_space<vmem>>
        %dma_wait3A_425 = arith.constant 0 : i32
        %dma_wait3A_426 = arith.constant 0 : i32
        %dma_wait3A_427 = tpu.memref_slice %arg2[%dma_wait3A_425, %dma_wait3A_426] : memref<100000x64xf32, #tpu.memory_space<hbm>> -> memref<100000x64xf32, #tpu.memory_space<hbm>>
        tpu.wait_indirect_dma semaphore(%arg8 : memref<!tpu.dma_semaphore, #tpu.memory_space<semaphore_mem>>) src(%dma_wait3A_427 : memref<100000x64xf32, #tpu.memory_space<hbm>>) dst(%dma_wait3A_417 : memref<128x64xf32, #tpu.memory_space<vmem>>)
        %scan3A_428 = arith.constant 0 : i32
        %scan3A_429 = arith.constant 128 : i32
        %scan3A_430 = arith.addi %scan3A_428, %scan3A_429 : i32
        %scan3A_431 = arith.constant 8 : i32
        scf.for %scan3A_554 = %scan3A_428 to %scan3A_430 step %scan3A_431  : i32 {
          %mul3A_555 = arith.constant 1 : i32
          %mul3A_556 = arith.muli %scan3A_554, %mul3A_555 : i32
          %add3A_557 = arith.constant 256 : i32
          %add3A_558 = arith.addi %add3A_557, %mul3A_556 : i32
          %swap3A = arith.constant 0 : i32
          %swap3A_559 = arith.constant 0 : i32
          %swap3A_560 = tpu.memref_slice %run_scoped3A_10[%rem3A_256, %swap3A, %swap3A_559] : memref<2x512x64xf32, #tpu.memory_space<vmem>> -> memref<1x512x64xf32, #tpu.memory_space<vmem>>
          %swap3A_561 = tpu.memref_squeeze %swap3A_560 : memref<1x512x64xf32, #tpu.memory_space<vmem>> -> memref<512x64xf32, #tpu.memory_space<vmem>>
          %swap3A_562 = arith.index_cast %add3A_558 : i32 to index
          %swap3A_563 = arith.constant 0 : index
          %swap3A_564 = tpu.vector_load %swap3A_561[%swap3A_562, %swap3A_563] {strides = array<i32>} : memref<512x64xf32, #tpu.memory_space<vmem>>, vector<1x16xf32>,
          %swap3A_565 = vector.shape_cast %swap3A_564 : vector<1x16xf32> to vector<16xf32>
          %swap3A_566 = vector.shape_cast %get3A_336 : vector<16xf32> to vector<1x16xf32>
          tpu.vector_store %swap3A_561[%swap3A_562, %swap3A_563], %swap3A_566 {add = true, strides = array<i32>} : memref<512x64xf32, #tpu.memory_space<vmem>>, vector<1x16xf32>,
          %swap3A_567 = arith.constant 0 : i32
          %swap3A_568 = arith.constant 0 : i32
          %swap3A_569 = tpu.memref_slice %run_scoped3A_10[%rem3A_256, %swap3A_567, %swap3A_568] : memref<2x512x64xf32, #tpu.memory_space<vmem>> -> memref<1x512x64xf32, #tpu.memory_space<vmem>>
          %swap3A_570 = tpu.memref_squeeze %swap3A_569 : memref<1x512x64xf32, #tpu.memory_space<vmem>> -> memref<512x64xf32, #tpu.memory_space<vmem>>
          %swap3A_571 = arith.index_cast %add3A_558 : i32 to index
          %swap3A_572 = arith.constant 16 : index
          %swap3A_573 = tpu.vector_load %swap3A_570[%swap3A_571, %swap3A_572] {strides = array<i32>} : memref<512x64xf32, #tpu.memory_space<vmem>>, vector<1x16xf32>,
          %swap3A_574 = vector.shape_cast %swap3A_573 : vector<1x16xf32> to vector<16xf32>
          %swap3A_575 = vector.shape_cast %get3A_345 : vector<16xf32> to vector<1x16xf32>
          tpu.vector_store %swap3A_570[%swap3A_571, %swap3A_572], %swap3A_575 {add = true, strides = array<i32>} : memref<512x64xf32, #tpu.memory_space<vmem>>, vector<1x16xf32>,
          %swap3A_576 = arith.constant 0 : i32
          %swap3A_577 = arith.constant 0 : i32
          %swap3A_578 = tpu.memref_slice %run_scoped3A_10[%rem3A_256, %swap3A_576, %swap3A_577] : memref<2x512x64xf32, #tpu.memory_space<vmem>> -> memref<1x512x64xf32, #tpu.memory_space<vmem>>
          %swap3A_579 = tpu.memref_squeeze %swap3A_578 : memref<1x512x64xf32, #tpu.memory_space<vmem>> -> memref<512x64xf32, #tpu.memory_space<vmem>>
          %swap3A_580 = arith.index_cast %add3A_558 : i32 to index
          %swap3A_581 = arith.constant 32 : index
          %swap3A_582 = tpu.vector_load %swap3A_579[%swap3A_580, %swap3A_581] {strides = array<i32>} : memref<512x64xf32, #tpu.memory_space<vmem>>, vector<1x16xf32>,
          %swap3A_583 = vector.shape_cast %swap3A_582 : vector<1x16xf32> to vector<16xf32>
          %swap3A_584 = vector.shape_cast %get3A_354 : vector<16xf32> to vector<1x16xf32>
          tpu.vector_store %swap3A_579[%swap3A_580, %swap3A_581], %swap3A_584 {add = true, strides = array<i32>} : memref<512x64xf32, #tpu.memory_space<vmem>>, vector<1x16xf32>,
          %swap3A_585 = arith.constant 0 : i32
          %swap3A_586 = arith.constant 0 : i32
          %swap3A_587 = tpu.memref_slice %run_scoped3A_10[%rem3A_256, %swap3A_585, %swap3A_586] : memref<2x512x64xf32, #tpu.memory_space<vmem>> -> memref<1x512x64xf32, #tpu.memory_space<vmem>>
          %swap3A_588 = tpu.memref_squeeze %swap3A_587 : memref<1x512x64xf32, #tpu.memory_space<vmem>> -> memref<512x64xf32, #tpu.memory_space<vmem>>
          %swap3A_589 = arith.index_cast %add3A_558 : i32 to index
          %swap3A_590 = arith.constant 48 : index
          %swap3A_591 = tpu.vector_load %swap3A_588[%swap3A_589, %swap3A_590] {strides = array<i32>} : memref<512x64xf32, #tpu.memory_space<vmem>>, vector<1x16xf32>,
          %swap3A_592 = vector.shape_cast %swap3A_591 : vector<1x16xf32> to vector<16xf32>
          %swap3A_593 = vector.shape_cast %get3A_363 : vector<16xf32> to vector<1x16xf32>
          tpu.vector_store %swap3A_588[%swap3A_589, %swap3A_590], %swap3A_593 {add = true, strides = array<i32>} : memref<512x64xf32, #tpu.memory_space<vmem>>, vector<1x16xf32>,
          %scan3A_594 = arith.constant 1 : i32
          %scan3A_595 = arith.addi %scan3A_554, %scan3A_594 : i32
          %mul3A_596 = arith.constant 1 : i32
          %mul3A_597 = arith.muli %scan3A_595, %mul3A_596 : i32
          %add3A_598 = arith.constant 256 : i32
          %add3A_599 = arith.addi %add3A_598, %mul3A_597 : i32
          %swap3A_600 = arith.constant 0 : i32
          %swap3A_601 = arith.constant 0 : i32
          %swap3A_602 = tpu.memref_slice %run_scoped3A_10[%rem3A_256, %swap3A_600, %swap3A_601] : memref<2x512x64xf32, #tpu.memory_space<vmem>> -> memref<1x512x64xf32, #tpu.memory_space<vmem>>
          %swap3A_603 = tpu.memref_squeeze %swap3A_602 : memref<1x512x64xf32, #tpu.memory_space<vmem>> -> memref<512x64xf32, #tpu.memory_space<vmem>>
          %swap3A_604 = arith.index_cast %add3A_599 : i32 to index
          %swap3A_605 = arith.constant 0 : index
          %swap3A_606 = tpu.vector_load %swap3A_603[%swap3A_604, %swap3A_605] {strides = array<i32>} : memref<512x64xf32, #tpu.memory_space<vmem>>, vector<1x16xf32>,
          %swap3A_607 = vector.shape_cast %swap3A_606 : vector<1x16xf32> to vector<16xf32>
          %swap3A_608 = vector.shape_cast %get3A_336 : vector<16xf32> to vector<1x16xf32>
          tpu.vector_store %swap3A_603[%swap3A_604, %swap3A_605], %swap3A_608 {add = true, strides = array<i32>} : memref<512x64xf32, #tpu.memory_space<vmem>>, vector<1x16xf32>,
          %swap3A_609 = arith.constant 0 : i32
          %swap3A_610 = arith.constant 0 : i32
          %swap3A_611 = tpu.memref_slice %run_scoped3A_10[%rem3A_256, %swap3A_609, %swap3A_610] : memref<2x512x64xf32, #tpu.memory_space<vmem>> -> memref<1x512x64xf32, #tpu.memory_space<vmem>>
          %swap3A_612 = tpu.memref_squeeze %swap3A_611 : memref<1x512x64xf32, #tpu.memory_space<vmem>> -> memref<512x64xf32, #tpu.memory_space<vmem>>
          %swap3A_613 = arith.index_cast %add3A_599 : i32 to index
          %swap3A_614 = arith.constant 16 : index
          %swap3A_615 = tpu.vector_load %swap3A_612[%swap3A_613, %swap3A_614] {strides = array<i32>} : memref<512x64xf32, #tpu.memory_space<vmem>>, vector<1x16xf32>,
          %swap3A_616 = vector.shape_cast %swap3A_615 : vector<1x16xf32> to vector<16xf32>
          %swap3A_617 = vector.shape_cast %get3A_345 : vector<16xf32> to vector<1x16xf32>
          tpu.vector_store %swap3A_612[%swap3A_613, %swap3A_614], %swap3A_617 {add = true, strides = array<i32>} : memref<512x64xf32, #tpu.memory_space<vmem>>, vector<1x16xf32>,
          %swap3A_618 = arith.constant 0 : i32
          %swap3A_619 = arith.constant 0 : i32
          %swap3A_620 = tpu.memref_slice %run_scoped3A_10[%rem3A_256, %swap3A_618, %swap3A_619] : memref<2x512x64xf32, #tpu.memory_space<vmem>> -> memref<1x512x64xf32, #tpu.memory_space<vmem>>
          %swap3A_621 = tpu.memref_squeeze %swap3A_620 : memref<1x512x64xf32, #tpu.memory_space<vmem>> -> memref<512x64xf32, #tpu.memory_space<vmem>>
          %swap3A_622 = arith.index_cast %add3A_599 : i32 to index
          %swap3A_623 = arith.constant 32 : index
          %swap3A_624 = tpu.vector_load %swap3A_621[%swap3A_622, %swap3A_623] {strides = array<i32>} : memref<512x64xf32, #tpu.memory_space<vmem>>, vector<1x16xf32>,
          %swap3A_625 = vector.shape_cast %swap3A_624 : vector<1x16xf32> to vector<16xf32>
          %swap3A_626 = vector.shape_cast %get3A_354 : vector<16xf32> to vector<1x16xf32>
          tpu.vector_store %swap3A_621[%swap3A_622, %swap3A_623], %swap3A_626 {add = true, strides = array<i32>} : memref<512x64xf32, #tpu.memory_space<vmem>>, vector<1x16xf32>,
          %swap3A_627 = arith.constant 0 : i32
          %swap3A_628 = arith.constant 0 : i32
          %swap3A_629 = tpu.memref_slice %run_scoped3A_10[%rem3A_256, %swap3A_627, %swap3A_628] : memref<2x512x64xf32, #tpu.memory_space<vmem>> -> memref<1x512x64xf32, #tpu.memory_space<vmem>>
          %swap3A_630 = tpu.memref_squeeze %swap3A_629 : memref<1x512x64xf32, #tpu.memory_space<vmem>> -> memref<512x64xf32, #tpu.memory_space<vmem>>
          %swap3A_631 = arith.index_cast %add3A_599 : i32 to index
          %swap3A_632 = arith.constant 48 : index
          %swap3A_633 = tpu.vector_load %swap3A_630[%swap3A_631, %swap3A_632] {strides = array<i32>} : memref<512x64xf32, #tpu.memory_space<vmem>>, vector<1x16xf32>,
          %swap3A_634 = vector.shape_cast %swap3A_633 : vector<1x16xf32> to vector<16xf32>
          %swap3A_635 = vector.shape_cast %get3A_363 : vector<16xf32> to vector<1x16xf32>
          tpu.vector_store %swap3A_630[%swap3A_631, %swap3A_632], %swap3A_635 {add = true, strides = array<i32>} : memref<512x64xf32, #tpu.memory_space<vmem>>, vector<1x16xf32>,
          %scan3A_636 = arith.constant 2 : i32
          %scan3A_637 = arith.addi %scan3A_554, %scan3A_636 : i32
          %mul3A_638 = arith.constant 1 : i32
          %mul3A_639 = arith.muli %scan3A_637, %mul3A_638 : i32
          %add3A_640 = arith.constant 256 : i32
          %add3A_641 = arith.addi %add3A_640, %mul3A_639 : i32
          %swap3A_642 = arith.constant 0 : i32
          %swap3A_643 = arith.constant 0 : i32
          %swap3A_644 = tpu.memref_slice %run_scoped3A_10[%rem3A_256, %swap3A_642, %swap3A_643] : memref<2x512x64xf32, #tpu.memory_space<vmem>> -> memref<1x512x64xf32, #tpu.memory_space<vmem>>
          %swap3A_645 = tpu.memref_squeeze %swap3A_644 : memref<1x512x64xf32, #tpu.memory_space<vmem>> -> memref<512x64xf32, #tpu.memory_space<vmem>>
          %swap3A_646 = arith.index_cast %add3A_641 : i32 to index
          %swap3A_647 = arith.constant 0 : index
          %swap3A_648 = tpu.vector_load %swap3A_645[%swap3A_646, %swap3A_647] {strides = array<i32>} : memref<512x64xf32, #tpu.memory_space<vmem>>, vector<1x16xf32>,
          %swap3A_649 = vector.shape_cast %swap3A_648 : vector<1x16xf32> to vector<16xf32>
          %swap3A_650 = vector.shape_cast %get3A_336 : vector<16xf32> to vector<1x16xf32>
          tpu.vector_store %swap3A_645[%swap3A_646, %swap3A_647], %swap3A_650 {add = true, strides = array<i32>} : memref<512x64xf32, #tpu.memory_space<vmem>>, vector<1x16xf32>,
          %swap3A_651 = arith.constant 0 : i32
          %swap3A_652 = arith.constant 0 : i32
          %swap3A_653 = tpu.memref_slice %run_scoped3A_10[%rem3A_256, %swap3A_651, %swap3A_652] : memref<2x512x64xf32, #tpu.memory_space<vmem>> -> memref<1x512x64xf32, #tpu.memory_space<vmem>>
          %swap3A_654 = tpu.memref_squeeze %swap3A_653 : memref<1x512x64xf32, #tpu.memory_space<vmem>> -> memref<512x64xf32, #tpu.memory_space<vmem>>
          %swap3A_655 = arith.index_cast %add3A_641 : i32 to index
          %swap3A_656 = arith.constant 16 : index
          %swap3A_657 = tpu.vector_load %swap3A_654[%swap3A_655, %swap3A_656] {strides = array<i32>} : memref<512x64xf32, #tpu.memory_space<vmem>>, vector<1x16xf32>,
          %swap3A_658 = vector.shape_cast %swap3A_657 : vector<1x16xf32> to vector<16xf32>
          %swap3A_659 = vector.shape_cast %get3A_345 : vector<16xf32> to vector<1x16xf32>
          tpu.vector_store %swap3A_654[%swap3A_655, %swap3A_656], %swap3A_659 {add = true, strides = array<i32>} : memref<512x64xf32, #tpu.memory_space<vmem>>, vector<1x16xf32>,
          %swap3A_660 = arith.constant 0 : i32
          %swap3A_661 = arith.constant 0 : i32
          %swap3A_662 = tpu.memref_slice %run_scoped3A_10[%rem3A_256, %swap3A_660, %swap3A_661] : memref<2x512x64xf32, #tpu.memory_space<vmem>> -> memref<1x512x64xf32, #tpu.memory_space<vmem>>
          %swap3A_663 = tpu.memref_squeeze %swap3A_662 : memref<1x512x64xf32, #tpu.memory_space<vmem>> -> memref<512x64xf32, #tpu.memory_space<vmem>>
          %swap3A_664 = arith.index_cast %add3A_641 : i32 to index
          %swap3A_665 = arith.constant 32 : index
          %swap3A_666 = tpu.vector_load %swap3A_663[%swap3A_664, %swap3A_665] {strides = array<i32>} : memref<512x64xf32, #tpu.memory_space<vmem>>, vector<1x16xf32>,
          %swap3A_667 = vector.shape_cast %swap3A_666 : vector<1x16xf32> to vector<16xf32>
          %swap3A_668 = vector.shape_cast %get3A_354 : vector<16xf32> to vector<1x16xf32>
          tpu.vector_store %swap3A_663[%swap3A_664, %swap3A_665], %swap3A_668 {add = true, strides = array<i32>} : memref<512x64xf32, #tpu.memory_space<vmem>>, vector<1x16xf32>,
          %swap3A_669 = arith.constant 0 : i32
          %swap3A_670 = arith.constant 0 : i32
          %swap3A_671 = tpu.memref_slice %run_scoped3A_10[%rem3A_256, %swap3A_669, %swap3A_670] : memref<2x512x64xf32, #tpu.memory_space<vmem>> -> memref<1x512x64xf32, #tpu.memory_space<vmem>>
          %swap3A_672 = tpu.memref_squeeze %swap3A_671 : memref<1x512x64xf32, #tpu.memory_space<vmem>> -> memref<512x64xf32, #tpu.memory_space<vmem>>
          %swap3A_673 = arith.index_cast %add3A_641 : i32 to index
          %swap3A_674 = arith.constant 48 : index
          %swap3A_675 = tpu.vector_load %swap3A_672[%swap3A_673, %swap3A_674] {strides = array<i32>} : memref<512x64xf32, #tpu.memory_space<vmem>>, vector<1x16xf32>,
          %swap3A_676 = vector.shape_cast %swap3A_675 : vector<1x16xf32> to vector<16xf32>
          %swap3A_677 = vector.shape_cast %get3A_363 : vector<16xf32> to vector<1x16xf32>
          tpu.vector_store %swap3A_672[%swap3A_673, %swap3A_674], %swap3A_677 {add = true, strides = array<i32>} : memref<512x64xf32, #tpu.memory_space<vmem>>, vector<1x16xf32>,
          %scan3A_678 = arith.constant 3 : i32
          %scan3A_679 = arith.addi %scan3A_554, %scan3A_678 : i32
          %mul3A_680 = arith.constant 1 : i32
          %mul3A_681 = arith.muli %scan3A_679, %mul3A_680 : i32
          %add3A_682 = arith.constant 256 : i32
          %add3A_683 = arith.addi %add3A_682, %mul3A_681 : i32
          %swap3A_684 = arith.constant 0 : i32
          %swap3A_685 = arith.constant 0 : i32
          %swap3A_686 = tpu.memref_slice %run_scoped3A_10[%rem3A_256, %swap3A_684, %swap3A_685] : memref<2x512x64xf32, #tpu.memory_space<vmem>> -> memref<1x512x64xf32, #tpu.memory_space<vmem>>
          %swap3A_687 = tpu.memref_squeeze %swap3A_686 : memref<1x512x64xf32, #tpu.memory_space<vmem>> -> memref<512x64xf32, #tpu.memory_space<vmem>>
          %swap3A_688 = arith.index_cast %add3A_683 : i32 to index
          %swap3A_689 = arith.constant 0 : index
          %swap3A_690 = tpu.vector_load %swap3A_687[%swap3A_688, %swap3A_689] {strides = array<i32>} : memref<512x64xf32, #tpu.memory_space<vmem>>, vector<1x16xf32>,
          %swap3A_691 = vector.shape_cast %swap3A_690 : vector<1x16xf32> to vector<16xf32>
          %swap3A_692 = vector.shape_cast %get3A_336 : vector<16xf32> to vector<1x16xf32>
          tpu.vector_store %swap3A_687[%swap3A_688, %swap3A_689], %swap3A_692 {add = true, strides = array<i32>} : memref<512x64xf32, #tpu.memory_space<vmem>>, vector<1x16xf32>,
          %swap3A_693 = arith.constant 0 : i32
          %swap3A_694 = arith.constant 0 : i32
          %swap3A_695 = tpu.memref_slice %run_scoped3A_10[%rem3A_256, %swap3A_693, %swap3A_694] : memref<2x512x64xf32, #tpu.memory_space<vmem>> -> memref<1x512x64xf32, #tpu.memory_space<vmem>>
          %swap3A_696 = tpu.memref_squeeze %swap3A_695 : memref<1x512x64xf32, #tpu.memory_space<vmem>> -> memref<512x64xf32, #tpu.memory_space<vmem>>
          %swap3A_697 = arith.index_cast %add3A_683 : i32 to index
          %swap3A_698 = arith.constant 16 : index
          %swap3A_699 = tpu.vector_load %swap3A_696[%swap3A_697, %swap3A_698] {strides = array<i32>} : memref<512x64xf32, #tpu.memory_space<vmem>>, vector<1x16xf32>,
          %swap3A_700 = vector.shape_cast %swap3A_699 : vector<1x16xf32> to vector<16xf32>
          %swap3A_701 = vector.shape_cast %get3A_345 : vector<16xf32> to vector<1x16xf32>
          tpu.vector_store %swap3A_696[%swap3A_697, %swap3A_698], %swap3A_701 {add = true, strides = array<i32>} : memref<512x64xf32, #tpu.memory_space<vmem>>, vector<1x16xf32>,
          %swap3A_702 = arith.constant 0 : i32
          %swap3A_703 = arith.constant 0 : i32
          %swap3A_704 = tpu.memref_slice %run_scoped3A_10[%rem3A_256, %swap3A_702, %swap3A_703] : memref<2x512x64xf32, #tpu.memory_space<vmem>> -> memref<1x512x64xf32, #tpu.memory_space<vmem>>
          %swap3A_705 = tpu.memref_squeeze %swap3A_704 : memref<1x512x64xf32, #tpu.memory_space<vmem>> -> memref<512x64xf32, #tpu.memory_space<vmem>>
          %swap3A_706 = arith.index_cast %add3A_683 : i32 to index
          %swap3A_707 = arith.constant 32 : index
          %swap3A_708 = tpu.vector_load %swap3A_705[%swap3A_706, %swap3A_707] {strides = array<i32>} : memref<512x64xf32, #tpu.memory_space<vmem>>, vector<1x16xf32>,
          %swap3A_709 = vector.shape_cast %swap3A_708 : vector<1x16xf32> to vector<16xf32>
          %swap3A_710 = vector.shape_cast %get3A_354 : vector<16xf32> to vector<1x16xf32>
          tpu.vector_store %swap3A_705[%swap3A_706, %swap3A_707], %swap3A_710 {add = true, strides = array<i32>} : memref<512x64xf32, #tpu.memory_space<vmem>>, vector<1x16xf32>,
          %swap3A_711 = arith.constant 0 : i32
          %swap3A_712 = arith.constant 0 : i32
          %swap3A_713 = tpu.memref_slice %run_scoped3A_10[%rem3A_256, %swap3A_711, %swap3A_712] : memref<2x512x64xf32, #tpu.memory_space<vmem>> -> memref<1x512x64xf32, #tpu.memory_space<vmem>>
          %swap3A_714 = tpu.memref_squeeze %swap3A_713 : memref<1x512x64xf32, #tpu.memory_space<vmem>> -> memref<512x64xf32, #tpu.memory_space<vmem>>
          %swap3A_715 = arith.index_cast %add3A_683 : i32 to index
          %swap3A_716 = arith.constant 48 : index
          %swap3A_717 = tpu.vector_load %swap3A_714[%swap3A_715, %swap3A_716] {strides = array<i32>} : memref<512x64xf32, #tpu.memory_space<vmem>>, vector<1x16xf32>,
          %swap3A_718 = vector.shape_cast %swap3A_717 : vector<1x16xf32> to vector<16xf32>
          %swap3A_719 = vector.shape_cast %get3A_363 : vector<16xf32> to vector<1x16xf32>
          tpu.vector_store %swap3A_714[%swap3A_715, %swap3A_716], %swap3A_719 {add = true, strides = array<i32>} : memref<512x64xf32, #tpu.memory_space<vmem>>, vector<1x16xf32>,
          %scan3A_720 = arith.constant 4 : i32
          %scan3A_721 = arith.addi %scan3A_554, %scan3A_720 : i32
          %mul3A_722 = arith.constant 1 : i32
          %mul3A_723 = arith.muli %scan3A_721, %mul3A_722 : i32
          %add3A_724 = arith.constant 256 : i32
          %add3A_725 = arith.addi %add3A_724, %mul3A_723 : i32
          %swap3A_726 = arith.constant 0 : i32
          %swap3A_727 = arith.constant 0 : i32
          %swap3A_728 = tpu.memref_slice %run_scoped3A_10[%rem3A_256, %swap3A_726, %swap3A_727] : memref<2x512x64xf32, #tpu.memory_space<vmem>> -> memref<1x512x64xf32, #tpu.memory_space<vmem>>
          %swap3A_729 = tpu.memref_squeeze %swap3A_728 : memref<1x512x64xf32, #tpu.memory_space<vmem>> -> memref<512x64xf32, #tpu.memory_space<vmem>>
          %swap3A_730 = arith.index_cast %add3A_725 : i32 to index
          %swap3A_731 = arith.constant 0 : index
          %swap3A_732 = tpu.vector_load %swap3A_729[%swap3A_730, %swap3A_731] {strides = array<i32>} : memref<512x64xf32, #tpu.memory_space<vmem>>, vector<1x16xf32>,
          %swap3A_733 = vector.shape_cast %swap3A_732 : vector<1x16xf32> to vector<16xf32>
          %swap3A_734 = vector.shape_cast %get3A_336 : vector<16xf32> to vector<1x16xf32>
          tpu.vector_store %swap3A_729[%swap3A_730, %swap3A_731], %swap3A_734 {add = true, strides = array<i32>} : memref<512x64xf32, #tpu.memory_space<vmem>>, vector<1x16xf32>,
          %swap3A_735 = arith.constant 0 : i32
          %swap3A_736 = arith.constant 0 : i32
          %swap3A_737 = tpu.memref_slice %run_scoped3A_10[%rem3A_256, %swap3A_735, %swap3A_736] : memref<2x512x64xf32, #tpu.memory_space<vmem>> -> memref<1x512x64xf32, #tpu.memory_space<vmem>>
          %swap3A_738 = tpu.memref_squeeze %swap3A_737 : memref<1x512x64xf32, #tpu.memory_space<vmem>> -> memref<512x64xf32, #tpu.memory_space<vmem>>
          %swap3A_739 = arith.index_cast %add3A_725 : i32 to index
          %swap3A_740 = arith.constant 16 : index
          %swap3A_741 = tpu.vector_load %swap3A_738[%swap3A_739, %swap3A_740] {strides = array<i32>} : memref<512x64xf32, #tpu.memory_space<vmem>>, vector<1x16xf32>,
          %swap3A_742 = vector.shape_cast %swap3A_741 : vector<1x16xf32> to vector<16xf32>
          %swap3A_743 = vector.shape_cast %get3A_345 : vector<16xf32> to vector<1x16xf32>
          tpu.vector_store %swap3A_738[%swap3A_739, %swap3A_740], %swap3A_743 {add = true, strides = array<i32>} : memref<512x64xf32, #tpu.memory_space<vmem>>, vector<1x16xf32>,
          %swap3A_744 = arith.constant 0 : i32
          %swap3A_745 = arith.constant 0 : i32
          %swap3A_746 = tpu.memref_slice %run_scoped3A_10[%rem3A_256, %swap3A_744, %swap3A_745] : memref<2x512x64xf32, #tpu.memory_space<vmem>> -> memref<1x512x64xf32, #tpu.memory_space<vmem>>
          %swap3A_747 = tpu.memref_squeeze %swap3A_746 : memref<1x512x64xf32, #tpu.memory_space<vmem>> -> memref<512x64xf32, #tpu.memory_space<vmem>>
          %swap3A_748 = arith.index_cast %add3A_725 : i32 to index
          %swap3A_749 = arith.constant 32 : index
          %swap3A_750 = tpu.vector_load %swap3A_747[%swap3A_748, %swap3A_749] {strides = array<i32>} : memref<512x64xf32, #tpu.memory_space<vmem>>, vector<1x16xf32>,
          %swap3A_751 = vector.shape_cast %swap3A_750 : vector<1x16xf32> to vector<16xf32>
          %swap3A_752 = vector.shape_cast %get3A_354 : vector<16xf32> to vector<1x16xf32>
          tpu.vector_store %swap3A_747[%swap3A_748, %swap3A_749], %swap3A_752 {add = true, strides = array<i32>} : memref<512x64xf32, #tpu.memory_space<vmem>>, vector<1x16xf32>,
          %swap3A_753 = arith.constant 0 : i32
          %swap3A_754 = arith.constant 0 : i32
          %swap3A_755 = tpu.memref_slice %run_scoped3A_10[%rem3A_256, %swap3A_753, %swap3A_754] : memref<2x512x64xf32, #tpu.memory_space<vmem>> -> memref<1x512x64xf32, #tpu.memory_space<vmem>>
          %swap3A_756 = tpu.memref_squeeze %swap3A_755 : memref<1x512x64xf32, #tpu.memory_space<vmem>> -> memref<512x64xf32, #tpu.memory_space<vmem>>
          %swap3A_757 = arith.index_cast %add3A_725 : i32 to index
          %swap3A_758 = arith.constant 48 : index
          %swap3A_759 = tpu.vector_load %swap3A_756[%swap3A_757, %swap3A_758] {strides = array<i32>} : memref<512x64xf32, #tpu.memory_space<vmem>>, vector<1x16xf32>,
          %swap3A_760 = vector.shape_cast %swap3A_759 : vector<1x16xf32> to vector<16xf32>
          %swap3A_761 = vector.shape_cast %get3A_363 : vector<16xf32> to vector<1x16xf32>
          tpu.vector_store %swap3A_756[%swap3A_757, %swap3A_758], %swap3A_761 {add = true, strides = array<i32>} : memref<512x64xf32, #tpu.memory_space<vmem>>, vector<1x16xf32>,
          %scan3A_762 = arith.constant 5 : i32
          %scan3A_763 = arith.addi %scan3A_554, %scan3A_762 : i32
          %mul3A_764 = arith.constant 1 : i32
          %mul3A_765 = arith.muli %scan3A_763, %mul3A_764 : i32
          %add3A_766 = arith.constant 256 : i32
          %add3A_767 = arith.addi %add3A_766, %mul3A_765 : i32
          %swap3A_768 = arith.constant 0 : i32
          %swap3A_769 = arith.constant 0 : i32
          %swap3A_770 = tpu.memref_slice %run_scoped3A_10[%rem3A_256, %swap3A_768, %swap3A_769] : memref<2x512x64xf32, #tpu.memory_space<vmem>> -> memref<1x512x64xf32, #tpu.memory_space<vmem>>
          %swap3A_771 = tpu.memref_squeeze %swap3A_770 : memref<1x512x64xf32, #tpu.memory_space<vmem>> -> memref<512x64xf32, #tpu.memory_space<vmem>>
          %swap3A_772 = arith.index_cast %add3A_767 : i32 to index
          %swap3A_773 = arith.constant 0 : index
          %swap3A_774 = tpu.vector_load %swap3A_771[%swap3A_772, %swap3A_773] {strides = array<i32>} : memref<512x64xf32, #tpu.memory_space<vmem>>, vector<1x16xf32>,
          %swap3A_775 = vector.shape_cast %swap3A_774 : vector<1x16xf32> to vector<16xf32>
          %swap3A_776 = vector.shape_cast %get3A_336 : vector<16xf32> to vector<1x16xf32>
          tpu.vector_store %swap3A_771[%swap3A_772, %swap3A_773], %swap3A_776 {add = true, strides = array<i32>} : memref<512x64xf32, #tpu.memory_space<vmem>>, vector<1x16xf32>,
          %swap3A_777 = arith.constant 0 : i32
          %swap3A_778 = arith.constant 0 : i32
          %swap3A_779 = tpu.memref_slice %run_scoped3A_10[%rem3A_256, %swap3A_777, %swap3A_778] : memref<2x512x64xf32, #tpu.memory_space<vmem>> -> memref<1x512x64xf32, #tpu.memory_space<vmem>>
          %swap3A_780 = tpu.memref_squeeze %swap3A_779 : memref<1x512x64xf32, #tpu.memory_space<vmem>> -> memref<512x64xf32, #tpu.memory_space<vmem>>
          %swap3A_781 = arith.index_cast %add3A_767 : i32 to index
          %swap3A_782 = arith.constant 16 : index
          %swap3A_783 = tpu.vector_load %swap3A_780[%swap3A_781, %swap3A_782] {strides = array<i32>} : memref<512x64xf32, #tpu.memory_space<vmem>>, vector<1x16xf32>,
          %swap3A_784 = vector.shape_cast %swap3A_783 : vector<1x16xf32> to vector<16xf32>
          %swap3A_785 = vector.shape_cast %get3A_345 : vector<16xf32> to vector<1x16xf32>
          tpu.vector_store %swap3A_780[%swap3A_781, %swap3A_782], %swap3A_785 {add = true, strides = array<i32>} : memref<512x64xf32, #tpu.memory_space<vmem>>, vector<1x16xf32>,
          %swap3A_786 = arith.constant 0 : i32
          %swap3A_787 = arith.constant 0 : i32
          %swap3A_788 = tpu.memref_slice %run_scoped3A_10[%rem3A_256, %swap3A_786, %swap3A_787] : memref<2x512x64xf32, #tpu.memory_space<vmem>> -> memref<1x512x64xf32, #tpu.memory_space<vmem>>
          %swap3A_789 = tpu.memref_squeeze %swap3A_788 : memref<1x512x64xf32, #tpu.memory_space<vmem>> -> memref<512x64xf32, #tpu.memory_space<vmem>>
          %swap3A_790 = arith.index_cast %add3A_767 : i32 to index
          %swap3A_791 = arith.constant 32 : index
          %swap3A_792 = tpu.vector_load %swap3A_789[%swap3A_790, %swap3A_791] {strides = array<i32>} : memref<512x64xf32, #tpu.memory_space<vmem>>, vector<1x16xf32>,
          %swap3A_793 = vector.shape_cast %swap3A_792 : vector<1x16xf32> to vector<16xf32>
          %swap3A_794 = vector.shape_cast %get3A_354 : vector<16xf32> to vector<1x16xf32>
          tpu.vector_store %swap3A_789[%swap3A_790, %swap3A_791], %swap3A_794 {add = true, strides = array<i32>} : memref<512x64xf32, #tpu.memory_space<vmem>>, vector<1x16xf32>,
          %swap3A_795 = arith.constant 0 : i32
          %swap3A_796 = arith.constant 0 : i32
          %swap3A_797 = tpu.memref_slice %run_scoped3A_10[%rem3A_256, %swap3A_795, %swap3A_796] : memref<2x512x64xf32, #tpu.memory_space<vmem>> -> memref<1x512x64xf32, #tpu.memory_space<vmem>>
          %swap3A_798 = tpu.memref_squeeze %swap3A_797 : memref<1x512x64xf32, #tpu.memory_space<vmem>> -> memref<512x64xf32, #tpu.memory_space<vmem>>
          %swap3A_799 = arith.index_cast %add3A_767 : i32 to index
          %swap3A_800 = arith.constant 48 : index
          %swap3A_801 = tpu.vector_load %swap3A_798[%swap3A_799, %swap3A_800] {strides = array<i32>} : memref<512x64xf32, #tpu.memory_space<vmem>>, vector<1x16xf32>,
          %swap3A_802 = vector.shape_cast %swap3A_801 : vector<1x16xf32> to vector<16xf32>
          %swap3A_803 = vector.shape_cast %get3A_363 : vector<16xf32> to vector<1x16xf32>
          tpu.vector_store %swap3A_798[%swap3A_799, %swap3A_800], %swap3A_803 {add = true, strides = array<i32>} : memref<512x64xf32, #tpu.memory_space<vmem>>, vector<1x16xf32>,
          %scan3A_804 = arith.constant 6 : i32
          %scan3A_805 = arith.addi %scan3A_554, %scan3A_804 : i32
          %mul3A_806 = arith.constant 1 : i32
          %mul3A_807 = arith.muli %scan3A_805, %mul3A_806 : i32
          %add3A_808 = arith.constant 256 : i32
          %add3A_809 = arith.addi %add3A_808, %mul3A_807 : i32
          %swap3A_810 = arith.constant 0 : i32
          %swap3A_811 = arith.constant 0 : i32
          %swap3A_812 = tpu.memref_slice %run_scoped3A_10[%rem3A_256, %swap3A_810, %swap3A_811] : memref<2x512x64xf32, #tpu.memory_space<vmem>> -> memref<1x512x64xf32, #tpu.memory_space<vmem>>
          %swap3A_813 = tpu.memref_squeeze %swap3A_812 : memref<1x512x64xf32, #tpu.memory_space<vmem>> -> memref<512x64xf32, #tpu.memory_space<vmem>>
          %swap3A_814 = arith.index_cast %add3A_809 : i32 to index
          %swap3A_815 = arith.constant 0 : index
          %swap3A_816 = tpu.vector_load %swap3A_813[%swap3A_814, %swap3A_815] {strides = array<i32>} : memref<512x64xf32, #tpu.memory_space<vmem>>, vector<1x16xf32>,
          %swap3A_817 = vector.shape_cast %swap3A_816 : vector<1x16xf32> to vector<16xf32>
          %swap3A_818 = vector.shape_cast %get3A_336 : vector<16xf32> to vector<1x16xf32>
          tpu.vector_store %swap3A_813[%swap3A_814, %swap3A_815], %swap3A_818 {add = true, strides = array<i32>} : memref<512x64xf32, #tpu.memory_space<vmem>>, vector<1x16xf32>,
          %swap3A_819 = arith.constant 0 : i32
          %swap3A_820 = arith.constant 0 : i32
          %swap3A_821 = tpu.memref_slice %run_scoped3A_10[%rem3A_256, %swap3A_819, %swap3A_820] : memref<2x512x64xf32, #tpu.memory_space<vmem>> -> memref<1x512x64xf32, #tpu.memory_space<vmem>>
          %swap3A_822 = tpu.memref_squeeze %swap3A_821 : memref<1x512x64xf32, #tpu.memory_space<vmem>> -> memref<512x64xf32, #tpu.memory_space<vmem>>
          %swap3A_823 = arith.index_cast %add3A_809 : i32 to index
          %swap3A_824 = arith.constant 16 : index
          %swap3A_825 = tpu.vector_load %swap3A_822[%swap3A_823, %swap3A_824] {strides = array<i32>} : memref<512x64xf32, #tpu.memory_space<vmem>>, vector<1x16xf32>,
          %swap3A_826 = vector.shape_cast %swap3A_825 : vector<1x16xf32> to vector<16xf32>
          %swap3A_827 = vector.shape_cast %get3A_345 : vector<16xf32> to vector<1x16xf32>
          tpu.vector_store %swap3A_822[%swap3A_823, %swap3A_824], %swap3A_827 {add = true, strides = array<i32>} : memref<512x64xf32, #tpu.memory_space<vmem>>, vector<1x16xf32>,
          %swap3A_828 = arith.constant 0 : i32
          %swap3A_829 = arith.constant 0 : i32
          %swap3A_830 = tpu.memref_slice %run_scoped3A_10[%rem3A_256, %swap3A_828, %swap3A_829] : memref<2x512x64xf32, #tpu.memory_space<vmem>> -> memref<1x512x64xf32, #tpu.memory_space<vmem>>
          %swap3A_831 = tpu.memref_squeeze %swap3A_830 : memref<1x512x64xf32, #tpu.memory_space<vmem>> -> memref<512x64xf32, #tpu.memory_space<vmem>>
          %swap3A_832 = arith.index_cast %add3A_809 : i32 to index
          %swap3A_833 = arith.constant 32 : index
          %swap3A_834 = tpu.vector_load %swap3A_831[%swap3A_832, %swap3A_833] {strides = array<i32>} : memref<512x64xf32, #tpu.memory_space<vmem>>, vector<1x16xf32>,
          %swap3A_835 = vector.shape_cast %swap3A_834 : vector<1x16xf32> to vector<16xf32>
          %swap3A_836 = vector.shape_cast %get3A_354 : vector<16xf32> to vector<1x16xf32>
          tpu.vector_store %swap3A_831[%swap3A_832, %swap3A_833], %swap3A_836 {add = true, strides = array<i32>} : memref<512x64xf32, #tpu.memory_space<vmem>>, vector<1x16xf32>,
          %swap3A_837 = arith.constant 0 : i32
          %swap3A_838 = arith.constant 0 : i32
          %swap3A_839 = tpu.memref_slice %run_scoped3A_10[%rem3A_256, %swap3A_837, %swap3A_838] : memref<2x512x64xf32, #tpu.memory_space<vmem>> -> memref<1x512x64xf32, #tpu.memory_space<vmem>>
          %swap3A_840 = tpu.memref_squeeze %swap3A_839 : memref<1x512x64xf32, #tpu.memory_space<vmem>> -> memref<512x64xf32, #tpu.memory_space<vmem>>
          %swap3A_841 = arith.index_cast %add3A_809 : i32 to index
          %swap3A_842 = arith.constant 48 : index
          %swap3A_843 = tpu.vector_load %swap3A_840[%swap3A_841, %swap3A_842] {strides = array<i32>} : memref<512x64xf32, #tpu.memory_space<vmem>>, vector<1x16xf32>,
          %swap3A_844 = vector.shape_cast %swap3A_843 : vector<1x16xf32> to vector<16xf32>
          %swap3A_845 = vector.shape_cast %get3A_363 : vector<16xf32> to vector<1x16xf32>
          tpu.vector_store %swap3A_840[%swap3A_841, %swap3A_842], %swap3A_845 {add = true, strides = array<i32>} : memref<512x64xf32, #tpu.memory_space<vmem>>, vector<1x16xf32>,
          %scan3A_846 = arith.constant 7 : i32
          %scan3A_847 = arith.addi %scan3A_554, %scan3A_846 : i32
          %mul3A_848 = arith.constant 1 : i32
          %mul3A_849 = arith.muli %scan3A_847, %mul3A_848 : i32
          %add3A_850 = arith.constant 256 : i32
          %add3A_851 = arith.addi %add3A_850, %mul3A_849 : i32
          %swap3A_852 = arith.constant 0 : i32
          %swap3A_853 = arith.constant 0 : i32
          %swap3A_854 = tpu.memref_slice %run_scoped3A_10[%rem3A_256, %swap3A_852, %swap3A_853] : memref<2x512x64xf32, #tpu.memory_space<vmem>> -> memref<1x512x64xf32, #tpu.memory_space<vmem>>
          %swap3A_855 = tpu.memref_squeeze %swap3A_854 : memref<1x512x64xf32, #tpu.memory_space<vmem>> -> memref<512x64xf32, #tpu.memory_space<vmem>>
          %swap3A_856 = arith.index_cast %add3A_851 : i32 to index
          %swap3A_857 = arith.constant 0 : index
          %swap3A_858 = tpu.vector_load %swap3A_855[%swap3A_856, %swap3A_857] {strides = array<i32>} : memref<512x64xf32, #tpu.memory_space<vmem>>, vector<1x16xf32>,
          %swap3A_859 = vector.shape_cast %swap3A_858 : vector<1x16xf32> to vector<16xf32>
          %swap3A_860 = vector.shape_cast %get3A_336 : vector<16xf32> to vector<1x16xf32>
          tpu.vector_store %swap3A_855[%swap3A_856, %swap3A_857], %swap3A_860 {add = true, strides = array<i32>} : memref<512x64xf32, #tpu.memory_space<vmem>>, vector<1x16xf32>,
          %swap3A_861 = arith.constant 0 : i32
          %swap3A_862 = arith.constant 0 : i32
          %swap3A_863 = tpu.memref_slice %run_scoped3A_10[%rem3A_256, %swap3A_861, %swap3A_862] : memref<2x512x64xf32, #tpu.memory_space<vmem>> -> memref<1x512x64xf32, #tpu.memory_space<vmem>>
          %swap3A_864 = tpu.memref_squeeze %swap3A_863 : memref<1x512x64xf32, #tpu.memory_space<vmem>> -> memref<512x64xf32, #tpu.memory_space<vmem>>
          %swap3A_865 = arith.index_cast %add3A_851 : i32 to index
          %swap3A_866 = arith.constant 16 : index
          %swap3A_867 = tpu.vector_load %swap3A_864[%swap3A_865, %swap3A_866] {strides = array<i32>} : memref<512x64xf32, #tpu.memory_space<vmem>>, vector<1x16xf32>,
          %swap3A_868 = vector.shape_cast %swap3A_867 : vector<1x16xf32> to vector<16xf32>
          %swap3A_869 = vector.shape_cast %get3A_345 : vector<16xf32> to vector<1x16xf32>
          tpu.vector_store %swap3A_864[%swap3A_865, %swap3A_866], %swap3A_869 {add = true, strides = array<i32>} : memref<512x64xf32, #tpu.memory_space<vmem>>, vector<1x16xf32>,
          %swap3A_870 = arith.constant 0 : i32
          %swap3A_871 = arith.constant 0 : i32
          %swap3A_872 = tpu.memref_slice %run_scoped3A_10[%rem3A_256, %swap3A_870, %swap3A_871] : memref<2x512x64xf32, #tpu.memory_space<vmem>> -> memref<1x512x64xf32, #tpu.memory_space<vmem>>
          %swap3A_873 = tpu.memref_squeeze %swap3A_872 : memref<1x512x64xf32, #tpu.memory_space<vmem>> -> memref<512x64xf32, #tpu.memory_space<vmem>>
          %swap3A_874 = arith.index_cast %add3A_851 : i32 to index
          %swap3A_875 = arith.constant 32 : index
          %swap3A_876 = tpu.vector_load %swap3A_873[%swap3A_874, %swap3A_875] {strides = array<i32>} : memref<512x64xf32, #tpu.memory_space<vmem>>, vector<1x16xf32>,
          %swap3A_877 = vector.shape_cast %swap3A_876 : vector<1x16xf32> to vector<16xf32>
          %swap3A_878 = vector.shape_cast %get3A_354 : vector<16xf32> to vector<1x16xf32>
          tpu.vector_store %swap3A_873[%swap3A_874, %swap3A_875], %swap3A_878 {add = true, strides = array<i32>} : memref<512x64xf32, #tpu.memory_space<vmem>>, vector<1x16xf32>,
          %swap3A_879 = arith.constant 0 : i32
          %swap3A_880 = arith.constant 0 : i32
          %swap3A_881 = tpu.memref_slice %run_scoped3A_10[%rem3A_256, %swap3A_879, %swap3A_880] : memref<2x512x64xf32, #tpu.memory_space<vmem>> -> memref<1x512x64xf32, #tpu.memory_space<vmem>>
          %swap3A_882 = tpu.memref_squeeze %swap3A_881 : memref<1x512x64xf32, #tpu.memory_space<vmem>> -> memref<512x64xf32, #tpu.memory_space<vmem>>
          %swap3A_883 = arith.index_cast %add3A_851 : i32 to index
          %swap3A_884 = arith.constant 48 : index
          %swap3A_885 = tpu.vector_load %swap3A_882[%swap3A_883, %swap3A_884] {strides = array<i32>} : memref<512x64xf32, #tpu.memory_space<vmem>>, vector<1x16xf32>,
          %swap3A_886 = vector.shape_cast %swap3A_885 : vector<1x16xf32> to vector<16xf32>
          %swap3A_887 = vector.shape_cast %get3A_363 : vector<16xf32> to vector<1x16xf32>
          tpu.vector_store %swap3A_882[%swap3A_883, %swap3A_884], %swap3A_887 {add = true, strides = array<i32>} : memref<512x64xf32, #tpu.memory_space<vmem>>, vector<1x16xf32>,
        }
        %scan3A_432 = arith.constant 128 : i32
        %dma_wait3A_433 = arith.constant 0 : i32
        %dma_wait3A_434 = arith.constant 0 : i32
        %dma_wait3A_435 = arith.constant 0 : i32
        %dma_wait3A_436 = tpu.memref_slice %run_scoped3A_10[%rem3A_256, %dma_wait3A_434, %dma_wait3A_435] : memref<2x512x64xf32, #tpu.memory_space<vmem>> -> memref<1x512x64xf32, #tpu.memory_space<vmem>>
        %dma_wait3A_437 = tpu.memref_squeeze %dma_wait3A_436 : memref<1x512x64xf32, #tpu.memory_space<vmem>> -> memref<512x64xf32, #tpu.memory_space<vmem>>
        %dma_wait3A_438 = arith.constant 384 : i32
        %dma_wait3A_439 = arith.constant 0 : i32
        %dma_wait3A_440 = tpu.memref_slice %dma_wait3A_437[%dma_wait3A_438, %dma_wait3A_439] : memref<512x64xf32, #tpu.memory_space<vmem>> -> memref<128x64xf32, #tpu.memory_space<vmem>>
        %dma_wait3A_441 = arith.constant 0 : i32
        %dma_wait3A_442 = arith.constant 0 : i32
        %dma_wait3A_443 = tpu.memref_slice %run_scoped3A[%rem3A_252, %dma_wait3A_441, %dma_wait3A_442] : memref<2x1x512xi32, #tpu.memory_space<vmem>> -> memref<1x1x512xi32, #tpu.memory_space<vmem>>
        %dma_wait3A_444 = tpu.memref_squeeze %dma_wait3A_443 : memref<1x1x512xi32, #tpu.memory_space<vmem>> -> memref<1x512xi32, #tpu.memory_space<vmem>>
        %dma_wait3A_445 = arith.constant 384 : i32
        %dma_wait3A_446 = tpu.memref_slice %dma_wait3A_444[%dma_wait3A_433, %dma_wait3A_445] : memref<1x512xi32, #tpu.memory_space<vmem>> -> memref<1x128xi32, #tpu.memory_space<vmem>>
        %dma_wait3A_447 = tpu.memref_squeeze %dma_wait3A_446 : memref<1x128xi32, #tpu.memory_space<vmem>> -> memref<128xi32, #tpu.memory_space<vmem>>
        %dma_wait3A_448 = arith.constant 0 : i32
        %dma_wait3A_449 = arith.constant 0 : i32
        %dma_wait3A_450 = tpu.memref_slice %arg2[%dma_wait3A_448, %dma_wait3A_449] : memref<100000x64xf32, #tpu.memory_space<hbm>> -> memref<100000x64xf32, #tpu.memory_space<hbm>>
        tpu.wait_indirect_dma semaphore(%arg9 : memref<!tpu.dma_semaphore, #tpu.memory_space<semaphore_mem>>) src(%dma_wait3A_450 : memref<100000x64xf32, #tpu.memory_space<hbm>>) dst(%dma_wait3A_440 : memref<128x64xf32, #tpu.memory_space<vmem>>)
        %scan3A_451 = arith.constant 0 : i32
        %scan3A_452 = arith.constant 128 : i32
        %scan3A_453 = arith.addi %scan3A_451, %scan3A_452 : i32
        %scan3A_454 = arith.constant 8 : i32
        scf.for %scan3A_554 = %scan3A_451 to %scan3A_453 step %scan3A_454  : i32 {
          %mul3A_555 = arith.constant 1 : i32
          %mul3A_556 = arith.muli %scan3A_554, %mul3A_555 : i32
          %add3A_557 = arith.constant 384 : i32
          %add3A_558 = arith.addi %add3A_557, %mul3A_556 : i32
          %swap3A = arith.constant 0 : i32
          %swap3A_559 = arith.constant 0 : i32
          %swap3A_560 = tpu.memref_slice %run_scoped3A_10[%rem3A_256, %swap3A, %swap3A_559] : memref<2x512x64xf32, #tpu.memory_space<vmem>> -> memref<1x512x64xf32, #tpu.memory_space<vmem>>
          %swap3A_561 = tpu.memref_squeeze %swap3A_560 : memref<1x512x64xf32, #tpu.memory_space<vmem>> -> memref<512x64xf32, #tpu.memory_space<vmem>>
          %swap3A_562 = arith.index_cast %add3A_558 : i32 to index
          %swap3A_563 = arith.constant 0 : index
          %swap3A_564 = tpu.vector_load %swap3A_561[%swap3A_562, %swap3A_563] {strides = array<i32>} : memref<512x64xf32, #tpu.memory_space<vmem>>, vector<1x16xf32>,
          %swap3A_565 = vector.shape_cast %swap3A_564 : vector<1x16xf32> to vector<16xf32>
          %swap3A_566 = vector.shape_cast %get3A_336 : vector<16xf32> to vector<1x16xf32>
          tpu.vector_store %swap3A_561[%swap3A_562, %swap3A_563], %swap3A_566 {add = true, strides = array<i32>} : memref<512x64xf32, #tpu.memory_space<vmem>>, vector<1x16xf32>,
          %swap3A_567 = arith.constant 0 : i32
          %swap3A_568 = arith.constant 0 : i32
          %swap3A_569 = tpu.memref_slice %run_scoped3A_10[%rem3A_256, %swap3A_567, %swap3A_568] : memref<2x512x64xf32, #tpu.memory_space<vmem>> -> memref<1x512x64xf32, #tpu.memory_space<vmem>>
          %swap3A_570 = tpu.memref_squeeze %swap3A_569 : memref<1x512x64xf32, #tpu.memory_space<vmem>> -> memref<512x64xf32, #tpu.memory_space<vmem>>
          %swap3A_571 = arith.index_cast %add3A_558 : i32 to index
          %swap3A_572 = arith.constant 16 : index
          %swap3A_573 = tpu.vector_load %swap3A_570[%swap3A_571, %swap3A_572] {strides = array<i32>} : memref<512x64xf32, #tpu.memory_space<vmem>>, vector<1x16xf32>,
          %swap3A_574 = vector.shape_cast %swap3A_573 : vector<1x16xf32> to vector<16xf32>
          %swap3A_575 = vector.shape_cast %get3A_345 : vector<16xf32> to vector<1x16xf32>
          tpu.vector_store %swap3A_570[%swap3A_571, %swap3A_572], %swap3A_575 {add = true, strides = array<i32>} : memref<512x64xf32, #tpu.memory_space<vmem>>, vector<1x16xf32>,
          %swap3A_576 = arith.constant 0 : i32
          %swap3A_577 = arith.constant 0 : i32
          %swap3A_578 = tpu.memref_slice %run_scoped3A_10[%rem3A_256, %swap3A_576, %swap3A_577] : memref<2x512x64xf32, #tpu.memory_space<vmem>> -> memref<1x512x64xf32, #tpu.memory_space<vmem>>
          %swap3A_579 = tpu.memref_squeeze %swap3A_578 : memref<1x512x64xf32, #tpu.memory_space<vmem>> -> memref<512x64xf32, #tpu.memory_space<vmem>>
          %swap3A_580 = arith.index_cast %add3A_558 : i32 to index
          %swap3A_581 = arith.constant 32 : index
          %swap3A_582 = tpu.vector_load %swap3A_579[%swap3A_580, %swap3A_581] {strides = array<i32>} : memref<512x64xf32, #tpu.memory_space<vmem>>, vector<1x16xf32>,
          %swap3A_583 = vector.shape_cast %swap3A_582 : vector<1x16xf32> to vector<16xf32>
          %swap3A_584 = vector.shape_cast %get3A_354 : vector<16xf32> to vector<1x16xf32>
          tpu.vector_store %swap3A_579[%swap3A_580, %swap3A_581], %swap3A_584 {add = true, strides = array<i32>} : memref<512x64xf32, #tpu.memory_space<vmem>>, vector<1x16xf32>,
          %swap3A_585 = arith.constant 0 : i32
          %swap3A_586 = arith.constant 0 : i32
          %swap3A_587 = tpu.memref_slice %run_scoped3A_10[%rem3A_256, %swap3A_585, %swap3A_586] : memref<2x512x64xf32, #tpu.memory_space<vmem>> -> memref<1x512x64xf32, #tpu.memory_space<vmem>>
          %swap3A_588 = tpu.memref_squeeze %swap3A_587 : memref<1x512x64xf32, #tpu.memory_space<vmem>> -> memref<512x64xf32, #tpu.memory_space<vmem>>
          %swap3A_589 = arith.index_cast %add3A_558 : i32 to index
          %swap3A_590 = arith.constant 48 : index
          %swap3A_591 = tpu.vector_load %swap3A_588[%swap3A_589, %swap3A_590] {strides = array<i32>} : memref<512x64xf32, #tpu.memory_space<vmem>>, vector<1x16xf32>,
          %swap3A_592 = vector.shape_cast %swap3A_591 : vector<1x16xf32> to vector<16xf32>
          %swap3A_593 = vector.shape_cast %get3A_363 : vector<16xf32> to vector<1x16xf32>
          tpu.vector_store %swap3A_588[%swap3A_589, %swap3A_590], %swap3A_593 {add = true, strides = array<i32>} : memref<512x64xf32, #tpu.memory_space<vmem>>, vector<1x16xf32>,
          %scan3A_594 = arith.constant 1 : i32
          %scan3A_595 = arith.addi %scan3A_554, %scan3A_594 : i32
          %mul3A_596 = arith.constant 1 : i32
          %mul3A_597 = arith.muli %scan3A_595, %mul3A_596 : i32
          %add3A_598 = arith.constant 384 : i32
          %add3A_599 = arith.addi %add3A_598, %mul3A_597 : i32
          %swap3A_600 = arith.constant 0 : i32
          %swap3A_601 = arith.constant 0 : i32
          %swap3A_602 = tpu.memref_slice %run_scoped3A_10[%rem3A_256, %swap3A_600, %swap3A_601] : memref<2x512x64xf32, #tpu.memory_space<vmem>> -> memref<1x512x64xf32, #tpu.memory_space<vmem>>
          %swap3A_603 = tpu.memref_squeeze %swap3A_602 : memref<1x512x64xf32, #tpu.memory_space<vmem>> -> memref<512x64xf32, #tpu.memory_space<vmem>>
          %swap3A_604 = arith.index_cast %add3A_599 : i32 to index
          %swap3A_605 = arith.constant 0 : index
          %swap3A_606 = tpu.vector_load %swap3A_603[%swap3A_604, %swap3A_605] {strides = array<i32>} : memref<512x64xf32, #tpu.memory_space<vmem>>, vector<1x16xf32>,
          %swap3A_607 = vector.shape_cast %swap3A_606 : vector<1x16xf32> to vector<16xf32>
          %swap3A_608 = vector.shape_cast %get3A_336 : vector<16xf32> to vector<1x16xf32>
          tpu.vector_store %swap3A_603[%swap3A_604, %swap3A_605], %swap3A_608 {add = true, strides = array<i32>} : memref<512x64xf32, #tpu.memory_space<vmem>>, vector<1x16xf32>,
          %swap3A_609 = arith.constant 0 : i32
          %swap3A_610 = arith.constant 0 : i32
          %swap3A_611 = tpu.memref_slice %run_scoped3A_10[%rem3A_256, %swap3A_609, %swap3A_610] : memref<2x512x64xf32, #tpu.memory_space<vmem>> -> memref<1x512x64xf32, #tpu.memory_space<vmem>>
          %swap3A_612 = tpu.memref_squeeze %swap3A_611 : memref<1x512x64xf32, #tpu.memory_space<vmem>> -> memref<512x64xf32, #tpu.memory_space<vmem>>
          %swap3A_613 = arith.index_cast %add3A_599 : i32 to index
          %swap3A_614 = arith.constant 16 : index
          %swap3A_615 = tpu.vector_load %swap3A_612[%swap3A_613, %swap3A_614] {strides = array<i32>} : memref<512x64xf32, #tpu.memory_space<vmem>>, vector<1x16xf32>,
          %swap3A_616 = vector.shape_cast %swap3A_615 : vector<1x16xf32> to vector<16xf32>
          %swap3A_617 = vector.shape_cast %get3A_345 : vector<16xf32> to vector<1x16xf32>
          tpu.vector_store %swap3A_612[%swap3A_613, %swap3A_614], %swap3A_617 {add = true, strides = array<i32>} : memref<512x64xf32, #tpu.memory_space<vmem>>, vector<1x16xf32>,
          %swap3A_618 = arith.constant 0 : i32
          %swap3A_619 = arith.constant 0 : i32
          %swap3A_620 = tpu.memref_slice %run_scoped3A_10[%rem3A_256, %swap3A_618, %swap3A_619] : memref<2x512x64xf32, #tpu.memory_space<vmem>> -> memref<1x512x64xf32, #tpu.memory_space<vmem>>
          %swap3A_621 = tpu.memref_squeeze %swap3A_620 : memref<1x512x64xf32, #tpu.memory_space<vmem>> -> memref<512x64xf32, #tpu.memory_space<vmem>>
          %swap3A_622 = arith.index_cast %add3A_599 : i32 to index
          %swap3A_623 = arith.constant 32 : index
          %swap3A_624 = tpu.vector_load %swap3A_621[%swap3A_622, %swap3A_623] {strides = array<i32>} : memref<512x64xf32, #tpu.memory_space<vmem>>, vector<1x16xf32>,
          %swap3A_625 = vector.shape_cast %swap3A_624 : vector<1x16xf32> to vector<16xf32>
          %swap3A_626 = vector.shape_cast %get3A_354 : vector<16xf32> to vector<1x16xf32>
          tpu.vector_store %swap3A_621[%swap3A_622, %swap3A_623], %swap3A_626 {add = true, strides = array<i32>} : memref<512x64xf32, #tpu.memory_space<vmem>>, vector<1x16xf32>,
          %swap3A_627 = arith.constant 0 : i32
          %swap3A_628 = arith.constant 0 : i32
          %swap3A_629 = tpu.memref_slice %run_scoped3A_10[%rem3A_256, %swap3A_627, %swap3A_628] : memref<2x512x64xf32, #tpu.memory_space<vmem>> -> memref<1x512x64xf32, #tpu.memory_space<vmem>>
          %swap3A_630 = tpu.memref_squeeze %swap3A_629 : memref<1x512x64xf32, #tpu.memory_space<vmem>> -> memref<512x64xf32, #tpu.memory_space<vmem>>
          %swap3A_631 = arith.index_cast %add3A_599 : i32 to index
          %swap3A_632 = arith.constant 48 : index
          %swap3A_633 = tpu.vector_load %swap3A_630[%swap3A_631, %swap3A_632] {strides = array<i32>} : memref<512x64xf32, #tpu.memory_space<vmem>>, vector<1x16xf32>,
          %swap3A_634 = vector.shape_cast %swap3A_633 : vector<1x16xf32> to vector<16xf32>
          %swap3A_635 = vector.shape_cast %get3A_363 : vector<16xf32> to vector<1x16xf32>
          tpu.vector_store %swap3A_630[%swap3A_631, %swap3A_632], %swap3A_635 {add = true, strides = array<i32>} : memref<512x64xf32, #tpu.memory_space<vmem>>, vector<1x16xf32>,
          %scan3A_636 = arith.constant 2 : i32
          %scan3A_637 = arith.addi %scan3A_554, %scan3A_636 : i32
          %mul3A_638 = arith.constant 1 : i32
          %mul3A_639 = arith.muli %scan3A_637, %mul3A_638 : i32
          %add3A_640 = arith.constant 384 : i32
          %add3A_641 = arith.addi %add3A_640, %mul3A_639 : i32
          %swap3A_642 = arith.constant 0 : i32
          %swap3A_643 = arith.constant 0 : i32
          %swap3A_644 = tpu.memref_slice %run_scoped3A_10[%rem3A_256, %swap3A_642, %swap3A_643] : memref<2x512x64xf32, #tpu.memory_space<vmem>> -> memref<1x512x64xf32, #tpu.memory_space<vmem>>
          %swap3A_645 = tpu.memref_squeeze %swap3A_644 : memref<1x512x64xf32, #tpu.memory_space<vmem>> -> memref<512x64xf32, #tpu.memory_space<vmem>>
          %swap3A_646 = arith.index_cast %add3A_641 : i32 to index
          %swap3A_647 = arith.constant 0 : index
          %swap3A_648 = tpu.vector_load %swap3A_645[%swap3A_646, %swap3A_647] {strides = array<i32>} : memref<512x64xf32, #tpu.memory_space<vmem>>, vector<1x16xf32>,
          %swap3A_649 = vector.shape_cast %swap3A_648 : vector<1x16xf32> to vector<16xf32>
          %swap3A_650 = vector.shape_cast %get3A_336 : vector<16xf32> to vector<1x16xf32>
          tpu.vector_store %swap3A_645[%swap3A_646, %swap3A_647], %swap3A_650 {add = true, strides = array<i32>} : memref<512x64xf32, #tpu.memory_space<vmem>>, vector<1x16xf32>,
          %swap3A_651 = arith.constant 0 : i32
          %swap3A_652 = arith.constant 0 : i32
          %swap3A_653 = tpu.memref_slice %run_scoped3A_10[%rem3A_256, %swap3A_651, %swap3A_652] : memref<2x512x64xf32, #tpu.memory_space<vmem>> -> memref<1x512x64xf32, #tpu.memory_space<vmem>>
          %swap3A_654 = tpu.memref_squeeze %swap3A_653 : memref<1x512x64xf32, #tpu.memory_space<vmem>> -> memref<512x64xf32, #tpu.memory_space<vmem>>
          %swap3A_655 = arith.index_cast %add3A_641 : i32 to index
          %swap3A_656 = arith.constant 16 : index
          %swap3A_657 = tpu.vector_load %swap3A_654[%swap3A_655, %swap3A_656] {strides = array<i32>} : memref<512x64xf32, #tpu.memory_space<vmem>>, vector<1x16xf32>,
          %swap3A_658 = vector.shape_cast %swap3A_657 : vector<1x16xf32> to vector<16xf32>
          %swap3A_659 = vector.shape_cast %get3A_345 : vector<16xf32> to vector<1x16xf32>
          tpu.vector_store %swap3A_654[%swap3A_655, %swap3A_656], %swap3A_659 {add = true, strides = array<i32>} : memref<512x64xf32, #tpu.memory_space<vmem>>, vector<1x16xf32>,
          %swap3A_660 = arith.constant 0 : i32
          %swap3A_661 = arith.constant 0 : i32
          %swap3A_662 = tpu.memref_slice %run_scoped3A_10[%rem3A_256, %swap3A_660, %swap3A_661] : memref<2x512x64xf32, #tpu.memory_space<vmem>> -> memref<1x512x64xf32, #tpu.memory_space<vmem>>
          %swap3A_663 = tpu.memref_squeeze %swap3A_662 : memref<1x512x64xf32, #tpu.memory_space<vmem>> -> memref<512x64xf32, #tpu.memory_space<vmem>>
          %swap3A_664 = arith.index_cast %add3A_641 : i32 to index
          %swap3A_665 = arith.constant 32 : index
          %swap3A_666 = tpu.vector_load %swap3A_663[%swap3A_664, %swap3A_665] {strides = array<i32>} : memref<512x64xf32, #tpu.memory_space<vmem>>, vector<1x16xf32>,
          %swap3A_667 = vector.shape_cast %swap3A_666 : vector<1x16xf32> to vector<16xf32>
          %swap3A_668 = vector.shape_cast %get3A_354 : vector<16xf32> to vector<1x16xf32>
          tpu.vector_store %swap3A_663[%swap3A_664, %swap3A_665], %swap3A_668 {add = true, strides = array<i32>} : memref<512x64xf32, #tpu.memory_space<vmem>>, vector<1x16xf32>,
          %swap3A_669 = arith.constant 0 : i32
          %swap3A_670 = arith.constant 0 : i32
          %swap3A_671 = tpu.memref_slice %run_scoped3A_10[%rem3A_256, %swap3A_669, %swap3A_670] : memref<2x512x64xf32, #tpu.memory_space<vmem>> -> memref<1x512x64xf32, #tpu.memory_space<vmem>>
          %swap3A_672 = tpu.memref_squeeze %swap3A_671 : memref<1x512x64xf32, #tpu.memory_space<vmem>> -> memref<512x64xf32, #tpu.memory_space<vmem>>
          %swap3A_673 = arith.index_cast %add3A_641 : i32 to index
          %swap3A_674 = arith.constant 48 : index
          %swap3A_675 = tpu.vector_load %swap3A_672[%swap3A_673, %swap3A_674] {strides = array<i32>} : memref<512x64xf32, #tpu.memory_space<vmem>>, vector<1x16xf32>,
          %swap3A_676 = vector.shape_cast %swap3A_675 : vector<1x16xf32> to vector<16xf32>
          %swap3A_677 = vector.shape_cast %get3A_363 : vector<16xf32> to vector<1x16xf32>
          tpu.vector_store %swap3A_672[%swap3A_673, %swap3A_674], %swap3A_677 {add = true, strides = array<i32>} : memref<512x64xf32, #tpu.memory_space<vmem>>, vector<1x16xf32>,
          %scan3A_678 = arith.constant 3 : i32
          %scan3A_679 = arith.addi %scan3A_554, %scan3A_678 : i32
          %mul3A_680 = arith.constant 1 : i32
          %mul3A_681 = arith.muli %scan3A_679, %mul3A_680 : i32
          %add3A_682 = arith.constant 384 : i32
          %add3A_683 = arith.addi %add3A_682, %mul3A_681 : i32
          %swap3A_684 = arith.constant 0 : i32
          %swap3A_685 = arith.constant 0 : i32
          %swap3A_686 = tpu.memref_slice %run_scoped3A_10[%rem3A_256, %swap3A_684, %swap3A_685] : memref<2x512x64xf32, #tpu.memory_space<vmem>> -> memref<1x512x64xf32, #tpu.memory_space<vmem>>
          %swap3A_687 = tpu.memref_squeeze %swap3A_686 : memref<1x512x64xf32, #tpu.memory_space<vmem>> -> memref<512x64xf32, #tpu.memory_space<vmem>>
          %swap3A_688 = arith.index_cast %add3A_683 : i32 to index
          %swap3A_689 = arith.constant 0 : index
          %swap3A_690 = tpu.vector_load %swap3A_687[%swap3A_688, %swap3A_689] {strides = array<i32>} : memref<512x64xf32, #tpu.memory_space<vmem>>, vector<1x16xf32>,
          %swap3A_691 = vector.shape_cast %swap3A_690 : vector<1x16xf32> to vector<16xf32>
          %swap3A_692 = vector.shape_cast %get3A_336 : vector<16xf32> to vector<1x16xf32>
          tpu.vector_store %swap3A_687[%swap3A_688, %swap3A_689], %swap3A_692 {add = true, strides = array<i32>} : memref<512x64xf32, #tpu.memory_space<vmem>>, vector<1x16xf32>,
          %swap3A_693 = arith.constant 0 : i32
          %swap3A_694 = arith.constant 0 : i32
          %swap3A_695 = tpu.memref_slice %run_scoped3A_10[%rem3A_256, %swap3A_693, %swap3A_694] : memref<2x512x64xf32, #tpu.memory_space<vmem>> -> memref<1x512x64xf32, #tpu.memory_space<vmem>>
          %swap3A_696 = tpu.memref_squeeze %swap3A_695 : memref<1x512x64xf32, #tpu.memory_space<vmem>> -> memref<512x64xf32, #tpu.memory_space<vmem>>
          %swap3A_697 = arith.index_cast %add3A_683 : i32 to index
          %swap3A_698 = arith.constant 16 : index
          %swap3A_699 = tpu.vector_load %swap3A_696[%swap3A_697, %swap3A_698] {strides = array<i32>} : memref<512x64xf32, #tpu.memory_space<vmem>>, vector<1x16xf32>,
          %swap3A_700 = vector.shape_cast %swap3A_699 : vector<1x16xf32> to vector<16xf32>
          %swap3A_701 = vector.shape_cast %get3A_345 : vector<16xf32> to vector<1x16xf32>
          tpu.vector_store %swap3A_696[%swap3A_697, %swap3A_698], %swap3A_701 {add = true, strides = array<i32>} : memref<512x64xf32, #tpu.memory_space<vmem>>, vector<1x16xf32>,
          %swap3A_702 = arith.constant 0 : i32
          %swap3A_703 = arith.constant 0 : i32
          %swap3A_704 = tpu.memref_slice %run_scoped3A_10[%rem3A_256, %swap3A_702, %swap3A_703] : memref<2x512x64xf32, #tpu.memory_space<vmem>> -> memref<1x512x64xf32, #tpu.memory_space<vmem>>
          %swap3A_705 = tpu.memref_squeeze %swap3A_704 : memref<1x512x64xf32, #tpu.memory_space<vmem>> -> memref<512x64xf32, #tpu.memory_space<vmem>>
          %swap3A_706 = arith.index_cast %add3A_683 : i32 to index
          %swap3A_707 = arith.constant 32 : index
          %swap3A_708 = tpu.vector_load %swap3A_705[%swap3A_706, %swap3A_707] {strides = array<i32>} : memref<512x64xf32, #tpu.memory_space<vmem>>, vector<1x16xf32>,
          %swap3A_709 = vector.shape_cast %swap3A_708 : vector<1x16xf32> to vector<16xf32>
          %swap3A_710 = vector.shape_cast %get3A_354 : vector<16xf32> to vector<1x16xf32>
          tpu.vector_store %swap3A_705[%swap3A_706, %swap3A_707], %swap3A_710 {add = true, strides = array<i32>} : memref<512x64xf32, #tpu.memory_space<vmem>>, vector<1x16xf32>,
          %swap3A_711 = arith.constant 0 : i32
          %swap3A_712 = arith.constant 0 : i32
          %swap3A_713 = tpu.memref_slice %run_scoped3A_10[%rem3A_256, %swap3A_711, %swap3A_712] : memref<2x512x64xf32, #tpu.memory_space<vmem>> -> memref<1x512x64xf32, #tpu.memory_space<vmem>>
          %swap3A_714 = tpu.memref_squeeze %swap3A_713 : memref<1x512x64xf32, #tpu.memory_space<vmem>> -> memref<512x64xf32, #tpu.memory_space<vmem>>
          %swap3A_715 = arith.index_cast %add3A_683 : i32 to index
          %swap3A_716 = arith.constant 48 : index
          %swap3A_717 = tpu.vector_load %swap3A_714[%swap3A_715, %swap3A_716] {strides = array<i32>} : memref<512x64xf32, #tpu.memory_space<vmem>>, vector<1x16xf32>,
          %swap3A_718 = vector.shape_cast %swap3A_717 : vector<1x16xf32> to vector<16xf32>
          %swap3A_719 = vector.shape_cast %get3A_363 : vector<16xf32> to vector<1x16xf32>
          tpu.vector_store %swap3A_714[%swap3A_715, %swap3A_716], %swap3A_719 {add = true, strides = array<i32>} : memref<512x64xf32, #tpu.memory_space<vmem>>, vector<1x16xf32>,
          %scan3A_720 = arith.constant 4 : i32
          %scan3A_721 = arith.addi %scan3A_554, %scan3A_720 : i32
          %mul3A_722 = arith.constant 1 : i32
          %mul3A_723 = arith.muli %scan3A_721, %mul3A_722 : i32
          %add3A_724 = arith.constant 384 : i32
          %add3A_725 = arith.addi %add3A_724, %mul3A_723 : i32
          %swap3A_726 = arith.constant 0 : i32
          %swap3A_727 = arith.constant 0 : i32
          %swap3A_728 = tpu.memref_slice %run_scoped3A_10[%rem3A_256, %swap3A_726, %swap3A_727] : memref<2x512x64xf32, #tpu.memory_space<vmem>> -> memref<1x512x64xf32, #tpu.memory_space<vmem>>
          %swap3A_729 = tpu.memref_squeeze %swap3A_728 : memref<1x512x64xf32, #tpu.memory_space<vmem>> -> memref<512x64xf32, #tpu.memory_space<vmem>>
          %swap3A_730 = arith.index_cast %add3A_725 : i32 to index
          %swap3A_731 = arith.constant 0 : index
          %swap3A_732 = tpu.vector_load %swap3A_729[%swap3A_730, %swap3A_731] {strides = array<i32>} : memref<512x64xf32, #tpu.memory_space<vmem>>, vector<1x16xf32>,
          %swap3A_733 = vector.shape_cast %swap3A_732 : vector<1x16xf32> to vector<16xf32>
          %swap3A_734 = vector.shape_cast %get3A_336 : vector<16xf32> to vector<1x16xf32>
          tpu.vector_store %swap3A_729[%swap3A_730, %swap3A_731], %swap3A_734 {add = true, strides = array<i32>} : memref<512x64xf32, #tpu.memory_space<vmem>>, vector<1x16xf32>,
          %swap3A_735 = arith.constant 0 : i32
          %swap3A_736 = arith.constant 0 : i32
          %swap3A_737 = tpu.memref_slice %run_scoped3A_10[%rem3A_256, %swap3A_735, %swap3A_736] : memref<2x512x64xf32, #tpu.memory_space<vmem>> -> memref<1x512x64xf32, #tpu.memory_space<vmem>>
          %swap3A_738 = tpu.memref_squeeze %swap3A_737 : memref<1x512x64xf32, #tpu.memory_space<vmem>> -> memref<512x64xf32, #tpu.memory_space<vmem>>
          %swap3A_739 = arith.index_cast %add3A_725 : i32 to index
          %swap3A_740 = arith.constant 16 : index
          %swap3A_741 = tpu.vector_load %swap3A_738[%swap3A_739, %swap3A_740] {strides = array<i32>} : memref<512x64xf32, #tpu.memory_space<vmem>>, vector<1x16xf32>,
          %swap3A_742 = vector.shape_cast %swap3A_741 : vector<1x16xf32> to vector<16xf32>
          %swap3A_743 = vector.shape_cast %get3A_345 : vector<16xf32> to vector<1x16xf32>
          tpu.vector_store %swap3A_738[%swap3A_739, %swap3A_740], %swap3A_743 {add = true, strides = array<i32>} : memref<512x64xf32, #tpu.memory_space<vmem>>, vector<1x16xf32>,
          %swap3A_744 = arith.constant 0 : i32
          %swap3A_745 = arith.constant 0 : i32
          %swap3A_746 = tpu.memref_slice %run_scoped3A_10[%rem3A_256, %swap3A_744, %swap3A_745] : memref<2x512x64xf32, #tpu.memory_space<vmem>> -> memref<1x512x64xf32, #tpu.memory_space<vmem>>
          %swap3A_747 = tpu.memref_squeeze %swap3A_746 : memref<1x512x64xf32, #tpu.memory_space<vmem>> -> memref<512x64xf32, #tpu.memory_space<vmem>>
          %swap3A_748 = arith.index_cast %add3A_725 : i32 to index
          %swap3A_749 = arith.constant 32 : index
          %swap3A_750 = tpu.vector_load %swap3A_747[%swap3A_748, %swap3A_749] {strides = array<i32>} : memref<512x64xf32, #tpu.memory_space<vmem>>, vector<1x16xf32>,
          %swap3A_751 = vector.shape_cast %swap3A_750 : vector<1x16xf32> to vector<16xf32>
          %swap3A_752 = vector.shape_cast %get3A_354 : vector<16xf32> to vector<1x16xf32>
          tpu.vector_store %swap3A_747[%swap3A_748, %swap3A_749], %swap3A_752 {add = true, strides = array<i32>} : memref<512x64xf32, #tpu.memory_space<vmem>>, vector<1x16xf32>,
          %swap3A_753 = arith.constant 0 : i32
          %swap3A_754 = arith.constant 0 : i32
          %swap3A_755 = tpu.memref_slice %run_scoped3A_10[%rem3A_256, %swap3A_753, %swap3A_754] : memref<2x512x64xf32, #tpu.memory_space<vmem>> -> memref<1x512x64xf32, #tpu.memory_space<vmem>>
          %swap3A_756 = tpu.memref_squeeze %swap3A_755 : memref<1x512x64xf32, #tpu.memory_space<vmem>> -> memref<512x64xf32, #tpu.memory_space<vmem>>
          %swap3A_757 = arith.index_cast %add3A_725 : i32 to index
          %swap3A_758 = arith.constant 48 : index
          %swap3A_759 = tpu.vector_load %swap3A_756[%swap3A_757, %swap3A_758] {strides = array<i32>} : memref<512x64xf32, #tpu.memory_space<vmem>>, vector<1x16xf32>,
          %swap3A_760 = vector.shape_cast %swap3A_759 : vector<1x16xf32> to vector<16xf32>
          %swap3A_761 = vector.shape_cast %get3A_363 : vector<16xf32> to vector<1x16xf32>
          tpu.vector_store %swap3A_756[%swap3A_757, %swap3A_758], %swap3A_761 {add = true, strides = array<i32>} : memref<512x64xf32, #tpu.memory_space<vmem>>, vector<1x16xf32>,
          %scan3A_762 = arith.constant 5 : i32
          %scan3A_763 = arith.addi %scan3A_554, %scan3A_762 : i32
          %mul3A_764 = arith.constant 1 : i32
          %mul3A_765 = arith.muli %scan3A_763, %mul3A_764 : i32
          %add3A_766 = arith.constant 384 : i32
          %add3A_767 = arith.addi %add3A_766, %mul3A_765 : i32
          %swap3A_768 = arith.constant 0 : i32
          %swap3A_769 = arith.constant 0 : i32
          %swap3A_770 = tpu.memref_slice %run_scoped3A_10[%rem3A_256, %swap3A_768, %swap3A_769] : memref<2x512x64xf32, #tpu.memory_space<vmem>> -> memref<1x512x64xf32, #tpu.memory_space<vmem>>
          %swap3A_771 = tpu.memref_squeeze %swap3A_770 : memref<1x512x64xf32, #tpu.memory_space<vmem>> -> memref<512x64xf32, #tpu.memory_space<vmem>>
          %swap3A_772 = arith.index_cast %add3A_767 : i32 to index
          %swap3A_773 = arith.constant 0 : index
          %swap3A_774 = tpu.vector_load %swap3A_771[%swap3A_772, %swap3A_773] {strides = array<i32>} : memref<512x64xf32, #tpu.memory_space<vmem>>, vector<1x16xf32>,
          %swap3A_775 = vector.shape_cast %swap3A_774 : vector<1x16xf32> to vector<16xf32>
          %swap3A_776 = vector.shape_cast %get3A_336 : vector<16xf32> to vector<1x16xf32>
          tpu.vector_store %swap3A_771[%swap3A_772, %swap3A_773], %swap3A_776 {add = true, strides = array<i32>} : memref<512x64xf32, #tpu.memory_space<vmem>>, vector<1x16xf32>,
          %swap3A_777 = arith.constant 0 : i32
          %swap3A_778 = arith.constant 0 : i32
          %swap3A_779 = tpu.memref_slice %run_scoped3A_10[%rem3A_256, %swap3A_777, %swap3A_778] : memref<2x512x64xf32, #tpu.memory_space<vmem>> -> memref<1x512x64xf32, #tpu.memory_space<vmem>>
          %swap3A_780 = tpu.memref_squeeze %swap3A_779 : memref<1x512x64xf32, #tpu.memory_space<vmem>> -> memref<512x64xf32, #tpu.memory_space<vmem>>
          %swap3A_781 = arith.index_cast %add3A_767 : i32 to index
          %swap3A_782 = arith.constant 16 : index
          %swap3A_783 = tpu.vector_load %swap3A_780[%swap3A_781, %swap3A_782] {strides = array<i32>} : memref<512x64xf32, #tpu.memory_space<vmem>>, vector<1x16xf32>,
          %swap3A_784 = vector.shape_cast %swap3A_783 : vector<1x16xf32> to vector<16xf32>
          %swap3A_785 = vector.shape_cast %get3A_345 : vector<16xf32> to vector<1x16xf32>
          tpu.vector_store %swap3A_780[%swap3A_781, %swap3A_782], %swap3A_785 {add = true, strides = array<i32>} : memref<512x64xf32, #tpu.memory_space<vmem>>, vector<1x16xf32>,
          %swap3A_786 = arith.constant 0 : i32
          %swap3A_787 = arith.constant 0 : i32
          %swap3A_788 = tpu.memref_slice %run_scoped3A_10[%rem3A_256, %swap3A_786, %swap3A_787] : memref<2x512x64xf32, #tpu.memory_space<vmem>> -> memref<1x512x64xf32, #tpu.memory_space<vmem>>
          %swap3A_789 = tpu.memref_squeeze %swap3A_788 : memref<1x512x64xf32, #tpu.memory_space<vmem>> -> memref<512x64xf32, #tpu.memory_space<vmem>>
          %swap3A_790 = arith.index_cast %add3A_767 : i32 to index
          %swap3A_791 = arith.constant 32 : index
          %swap3A_792 = tpu.vector_load %swap3A_789[%swap3A_790, %swap3A_791] {strides = array<i32>} : memref<512x64xf32, #tpu.memory_space<vmem>>, vector<1x16xf32>,
          %swap3A_793 = vector.shape_cast %swap3A_792 : vector<1x16xf32> to vector<16xf32>
          %swap3A_794 = vector.shape_cast %get3A_354 : vector<16xf32> to vector<1x16xf32>
          tpu.vector_store %swap3A_789[%swap3A_790, %swap3A_791], %swap3A_794 {add = true, strides = array<i32>} : memref<512x64xf32, #tpu.memory_space<vmem>>, vector<1x16xf32>,
          %swap3A_795 = arith.constant 0 : i32
          %swap3A_796 = arith.constant 0 : i32
          %swap3A_797 = tpu.memref_slice %run_scoped3A_10[%rem3A_256, %swap3A_795, %swap3A_796] : memref<2x512x64xf32, #tpu.memory_space<vmem>> -> memref<1x512x64xf32, #tpu.memory_space<vmem>>
          %swap3A_798 = tpu.memref_squeeze %swap3A_797 : memref<1x512x64xf32, #tpu.memory_space<vmem>> -> memref<512x64xf32, #tpu.memory_space<vmem>>
          %swap3A_799 = arith.index_cast %add3A_767 : i32 to index
          %swap3A_800 = arith.constant 48 : index
          %swap3A_801 = tpu.vector_load %swap3A_798[%swap3A_799, %swap3A_800] {strides = array<i32>} : memref<512x64xf32, #tpu.memory_space<vmem>>, vector<1x16xf32>,
          %swap3A_802 = vector.shape_cast %swap3A_801 : vector<1x16xf32> to vector<16xf32>
          %swap3A_803 = vector.shape_cast %get3A_363 : vector<16xf32> to vector<1x16xf32>
          tpu.vector_store %swap3A_798[%swap3A_799, %swap3A_800], %swap3A_803 {add = true, strides = array<i32>} : memref<512x64xf32, #tpu.memory_space<vmem>>, vector<1x16xf32>,
          %scan3A_804 = arith.constant 6 : i32
          %scan3A_805 = arith.addi %scan3A_554, %scan3A_804 : i32
          %mul3A_806 = arith.constant 1 : i32
          %mul3A_807 = arith.muli %scan3A_805, %mul3A_806 : i32
          %add3A_808 = arith.constant 384 : i32
          %add3A_809 = arith.addi %add3A_808, %mul3A_807 : i32
          %swap3A_810 = arith.constant 0 : i32
          %swap3A_811 = arith.constant 0 : i32
          %swap3A_812 = tpu.memref_slice %run_scoped3A_10[%rem3A_256, %swap3A_810, %swap3A_811] : memref<2x512x64xf32, #tpu.memory_space<vmem>> -> memref<1x512x64xf32, #tpu.memory_space<vmem>>
          %swap3A_813 = tpu.memref_squeeze %swap3A_812 : memref<1x512x64xf32, #tpu.memory_space<vmem>> -> memref<512x64xf32, #tpu.memory_space<vmem>>
          %swap3A_814 = arith.index_cast %add3A_809 : i32 to index
          %swap3A_815 = arith.constant 0 : index
          %swap3A_816 = tpu.vector_load %swap3A_813[%swap3A_814, %swap3A_815] {strides = array<i32>} : memref<512x64xf32, #tpu.memory_space<vmem>>, vector<1x16xf32>,
          %swap3A_817 = vector.shape_cast %swap3A_816 : vector<1x16xf32> to vector<16xf32>
          %swap3A_818 = vector.shape_cast %get3A_336 : vector<16xf32> to vector<1x16xf32>
          tpu.vector_store %swap3A_813[%swap3A_814, %swap3A_815], %swap3A_818 {add = true, strides = array<i32>} : memref<512x64xf32, #tpu.memory_space<vmem>>, vector<1x16xf32>,
          %swap3A_819 = arith.constant 0 : i32
          %swap3A_820 = arith.constant 0 : i32
          %swap3A_821 = tpu.memref_slice %run_scoped3A_10[%rem3A_256, %swap3A_819, %swap3A_820] : memref<2x512x64xf32, #tpu.memory_space<vmem>> -> memref<1x512x64xf32, #tpu.memory_space<vmem>>
          %swap3A_822 = tpu.memref_squeeze %swap3A_821 : memref<1x512x64xf32, #tpu.memory_space<vmem>> -> memref<512x64xf32, #tpu.memory_space<vmem>>
          %swap3A_823 = arith.index_cast %add3A_809 : i32 to index
          %swap3A_824 = arith.constant 16 : index
          %swap3A_825 = tpu.vector_load %swap3A_822[%swap3A_823, %swap3A_824] {strides = array<i32>} : memref<512x64xf32, #tpu.memory_space<vmem>>, vector<1x16xf32>,
          %swap3A_826 = vector.shape_cast %swap3A_825 : vector<1x16xf32> to vector<16xf32>
          %swap3A_827 = vector.shape_cast %get3A_345 : vector<16xf32> to vector<1x16xf32>
          tpu.vector_store %swap3A_822[%swap3A_823, %swap3A_824], %swap3A_827 {add = true, strides = array<i32>} : memref<512x64xf32, #tpu.memory_space<vmem>>, vector<1x16xf32>,
          %swap3A_828 = arith.constant 0 : i32
          %swap3A_829 = arith.constant 0 : i32
          %swap3A_830 = tpu.memref_slice %run_scoped3A_10[%rem3A_256, %swap3A_828, %swap3A_829] : memref<2x512x64xf32, #tpu.memory_space<vmem>> -> memref<1x512x64xf32, #tpu.memory_space<vmem>>
          %swap3A_831 = tpu.memref_squeeze %swap3A_830 : memref<1x512x64xf32, #tpu.memory_space<vmem>> -> memref<512x64xf32, #tpu.memory_space<vmem>>
          %swap3A_832 = arith.index_cast %add3A_809 : i32 to index
          %swap3A_833 = arith.constant 32 : index
          %swap3A_834 = tpu.vector_load %swap3A_831[%swap3A_832, %swap3A_833] {strides = array<i32>} : memref<512x64xf32, #tpu.memory_space<vmem>>, vector<1x16xf32>,
          %swap3A_835 = vector.shape_cast %swap3A_834 : vector<1x16xf32> to vector<16xf32>
          %swap3A_836 = vector.shape_cast %get3A_354 : vector<16xf32> to vector<1x16xf32>
          tpu.vector_store %swap3A_831[%swap3A_832, %swap3A_833], %swap3A_836 {add = true, strides = array<i32>} : memref<512x64xf32, #tpu.memory_space<vmem>>, vector<1x16xf32>,
          %swap3A_837 = arith.constant 0 : i32
          %swap3A_838 = arith.constant 0 : i32
          %swap3A_839 = tpu.memref_slice %run_scoped3A_10[%rem3A_256, %swap3A_837, %swap3A_838] : memref<2x512x64xf32, #tpu.memory_space<vmem>> -> memref<1x512x64xf32, #tpu.memory_space<vmem>>
          %swap3A_840 = tpu.memref_squeeze %swap3A_839 : memref<1x512x64xf32, #tpu.memory_space<vmem>> -> memref<512x64xf32, #tpu.memory_space<vmem>>
          %swap3A_841 = arith.index_cast %add3A_809 : i32 to index
          %swap3A_842 = arith.constant 48 : index
          %swap3A_843 = tpu.vector_load %swap3A_840[%swap3A_841, %swap3A_842] {strides = array<i32>} : memref<512x64xf32, #tpu.memory_space<vmem>>, vector<1x16xf32>,
          %swap3A_844 = vector.shape_cast %swap3A_843 : vector<1x16xf32> to vector<16xf32>
          %swap3A_845 = vector.shape_cast %get3A_363 : vector<16xf32> to vector<1x16xf32>
          tpu.vector_store %swap3A_840[%swap3A_841, %swap3A_842], %swap3A_845 {add = true, strides = array<i32>} : memref<512x64xf32, #tpu.memory_space<vmem>>, vector<1x16xf32>,
          %scan3A_846 = arith.constant 7 : i32
          %scan3A_847 = arith.addi %scan3A_554, %scan3A_846 : i32
          %mul3A_848 = arith.constant 1 : i32
          %mul3A_849 = arith.muli %scan3A_847, %mul3A_848 : i32
          %add3A_850 = arith.constant 384 : i32
          %add3A_851 = arith.addi %add3A_850, %mul3A_849 : i32
          %swap3A_852 = arith.constant 0 : i32
          %swap3A_853 = arith.constant 0 : i32
          %swap3A_854 = tpu.memref_slice %run_scoped3A_10[%rem3A_256, %swap3A_852, %swap3A_853] : memref<2x512x64xf32, #tpu.memory_space<vmem>> -> memref<1x512x64xf32, #tpu.memory_space<vmem>>
          %swap3A_855 = tpu.memref_squeeze %swap3A_854 : memref<1x512x64xf32, #tpu.memory_space<vmem>> -> memref<512x64xf32, #tpu.memory_space<vmem>>
          %swap3A_856 = arith.index_cast %add3A_851 : i32 to index
          %swap3A_857 = arith.constant 0 : index
          %swap3A_858 = tpu.vector_load %swap3A_855[%swap3A_856, %swap3A_857] {strides = array<i32>} : memref<512x64xf32, #tpu.memory_space<vmem>>, vector<1x16xf32>,
          %swap3A_859 = vector.shape_cast %swap3A_858 : vector<1x16xf32> to vector<16xf32>
          %swap3A_860 = vector.shape_cast %get3A_336 : vector<16xf32> to vector<1x16xf32>
          tpu.vector_store %swap3A_855[%swap3A_856, %swap3A_857], %swap3A_860 {add = true, strides = array<i32>} : memref<512x64xf32, #tpu.memory_space<vmem>>, vector<1x16xf32>,
          %swap3A_861 = arith.constant 0 : i32
          %swap3A_862 = arith.constant 0 : i32
          %swap3A_863 = tpu.memref_slice %run_scoped3A_10[%rem3A_256, %swap3A_861, %swap3A_862] : memref<2x512x64xf32, #tpu.memory_space<vmem>> -> memref<1x512x64xf32, #tpu.memory_space<vmem>>
          %swap3A_864 = tpu.memref_squeeze %swap3A_863 : memref<1x512x64xf32, #tpu.memory_space<vmem>> -> memref<512x64xf32, #tpu.memory_space<vmem>>
          %swap3A_865 = arith.index_cast %add3A_851 : i32 to index
          %swap3A_866 = arith.constant 16 : index
          %swap3A_867 = tpu.vector_load %swap3A_864[%swap3A_865, %swap3A_866] {strides = array<i32>} : memref<512x64xf32, #tpu.memory_space<vmem>>, vector<1x16xf32>,
          %swap3A_868 = vector.shape_cast %swap3A_867 : vector<1x16xf32> to vector<16xf32>
          %swap3A_869 = vector.shape_cast %get3A_345 : vector<16xf32> to vector<1x16xf32>
          tpu.vector_store %swap3A_864[%swap3A_865, %swap3A_866], %swap3A_869 {add = true, strides = array<i32>} : memref<512x64xf32, #tpu.memory_space<vmem>>, vector<1x16xf32>,
          %swap3A_870 = arith.constant 0 : i32
          %swap3A_871 = arith.constant 0 : i32
          %swap3A_872 = tpu.memref_slice %run_scoped3A_10[%rem3A_256, %swap3A_870, %swap3A_871] : memref<2x512x64xf32, #tpu.memory_space<vmem>> -> memref<1x512x64xf32, #tpu.memory_space<vmem>>
          %swap3A_873 = tpu.memref_squeeze %swap3A_872 : memref<1x512x64xf32, #tpu.memory_space<vmem>> -> memref<512x64xf32, #tpu.memory_space<vmem>>
          %swap3A_874 = arith.index_cast %add3A_851 : i32 to index
          %swap3A_875 = arith.constant 32 : index
          %swap3A_876 = tpu.vector_load %swap3A_873[%swap3A_874, %swap3A_875] {strides = array<i32>} : memref<512x64xf32, #tpu.memory_space<vmem>>, vector<1x16xf32>,
          %swap3A_877 = vector.shape_cast %swap3A_876 : vector<1x16xf32> to vector<16xf32>
          %swap3A_878 = vector.shape_cast %get3A_354 : vector<16xf32> to vector<1x16xf32>
          tpu.vector_store %swap3A_873[%swap3A_874, %swap3A_875], %swap3A_878 {add = true, strides = array<i32>} : memref<512x64xf32, #tpu.memory_space<vmem>>, vector<1x16xf32>,
          %swap3A_879 = arith.constant 0 : i32
          %swap3A_880 = arith.constant 0 : i32
          %swap3A_881 = tpu.memref_slice %run_scoped3A_10[%rem3A_256, %swap3A_879, %swap3A_880] : memref<2x512x64xf32, #tpu.memory_space<vmem>> -> memref<1x512x64xf32, #tpu.memory_space<vmem>>
          %swap3A_882 = tpu.memref_squeeze %swap3A_881 : memref<1x512x64xf32, #tpu.memory_space<vmem>> -> memref<512x64xf32, #tpu.memory_space<vmem>>
          %swap3A_883 = arith.index_cast %add3A_851 : i32 to index
          %swap3A_884 = arith.constant 48 : index
          %swap3A_885 = tpu.vector_load %swap3A_882[%swap3A_883, %swap3A_884] {strides = array<i32>} : memref<512x64xf32, #tpu.memory_space<vmem>>, vector<1x16xf32>,
          %swap3A_886 = vector.shape_cast %swap3A_885 : vector<1x16xf32> to vector<16xf32>
          %swap3A_887 = vector.shape_cast %get3A_363 : vector<16xf32> to vector<1x16xf32>
          tpu.vector_store %swap3A_882[%swap3A_883, %swap3A_884], %swap3A_887 {add = true, strides = array<i32>} : memref<512x64xf32, #tpu.memory_space<vmem>>, vector<1x16xf32>,
        }
        %scan3A_455 = arith.constant 128 : i32
        "tpu.trace_stop"() : () -> ()
        %ne3A_456 = arith.cmpi ne, %add3A_161, %add3A_179 : i32
        %or3A_457 = arith.constant false
        %or3A_458 = arith.ori %or3A_457, %ne3A_456 : i1
        %or3A_459 = arith.ori %or3A_458, %eq3A_160 : i1
        %convert_element_type3A_460 = arith.extui %or3A_459 : i1 to i32
        %cond3A_461 = arith.constant 0 : i32
        %cond3A_462 = arith.cmpi ne, %convert_element_type3A_460, %cond3A_461 : i32
        scf.if %cond3A_462 {
        } else {
        }
        %and3A_463 = arith.constant false
        %and3A_464 = arith.andi %or3A_459, %and3A_463 : i1
        %ne3A_465 = arith.cmpi ne, %add3A_161, %add3A_179 : i32
        %or3A_466 = arith.constant false
        %or3A_467 = arith.ori %or3A_466, %ne3A_465 : i1
        %or3A_468 = arith.constant false
        %or3A_469 = arith.ori %or3A_467, %or3A_468 : i1
        %or3A_470 = arith.ori %or3A_469, %eq3A_160 : i1
        %convert_element_type3A_471 = arith.extui %or3A_470 : i1 to i32
        %cond3A_472 = arith.constant 0 : i32
        %cond3A_473 = arith.cmpi ne, %convert_element_type3A_471, %cond3A_472 : i32
        scf.if %cond3A_473 {
        } else {
        }
        %and3A_474 = arith.constant false
        %and3A_475 = arith.andi %or3A_470, %and3A_474 : i1
        %ne3A_476 = arith.cmpi ne, %add3A_161, %add3A_179 : i32
        %or3A_477 = arith.constant false
        %or3A_478 = arith.ori %or3A_477, %ne3A_476 : i1
        %or3A_479 = arith.constant false
        %or3A_480 = arith.ori %or3A_478, %or3A_479 : i1
        %or3A_481 = arith.ori %or3A_480, %eq3A_160 : i1
        %convert_element_type3A_482 = arith.extui %or3A_481 : i1 to i32
        %cond3A_483 = arith.constant 0 : i32
        %cond3A_484 = arith.cmpi ne, %convert_element_type3A_482, %cond3A_483 : i32
        scf.if %cond3A_484 {
          "tpu.trace_start"() <{level = 10 : i32, message = "ep_copy_out"}> : () -> ()
          %rem3A_554 = arith.constant 2 : i32
          %rem3A_555 = arith.remui %scan3A_154, %rem3A_554 : i32
          %mul3A_556 = arith.constant 512 : i32
          %mul3A_557 = arith.muli %mul3A_556, %add3A_161 : i32
          %dma_start3A_558 = arith.constant 0 : i32
          %dma_start3A_559 = arith.constant 0 : i32
          %dma_start3A_560 = tpu.memref_slice %run_scoped3A_10[%rem3A_555, %dma_start3A_558, %dma_start3A_559] : memref<2x512x64xf32, #tpu.memory_space<vmem>> -> memref<1x512x64xf32, #tpu.memory_space<vmem>>
          %dma_start3A_561 = tpu.memref_squeeze %dma_start3A_560 : memref<1x512x64xf32, #tpu.memory_space<vmem>> -> memref<512x64xf32, #tpu.memory_space<vmem>>
          %dma_start3A_562 = arith.constant 0 : i32
          %dma_start3A_563 = tpu.memref_slice %arg5[%mul3A_557, %dma_start3A_562] : memref<819200x64xf32, #tpu.memory_space<hbm>> -> memref<512x64xf32, #tpu.memory_space<hbm>>
          %dma_start3A_564 = tpu.memref_slice %run_scoped3A_11[%rem3A_555] : memref<2x!tpu.dma_semaphore, #tpu.memory_space<semaphore_mem>> -> memref<1x!tpu.dma_semaphore, #tpu.memory_space<semaphore_mem>>
          %dma_start3A_565 = tpu.memref_squeeze %dma_start3A_564 : memref<1x!tpu.dma_semaphore, #tpu.memory_space<semaphore_mem>> -> memref<!tpu.dma_semaphore, #tpu.memory_space<semaphore_mem>>
          %dma_start3A_566 = arith.constant 0 : i32
          %dma_start3A_567 = tpu.memref_slice %arg5[%mul3A_557, %dma_start3A_566] : memref<819200x64xf32, #tpu.memory_space<hbm>> -> memref<512x64xf32, #tpu.memory_space<hbm>>
          %dma_start3A_568 = arith.constant 0 : i32
          %dma_start3A_569 = arith.constant 0 : i32
          %dma_start3A_570 = tpu.memref_slice %run_scoped3A_10[%rem3A_555, %dma_start3A_568, %dma_start3A_569] : memref<2x512x64xf32, #tpu.memory_space<vmem>> -> memref<1x512x64xf32, #tpu.memory_space<vmem>>
          %dma_start3A_571 = tpu.memref_squeeze %dma_start3A_570 : memref<1x512x64xf32, #tpu.memory_space<vmem>> -> memref<512x64xf32, #tpu.memory_space<vmem>>
          tpu.enqueue_dma source(%dma_start3A_571 : memref<512x64xf32, #tpu.memory_space<vmem>>) target(%dma_start3A_567 : memref<512x64xf32, #tpu.memory_space<hbm>>) target_semaphore(%dma_start3A_565 : memref<!tpu.dma_semaphore, #tpu.memory_space<semaphore_mem>>)
          "tpu.trace_stop"() : () -> ()
        } else {
        }
        %and3A_485 = arith.constant true
        %and3A_486 = arith.andi %or3A_481, %and3A_485 : i1
        %add3A_487 = arith.constant 1 : i32
        %add3A_488 = arith.addi %scan3A_154, %add3A_487 : i32
        %select_n3A_489 = arith.select %and3A_486, %add3A_488, %scan3A_154 : i32
        %ne3A_490 = arith.cmpi ne, %add3A_161, %add3A_170 : i32
        %or3A_491 = arith.constant false
        %or3A_492 = arith.ori %or3A_491, %ne3A_490 : i1
        %not3A_493 = arith.constant true
        %not3A_494 = arith.xori %eq3A_158, %not3A_493 : i1
        %and3A_495 = arith.andi %or3A_492, %not3A_494 : i1
        %convert_element_type3A_496 = arith.extui %and3A_495 : i1 to i32
        %cond3A_497 = arith.constant 0 : i32
        %cond3A_498 = arith.cmpi ne, %convert_element_type3A_496, %cond3A_497 : i32
        scf.if %cond3A_498 {
        } else {
        }
        %and3A_499 = arith.constant false
        %and3A_500 = arith.andi %and3A_495, %and3A_499 : i1
        %ne3A_501 = arith.cmpi ne, %add3A_161, %add3A_170 : i32
        %or3A_502 = arith.constant false
        %or3A_503 = arith.ori %or3A_502, %ne3A_501 : i1
        %or3A_504 = arith.constant false
        %or3A_505 = arith.ori %or3A_503, %or3A_504 : i1
        %not3A_506 = arith.constant true
        %not3A_507 = arith.xori %eq3A_158, %not3A_506 : i1
        %and3A_508 = arith.andi %or3A_505, %not3A_507 : i1
        %convert_element_type3A_509 = arith.extui %and3A_508 : i1 to i32
        %cond3A_510 = arith.constant 0 : i32
        %cond3A_511 = arith.cmpi ne, %convert_element_type3A_509, %cond3A_510 : i32
        scf.if %cond3A_511 {
        } else {
        }
        %and3A_512 = arith.constant false
        %and3A_513 = arith.andi %and3A_508, %and3A_512 : i1
        %ne3A_514 = arith.cmpi ne, %add3A_161, %add3A_170 : i32
        %or3A_515 = arith.constant false
        %or3A_516 = arith.ori %or3A_515, %ne3A_514 : i1
        %or3A_517 = arith.constant false
        %or3A_518 = arith.ori %or3A_516, %or3A_517 : i1
        %not3A_519 = arith.constant true
        %not3A_520 = arith.xori %eq3A_158, %not3A_519 : i1
        %and3A_521 = arith.andi %or3A_518, %not3A_520 : i1
        %convert_element_type3A_522 = arith.extui %and3A_521 : i1 to i32
        %cond3A_523 = arith.constant 0 : i32
        %cond3A_524 = arith.cmpi ne, %convert_element_type3A_522, %cond3A_523 : i32
        scf.if %cond3A_524 {
          "tpu.trace_start"() <{level = 10 : i32, message = "ep_wait_out"}> : () -> ()
          %rem3A_554 = arith.constant 2 : i32
          %rem3A_555 = arith.remui %scan3A_155, %rem3A_554 : i32
          %mul3A_556 = arith.constant 512 : i32
          %mul3A_557 = arith.muli %mul3A_556, %add3A_170 : i32
          %dma_wait3A_558 = arith.constant 0 : i32
          %dma_wait3A_559 = arith.constant 0 : i32
          %dma_wait3A_560 = tpu.memref_slice %run_scoped3A_10[%rem3A_555, %dma_wait3A_558, %dma_wait3A_559] : memref<2x512x64xf32, #tpu.memory_space<vmem>> -> memref<1x512x64xf32, #tpu.memory_space<vmem>>
          %dma_wait3A_561 = tpu.memref_squeeze %dma_wait3A_560 : memref<1x512x64xf32, #tpu.memory_space<vmem>> -> memref<512x64xf32, #tpu.memory_space<vmem>>
          %dma_wait3A_562 = arith.constant 0 : i32
          %dma_wait3A_563 = tpu.memref_slice %arg5[%mul3A_557, %dma_wait3A_562] : memref<819200x64xf32, #tpu.memory_space<hbm>> -> memref<512x64xf32, #tpu.memory_space<hbm>>
          %dma_wait3A_564 = tpu.memref_slice %run_scoped3A_11[%rem3A_555] : memref<2x!tpu.dma_semaphore, #tpu.memory_space<semaphore_mem>> -> memref<1x!tpu.dma_semaphore, #tpu.memory_space<semaphore_mem>>
          %dma_wait3A_565 = tpu.memref_squeeze %dma_wait3A_564 : memref<1x!tpu.dma_semaphore, #tpu.memory_space<semaphore_mem>> -> memref<!tpu.dma_semaphore, #tpu.memory_space<semaphore_mem>>
          %dma_wait3A_566 = arith.constant 0 : i32
          %dma_wait3A_567 = tpu.memref_slice %arg5[%mul3A_557, %dma_wait3A_566] : memref<819200x64xf32, #tpu.memory_space<hbm>> -> memref<512x64xf32, #tpu.memory_space<hbm>>
          %dma_wait3A_568 = arith.constant 0 : i32
          %dma_wait3A_569 = arith.constant 0 : i32
          %dma_wait3A_570 = tpu.memref_slice %run_scoped3A_10[%rem3A_555, %dma_wait3A_568, %dma_wait3A_569] : memref<2x512x64xf32, #tpu.memory_space<vmem>> -> memref<1x512x64xf32, #tpu.memory_space<vmem>>
          %dma_wait3A_571 = tpu.memref_squeeze %dma_wait3A_570 : memref<1x512x64xf32, #tpu.memory_space<vmem>> -> memref<512x64xf32, #tpu.memory_space<vmem>>
          tpu.wait_dma2 semaphore(%dma_wait3A_565 : memref<!tpu.dma_semaphore, #tpu.memory_space<semaphore_mem>>) src(%dma_wait3A_571 : memref<512x64xf32, #tpu.memory_space<vmem>>) dst(%dma_wait3A_567 : memref<512x64xf32, #tpu.memory_space<hbm>>)
          "tpu.trace_stop"() : () -> ()
        } else {
        }
        %and3A_525 = arith.constant true
        %and3A_526 = arith.andi %and3A_521, %and3A_525 : i1
        %add3A_527 = arith.constant 1 : i32
        %add3A_528 = arith.addi %scan3A_155, %add3A_527 : i32
        %select_n3A_529 = arith.select %and3A_526, %add3A_528, %scan3A_155 : i32
        %ne3A_530 = arith.cmpi ne, %add3A_161, %add3A_179 : i32
        %or3A_531 = arith.constant false
        %or3A_532 = arith.ori %or3A_531, %ne3A_530 : i1
        %or3A_533 = arith.ori %or3A_532, %eq3A_160 : i1
        %add3A_534 = arith.constant 1 : i32
        %add3A_535 = arith.addi %scan3A_151, %add3A_534 : i32
        %select_n3A_536 = arith.select %or3A_533, %add3A_535, %scan3A_151 : i32
        %ne3A_537 = arith.cmpi ne, %add3A_161, %add3A_179 : i32
        %or3A_538 = arith.constant false
        %or3A_539 = arith.ori %or3A_538, %ne3A_537 : i1
        %or3A_540 = arith.constant false
        %or3A_541 = arith.ori %or3A_539, %or3A_540 : i1
        %or3A_542 = arith.ori %or3A_541, %eq3A_160 : i1
        %add3A_543 = arith.constant 1 : i32
        %add3A_544 = arith.addi %scan3A_153, %add3A_543 : i32
        %select_n3A_545 = arith.select %or3A_542, %add3A_544, %scan3A_153 : i32
        %add3A_546 = arith.constant 1 : i32
        %add3A_547 = arith.addi %scan3A_156, %add3A_546 : i32
        %select_n3A_548 = arith.constant true
        %select_n3A_549 = arith.select %select_n3A_548, %add3A_547, %scan3A_156 : i32
        %eq3A_550 = arith.constant 50 : i32
        %eq3A_551 = arith.cmpi eq, %select_n3A_549, %eq3A_550 : i32
        %select_n3A_552 = arith.constant 0 : i32
        %select_n3A_553 = arith.select %eq3A_551, %select_n3A_552, %select_n3A_549 : i32
        scf.yield %select_n3A_197, %select_n3A_536, %select_n3A_215, %select_n3A_545, %select_n3A_489, %select_n3A_529, %select_n3A_553 : i32, i32, i32, i32, i32, i32, i32
      }
      %scan3A_96 = arith.constant 50 : i32
      %sub3A = arith.constant 1 : i32
      %sub3A_97 = arith.subi %scan3A_95#6, %sub3A : i32
      %select_n3A_98 = arith.constant true
      %select_n3A_99 = arith.select %select_n3A_98, %sub3A_97, %scan3A_95#6 : i32
      %eq3A_100 = arith.constant -1 : i32
      %eq3A_101 = arith.cmpi eq, %select_n3A_99, %eq3A_100 : i32
      %select_n3A_102 = arith.constant 49 : i32
      %select_n3A_103 = arith.select %eq3A_101, %select_n3A_102, %select_n3A_99 : i32
      %add3A_104 = arith.addi %select_n3A_103, %mul3A_6 : i32
      %sub3A_105 = arith.constant 1 : i32
      %sub3A_106 = arith.subi %select_n3A_103, %sub3A_105 : i32
      %select_n3A_107 = arith.constant true
      %select_n3A_108 = arith.select %select_n3A_107, %sub3A_106, %select_n3A_103 : i32
      %eq3A_109 = arith.constant -1 : i32
      %eq3A_110 = arith.cmpi eq, %select_n3A_108, %eq3A_109 : i32
      %select_n3A_111 = arith.constant 49 : i32
      %select_n3A_112 = arith.select %eq3A_110, %select_n3A_111, %select_n3A_108 : i32
      %add3A_113 = arith.addi %select_n3A_112, %mul3A_6 : i32
      %add3A_114 = arith.constant 1 : i32
      %add3A_115 = arith.addi %select_n3A_103, %add3A_114 : i32
      %select_n3A_116 = arith.constant true
      %select_n3A_117 = arith.select %select_n3A_116, %add3A_115, %select_n3A_103 : i32
      %eq3A_118 = arith.constant 50 : i32
      %eq3A_119 = arith.cmpi eq, %select_n3A_117, %eq3A_118 : i32
      %select_n3A_120 = arith.constant 0 : i32
      %select_n3A_121 = arith.select %eq3A_119, %select_n3A_120, %select_n3A_117 : i32
      %add3A_122 = arith.addi %select_n3A_121, %mul3A_6 : i32
      %add3A_123 = arith.constant 1 : i32
      %add3A_124 = arith.addi %select_n3A_121, %add3A_123 : i32
      %select_n3A_125 = arith.constant true
      %select_n3A_126 = arith.select %select_n3A_125, %add3A_124, %select_n3A_121 : i32
      %eq3A_127 = arith.constant 50 : i32
      %eq3A_128 = arith.cmpi eq, %select_n3A_126, %eq3A_127 : i32
      %select_n3A_129 = arith.constant 0 : i32
      %select_n3A_130 = arith.select %eq3A_128, %select_n3A_129, %select_n3A_126 : i32
      %add3A_131 = arith.addi %select_n3A_130, %mul3A_6 : i32
      "tpu.trace_start"() <{level = 10 : i32, message = "ep_finalize"}> : () -> ()
      %rem3A_132 = arith.constant 2 : i32
      %rem3A_133 = arith.remui %scan3A_95#5, %rem3A_132 : i32
      %mul3A_134 = arith.constant 512 : i32
      %mul3A_135 = arith.muli %mul3A_134, %add3A_104 : i32
      %dma_wait3A = arith.constant 0 : i32
      %dma_wait3A_136 = arith.constant 0 : i32
      %dma_wait3A_137 = tpu.memref_slice %run_scoped3A_10[%rem3A_133, %dma_wait3A, %dma_wait3A_136] : memref<2x512x64xf32, #tpu.memory_space<vmem>> -> memref<1x512x64xf32, #tpu.memory_space<vmem>>
      %dma_wait3A_138 = tpu.memref_squeeze %dma_wait3A_137 : memref<1x512x64xf32, #tpu.memory_space<vmem>> -> memref<512x64xf32, #tpu.memory_space<vmem>>
      %dma_wait3A_139 = arith.constant 0 : i32
      %dma_wait3A_140 = tpu.memref_slice %arg5[%mul3A_135, %dma_wait3A_139] : memref<819200x64xf32, #tpu.memory_space<hbm>> -> memref<512x64xf32, #tpu.memory_space<hbm>>
      %dma_wait3A_141 = tpu.memref_slice %run_scoped3A_11[%rem3A_133] : memref<2x!tpu.dma_semaphore, #tpu.memory_space<semaphore_mem>> -> memref<1x!tpu.dma_semaphore, #tpu.memory_space<semaphore_mem>>
      %dma_wait3A_142 = tpu.memref_squeeze %dma_wait3A_141 : memref<1x!tpu.dma_semaphore, #tpu.memory_space<semaphore_mem>> -> memref<!tpu.dma_semaphore, #tpu.memory_space<semaphore_mem>>
      %dma_wait3A_143 = arith.constant 0 : i32
      %dma_wait3A_144 = tpu.memref_slice %arg5[%mul3A_135, %dma_wait3A_143] : memref<819200x64xf32, #tpu.memory_space<hbm>> -> memref<512x64xf32, #tpu.memory_space<hbm>>
      %dma_wait3A_145 = arith.constant 0 : i32
      %dma_wait3A_146 = arith.constant 0 : i32
      %dma_wait3A_147 = tpu.memref_slice %run_scoped3A_10[%rem3A_133, %dma_wait3A_145, %dma_wait3A_146] : memref<2x512x64xf32, #tpu.memory_space<vmem>> -> memref<1x512x64xf32, #tpu.memory_space<vmem>>
      %dma_wait3A_148 = tpu.memref_squeeze %dma_wait3A_147 : memref<1x512x64xf32, #tpu.memory_space<vmem>> -> memref<512x64xf32, #tpu.memory_space<vmem>>
      tpu.wait_dma2 semaphore(%dma_wait3A_142 : memref<!tpu.dma_semaphore, #tpu.memory_space<semaphore_mem>>) src(%dma_wait3A_148 : memref<512x64xf32, #tpu.memory_space<vmem>>) dst(%dma_wait3A_144 : memref<512x64xf32, #tpu.memory_space<hbm>>)
      "tpu.trace_stop"() : () -> ()
      tpu.yield
    }) : () -> ()
    return
  }
}

module attributes {stable_mosaic.version = 14 : i64} {
  func.func @body(%arg0: memref<4096x200xi32, #tpu.memory_space<vmem>>, %arg1: memref<200x4096xi32, #tpu.memory_space<vmem>>) attributes {dimension_semantics = [], scalar_prefetch = 0 : i64, scratch_operands = 0 : i64, tpu.core_type = #tpu.core_type<tc>} {
    %get3A = arith.constant 0 : index
    %get3A_0 = arith.constant 0 : index
    %get3A_1 = vector.load %arg0[%get3A, %get3A_0] : memref<4096x200xi32, #tpu.memory_space<vmem>>, vector<4096x200xi32>
    %transpose3A = tpu.transpose %get3A_1, [1, 0] : vector<4096x200xi32> -> vector<200x4096xi32>
    %swap3A = arith.constant 0 : index
    %swap3A_2 = arith.constant 0 : index
    %swap3A_3 = vector.load %arg1[%swap3A, %swap3A_2] : memref<200x4096xi32, #tpu.memory_space<vmem>>, vector<200x4096xi32>
    tpu.vector_store %arg1[%swap3A, %swap3A_2], %transpose3A {strides = array<i32>} : memref<200x4096xi32, #tpu.memory_space<vmem>>, vector<200x4096xi32>,
    return
  }
}

</mosaic_0001>

<sc_bundles>
// kernel: kernel.4.cloned.1.call-start
scs
__scs_entry_jumppad:
0x0: {  	(pc) =	sbr.rel $0x88, $3  }
0x1: {  	(tag) =	ssettag $0x0;
	lr =	simm.s32 $0x1  }
0x2: {  	[smem:$0x3F9F] =	sst lr;
	_ =	strace $0xD0000000  }
0x3: {  	_ = 	snop  }
0x4: {  	_ = 	snop  }
0x5: {  	_ = 	snop  }
0x6: {  	_ = 	snop  }
0x7: {  	_ = 	snop  }
__scs_overlays_trampoline_lowered:
0x8: {  	[smem:$0x3FAE] =	sst s0  }
0x9: {  	[smem:$0x3FAF] =	sst s1  }
0xa: {  	[smem:$0x3FB0] =	sst s2  }
0xb: {  	[smem:$0x3FB1] =	sst s3  }
0xc: {  	[smem:$0x3FB2] =	sst s4  }
0xd: {  	[smem:$0x3FB3] =	sst s5  }
0xe: {  	[smem:$0x3FB4] =	sst s6  }
0xf: {  	[smem:$0x3FB5] =	sst s7  }
0x10: {  	[smem:$0x3FB6] =	sst s8  }
0x11: {  	[smem:$0x3FB7] =	sst s9;
	s0 =	simm.s32 @!p0 $0x0  }
0x12: {  	s1 =	sld [smem:$0x3F9D];
	s0 =	simm.s32 @p0 $0x1  }
0x13: {  	[smem:$0x3FB8] =	sst s0;
	s0 =	simm.s32 @!p1 $0x0  }
0x14: {  	s2 =	sld [smem:$0x3F9C];
	s0 =	simm.s32 @p1 $0x1  }
0x15: {  	[smem:$0x3FB9] =	sst s0;
	s0 =	simm.s32 @!p2 $0x0  }
0x16: {  	s3 =	sld [smem:$0x3FDB];
	s0 =	simm.s32 @p2 $0x1  }
0x17: {  	s4 =	simm.s32 $0x1BF5;
	[smem:$0x3FBB] =	sst s0  }
0x18: {  	s0 =	sld [smem:$0x3F9E];
	_ =	swait.ge [sflag:s4], $0x0  }
0x19: {  	s7 =	sld [smem:$0x3F9F]  }
0x1a: {  	s8 =	sadd.s32 $0xFFFFE003, lr  }
0x1b: {  	s9 =	sadd.s32 $0xFFFFFEF7, lr;
	s5 =	simm.s32 $0xFFFFFFFF;
	p2 =	slt.u32 s8, $0xFFFFF086  }
0x1c: {  	p1 =	slt.u32 s9, $0xF7A;
	s5 =	simm.s32 @!p2 $0x0  }
0x1d: {  	s5 =	simm.s32 @p1 $0x1;
	p0 =	seq.s32 s7, s2  }
0x1e: {  	s7 =	smul.u32 @!p0 $0xF7A, s2;
	p2 =	seq.s32 @!p0 s5, $0x0  }
0x1f: {  	s9 =	smul.u32 $0xF7A, s1;
	s8 =	simm.s32 @!p0 $0x1BF5;
	p2 =	por !p2, p0  }
0x20: {  	[sflag:s8] =	ssyncset.s32 @!p0 $0xFFFFF086;
	s6 =	sadd.s32 @!p0 s3, s7;
	s7 =	simm.s32 @!p0 $0x108  }
0x21: {  	s3 =	sadd.s32 s3, s9;
	s6 =	sadd.s32 @!p0 $0x88, s6;
	s7 =	simm.s32 @p2 $0x1082  }
0x22: {  	[simem:s7], [sflag:s8] =	dma.local @!p0 [hbm:s6], $0xF7A  }
0x23: {  	s9 =	sor.u32 $0xD0000000, s2;
	s6 =	simm.s32 $0x108;
	_ =	swait.ge @!p0 [sflag:s8], $0x0  }
0x24: {  	s3 =	sadd.s32 $0x88, s3;
	s6 =	simm.s32 @!p1 $0x1082;
	[sflag:s4] =	ssyncset.s32 $0xFFFFF086  }
0x25: {  	[simem:s6], [sflag:s4] =	dma.local [hbm:s3], $0xF7A  }
0x26: {  	[smem:$0x3F9F] =	sst s1;
	(tag) =	ssettag s2;
	_ =	strace s9  }
0x27: {  	s1 =	sld [smem:$0x3FAF]  }
0x28: {  	s2 =	sld [smem:$0x3FB0]  }
0x29: {  	s4 =	sld [smem:$0x3FB2]  }
0x2a: {  	p0 =	seq.s32 s5, $0x0;
	s5 =	sld [smem:$0x3FB3]  }
0x2b: {  	s6 =	sld [smem:$0x3FB4]  }
0x2c: {  	s7 =	sld [smem:$0x3FB5]  }
0x2d: {  	s3 =	simm.s32 $0x108;
	s8 =	sld [smem:$0x3FB6]  }
0x2e: {  	s3 =	simm.s32 @!p0 $0x1082;
	s9 =	sld [smem:$0x3FB7]  }
0x2f: {  	lr =	sadd.s32 s0, s3;
	s0 =	sld [smem:$0x3FAE]  }
0x30: {  	s3 =	sld [smem:$0x3FB1]  }
0x31: {  	[smem:$0x3FBA] =	sst s10  }
0x32: {  	s10 =	sld [smem:$0x3FB8];
	_ =	sdelay $0x3  }
0x33: {  	p0 =	seq.s32 s10, $0x1;
	s10 =	sld [smem:$0x3FBA];
	_ =	sdelay $0x3  }
0x34: {  	[smem:$0x3FBA] =	sst s10  }
0x35: {  	s10 =	sld [smem:$0x3FB9];
	_ =	sdelay $0x3  }
0x36: {  	p1 =	seq.s32 s10, $0x1;
	s10 =	sld [smem:$0x3FBA];
	_ =	sdelay $0x3  }
0x37: {  	[smem:$0x3FBA] =	sst s10  }
0x38: {  	s10 =	sld [smem:$0x3FBB]  }
0x39: {  	_ = 	snop;
	(pc) =	sbr.ind lr, $3  }
0x3a: {  	_ = 	snop  }
0x3b: {  	_ = 	snop  }
0x3c: {  	p2 =	seq.s32 s10, $0x1;
	s10 =	sld [smem:$0x3FBA]  }
0x3d: {  	_ =	shalt  }
0x3e: {  	_ =	shalt  }
0x3f: {  	_ =	shalt  }
0x40: {  	_ =	shalt  }
0x41: {  	_ =	shalt  }
0x42: {  	_ =	shalt  }
0x43: {  	_ =	shalt  }
0x44: {  	_ =	shalt  }
0x45: {  	_ =	shalt  }
0x46: {  	_ =	shalt  }
0x47: {  	_ =	shalt  }
0x48: {  	_ =	shalt  }
0x49: {  	_ =	shalt  }
0x4a: {  	_ =	shalt  }
0x4b: {  	_ =	shalt  }
0x4c: {  	_ =	shalt  }
0x4d: {  	_ =	shalt  }
0x4e: {  	_ =	shalt  }
0x4f: {  	_ =	shalt  }
0x50: {  	_ =	shalt  }
0x51: {  	_ =	shalt  }
0x52: {  	_ =	shalt  }
0x53: {  	_ =	shalt  }
0x54: {  	_ =	shalt  }
0x55: {  	_ =	shalt  }
0x56: {  	_ =	shalt  }
0x57: {  	_ =	shalt  }
0x58: {  	_ =	shalt  }
0x59: {  	_ =	shalt  }
0x5a: {  	_ =	shalt  }
0x5b: {  	_ =	shalt  }
0x5c: {  	_ =	shalt  }
0x5d: {  	_ =	shalt  }
0x5e: {  	_ =	shalt  }
0x5f: {  	_ =	shalt  }
0x60: {  	_ =	shalt  }
0x61: {  	_ =	shalt  }
0x62: {  	_ =	shalt  }
0x63: {  	_ =	shalt  }
0x64: {  	_ =	shalt  }
0x65: {  	_ =	shalt  }
0x66: {  	_ =	shalt  }
0x67: {  	_ =	shalt  }
0x68: {  	_ =	shalt  }
0x69: {  	_ =	shalt  }
0x6a: {  	_ =	shalt  }
0x6b: {  	_ =	shalt  }
0x6c: {  	_ =	shalt  }
0x6d: {  	_ =	shalt  }
0x6e: {  	_ =	shalt  }
0x6f: {  	_ =	shalt  }
0x70: {  	_ =	shalt  }
0x71: {  	_ =	shalt  }
0x72: {  	_ =	shalt  }
0x73: {  	_ =	shalt  }
0x74: {  	_ =	shalt  }
0x75: {  	_ =	shalt  }
0x76: {  	_ =	shalt  }
0x77: {  	_ =	shalt  }
0x78: {  	_ =	shalt  }
0x79: {  	_ =	shalt  }
0x7a: {  	_ =	shalt  }
0x7b: {  	_ =	shalt  }
0x7c: {  	_ =	shalt  }
0x7d: {  	_ =	shalt  }
0x7e: {  	_ =	shalt  }
0x7f: {  	_ =	shalt  }
0x80: {  	_ =	shalt  }
0x81: {  	_ =	shalt  }
0x82: {  	_ =	shalt  }
0x83: {  	_ =	shalt  }
0x84: {  	_ =	shalt  }
0x85: {  	_ =	shalt  }
0x86: {  	_ =	shalt  }
0x87: {  	_ =	shalt  }
.Lfunc_end0:
.L_simem_size_0:
called_computation.1_lowered:
.L_overlay_start_0:
0x88: {  	s2 =	sld [smem:$0x3FD9]  }
0x89: {  	s3 =	sld [smem:$0x3FFE];
	_ =	sdelay $0x1  }
0x8a: {  	s1 =	srdreg.scid  }
0x8b: {  	s0 =	sand.u32 $0x1, s1  }
0x8c: {  	s17 =	sshll.u32 s0, $0xA;
	s2 =	sadd.s32 s3, s2  }
0x8d: {  	s2 =	sadd.s32 s2, s17  }
0x8e: {  	[smem:$0x3FC6] =	sst s2  }
0x8f: {  	_ = 	snop  }
0x90: {  	s2 =	sld [smem:$0x3FD0];
	(tm) =	ssettm $0x1  }
0x91: {  	s18 =	sld [smem:$0x3FFB];
	_ =	sdelay $0x3  }
0x92: {  	_ =	strace s18  }
0x93: {  	s3 =	sld [smem:$0x3FFC];
	_ =	sdelay $0x3  }
0x94: {  	_ =	strace s3  }
0x95: {  	s3 =	sld [smem:$0x3FFD];
	_ =	sdelay $0x3  }
0x96: {  	_ =	strace s3  }
0x97: {  	_ =	strace $0x8FFFFFFF  }
0x98: {  	s19 =	sld [smem:$0x3FDB];
	_ =	sdelay $0x1  }
0x99: {  	s4 =	simm.s32 $_scs_section_size  }
0x9a: {  	s5 =	simm.s32 $_size__tile_overlayer_lowered;
	s6 =	simm.s32 $_tile_overlayer_lowered  }
0x9b: {  	s22 =	simm.s32 $0x1BFF;
	s21 =	sshll.u32 s6, $0x1;
	s3 =	sadd.s32 s4, s19  }
0x9c: {  	s7 =	simm.s32 $0x0;
	s20 =	sshll.u32 s5, $0x1;
	s5 =	sadd.s32 s21, s3  }
0x9d: {  	[timem:s7], [sflag:s22] =	dma.local [hbm:s5], s20  }
0x9e: {  	_ =	swait.ge [sflag:s22], s20  }
0x9f: {  	s4 =	ssub.s32 $0x0, s20;
	[sflag:s22] =	ssyncset.done $0x0  }
0xa0: {  	[sflag:s22] =	ssyncadd.s32 s4;
	_ =	sdelay $0x1  }
0xa1: {  	s23 =	simm.s32 $0x1B8B  }
0xa2: {  	_ =	swait.ge [sflag:s23], $0x1  }
0xa3: {  	[sflag:s23] =	ssyncset.done $0x0  }
0xa4: {  	s25 =	simm.s32 $0x1B8E;
	s24 =	sld [smem:$0x3FFE];
	[sflag:s23] =	ssyncadd.s32 $0xFFFFFFFF  }
0xa5: {  	s26 =	simm.s32 $execute0_lowered;
	[smem:$0x3FD2] =	sst s25  }
0xa6: {  	s5 =	sshll.u32 s26, $0x1;
	_ =	strace $0x80000046;
	[dreg:$0x1] =	wrdreg $0xFFFFFFFF  }
0xa7: {  	s28 =	simm.s32 $_size_execute0_lowered;
	s3 =	sadd.s32 s3, s5;
	[dreg:$0x0] =	wrdreg $0x0  }
0xa8: {  	s5 =	sshll.u32 s28, $0x1;
	[dreg:$0x2] =	wrdreg s3  }
0xa9: {  	[dreg:$0x3] =	wrdreg s5  }
0xaa: {  	[dreg:$0x4] =	wrdreg $0xC0  }
0xab: {  	_ =	task [dreg:s7], $0x5FFFF  }
0xac: {  	[dreg:$0x1] =	wrdreg $0xFFFFFFFF  }
0xad: {  	[dreg:$0x0] =	wrdreg $0x60  }
0xae: {  	[dreg:$0x2] =	wrdreg s24  }
0xaf: {  	[dreg:$0x3] =	wrdreg s2  }
0xb0: {  	[dreg:$0x4] =	wrdreg $0x9  }
0xb1: {  	_ =	task.clear_ibuf [dreg:s7], $0x5FFFF;
	_ =	strace $0x90000046  }
0xb2: {  	s29 =	simm.s32 $0x9;
	_ =	strace $0x80000051  }
0xb3: {  	_ =	swait.ge [sflag:s29], $0x1  }
0xb4: {  	[sflag:s29] =	ssyncadd.s32 $0xFFFFFFFF  }
0xb5: {  	_ =	strace $0x90000051  }
0xb6: {  	_ =	sfence  }
0xb7: {  	s30 =	sld [smem:$0x0];
	_ =	sdelay $0x2  }
0xb8: {  	s31 =	sshll.u32 s1, $0xD;
	s1 =	sshrl.u32 s1, $0x2  }
0xb9: {  	s3 =	sand.u32 $0x4000, s31;
	s1 =	sadd.s32 s1, s30  }
0xba: {  	s0 =	sor.u32 s3, s0;
	s1 =	sshll.u32 s1, $0x11  }
0xbb: {  	s0 =	sor.u32 s1, s0  }
0xbc: {  	s0 =	sadd.s32 $0x8F2B, s0  }
0xbd: {  	[sflag:s0] =	ssyncadd.remote.s32 $0x1  }
0xbe: {  	_ =	sfence.sel $0xFFFF  }
0xbf: {  	[dreg:$0x0] =	wrdreg $0xFFFFFFFF;
	(pc) =	sbr.abs _section_cstart, $3  }
0xc0: {  	[dreg:$0x1] =	wrdreg $0xFFFFFFFF  }
0xc1: {  	_ =	task.clear_ibuf [dreg:s7], $0x2FFFF;
	_ =	strace $0x9FFFFFFF  }
0xc2: {  	(tm) =	ssettm $0x7FFFFFFF  }
0xc3: {  	_ =	shalt  }
tec
execute0_lowered:
.L_overlay_start_1:
0x0: {  	(tag) =	ssettag $0x1  }
0x1: {  	s0 =	rddreg [dreg:$0x0]  }
0x2: {  	s1 =	rddreg [dreg:$0x1]  }
0x3: {  	s2 =	srdreg.scid;
	s5 =	simm.s32 $0x0;
	s4 =	stileid.u32  }
0x4: {  	s12 =	simm.s32 $0x80;
	s13 =	simm.s32 $0x1;
	s14 =	simm.s32 $0x2  }
0x5: {  	s15 =	simm.s32 $0x3;
	s16 =	simm.s32 $0x4;
	s2 =	sand.u32 $0x1, s2  }
0x6: {  	s17 =	simm.s32 $0xA;
	s18 =	simm.s32 $0x0;
	s3 =	sshll.u32 s2, $0x4  }
0x7: {  	[smem:$0x7FF] =	sst s5;
	s5 =	sadd.s32 $0x3A00, s0;
	s3 =	sor.u32 s4, s3  }
0x8: {  	s6 =	sadd.s32 $0x800, s0;
	s2 =	ssub.s32 $0x2, s2;
	s8 =	smul.u32 $0xC80, s3  }
0x9: {  	_ =	strace $0x80000047;
	s7 =	sshrl.u32 s2, $0x1;
	s9 =	smul.u32 $0x190, s3  }
0xa: {  	s4 =	sadd.s32 $0x1CA00, s0;
	s31 =	ssub.s32 s2, s7;
	s7 =	smul.u32 $0x32, s3  }
0xb: {  	s10 =	smax.u32 s31, $0x1;
	s8 =	sadd.s32 s5, s8;
	s9 =	sadd.s32 s6, s9  }
.LBB2_1:
0xc: {  	_ =	strace $0x80000048;
	s0 =	simm.s32 $0x0;
	s2 =	simm.s32 $0x400  }
0xd: {  	s28 =	simm.s32 $0x0;
	s19 =	simm.s32 $0x0;
	s20 =	simm.s32 $0x0  }
0xe: {  	[tilespmem:s0], [sflag:$0x5] =	stream.linear.gather [hbm4b:s8+s0], $0x200, $0x200038;
	[tilespmem:$0x10480] =	vst v63  }
0xf: {  	s21 =	simm.s32 $0x0;
	s22 =	simm.s32 $0x1;
	s23 =	simm.s32 $0x0  }
0x10: {  	[tilespmem:s2], [sflag:$0x7] =	stream.linear.gather [hbm4b:s9+s0], $0x40, $0x200038;
	[tilespmem:$0x10480] =	vst v63  }
0x11: {  	s24 =	simm.s32 $0x1;
	s25 =	simm.s32 $0x0;
	_ =	strace $0x90000048  }
.LBB2_2:
0x12: {  	s26 =	sadd.s32 $0x1, s28  }
0x13: {  	p0 =	seq.s32 s26, $0x32  }
0x14: {  	s26 =	simm.s32 @p0 $0x0;
	p0 =	seq.s32 s25, $0x31  }
0x15: {  	p1 =	seq.s32 @!p0 s28, s26  }
0x16: {  	p2 =	por p1, p0  }
0x17: {  	s0 =	sadd.s32 @!p2 s7, s26  }
0x18: {  	_ =	strace @!p2 $0x80000049;
	s2 =	sand.u32 @!p2 $0x1, s24;
	s3 =	sshll.u32 @!p2 s0, $0x6  }
0x19: {  	s30 =	simm.s32 @!p2 $0x0;
	s29 =	sshll.u32 @!p2 s2, $0x9;
	s3 =	sand.u32 @!p2 $0x1FFFFFC0, s3  }
0x1a: {  	s2 =	sadd.s32 @!p2 $0x5, s2;
	s0 =	sshll.u32 @!p2 s0, $0x3;
	s3 =	sadd.s32 @!p2 s5, s3  }
0x1b: {  	[tilespmem:s29], [sflag:s2] =	stream.linear.gather @!p2 [hbm4b:s3+s30], $0x200, $0x200038;
	[tilespmem:$0x10480] =	vst v63  }
0x1c: {  	s0 =	sand.u32 @!p2 $0x1FFFFFF8, s0;
	s2 =	sand.u32 @!p2 $0x1, s22  }
0x1d: {  	s0 =	sadd.s32 @!p2 s6, s0;
	_ =	strace @!p2 $0x90000049;
	s3 =	sshll.u32 @!p2 s2, $0x6  }
0x1e: {  	s2 =	sadd.s32 @!p2 $0x7, s2;
	_ =	strace @!p2 $0x8000004A;
	s3 =	sor.u32 @!p2 $0x400, s3  }
0x1f: {  	[tilespmem:s3], [sflag:s2] =	stream.linear.gather @!p2 [hbm4b:s0+s30], $0x40, $0x200038;
	[tilespmem:$0x10480] =	vst v63  }
0x20: {  	s3 =	sand.u32 $0x1, s23;
	_ =	strace @!p2 $0x9000004A  }
0x21: {  	s0 =	sadd.s32 $0x5, s3;
	_ =	strace $0x8000004B  }
0x22: {  	_ =	swait.ge [sflag:s0], $0x200  }
0x23: {  	[sflag:s0] =	ssyncset.done $0x0  }
0x24: {  	[sflag:s0] =	ssyncadd.s32 $0xFFFFFE00  }
0x25: {  	s2 =	sand.u32 $0x1, s21;
	_ =	strace $0x9000004B  }
0x26: {  	s0 =	sadd.s32 $0x7, s2;
	_ =	strace $0x8000004C  }
0x27: {  	_ =	swait.ge [sflag:s0], $0x40  }
0x28: {  	s29 =	sand.u32 $0x1, s20;
	[sflag:s0] =	ssyncset.done $0x0  }
0x29: {  	s3 =	sshll.u32 s29, $0x11;
	[sflag:s0] =	ssyncadd.s32 $0xFFFFFFC0  }
0x2a: {  	s2 =	sshrl.u32 s3, $0x2;
	s0 =	sshll.u32 s23, $0x9;
	_ =	strace $0x9000004C  }
0x2b: {  	s3 =	sor.u32 $0x480, s2;
	s0 =	sand.u32 $0x200, s0;
	_ =	strace $0x8000004D  }
0x2c: {  	[tilespmem:s3], [sflag:$0x1] =	stream.indirect.gather [hbm4b:s4+s12], $0x40, s0, s12, $0x2000b8;
	[tilespmem:$0x10480] =	vst v63  }
0x2d: {  	s30 =	sor.u32 $0x2480, s2;
	s31 =	sor.u32 $0x80, s0  }
0x2e: {  	[tilespmem:s30], [sflag:$0x2] =	stream.indirect.gather [hbm4b:s4+s12], $0x40, s31, s12, $0x2000b8;
	[tilespmem:$0x10480] =	vst v63  }
0x2f: {  	s30 =	sor.u32 $0x4480, s2;
	s31 =	sor.u32 $0x100, s0  }
0x30: {  	[tilespmem:s30], [sflag:$0x3] =	stream.indirect.gather [hbm4b:s4+s12], $0x40, s31, s12, $0x2000b8;
	[tilespmem:$0x10480] =	vst v63  }
0x31: {  	s0 =	sor.u32 $0x180, s0;
	s30 =	sor.u32 $0x6480, s2  }
0x32: {  	[tilespmem:s30], [sflag:$0x4] =	stream.indirect.gather [hbm4b:s4+s12], $0x40, s0, s12, $0x2000b8;
	[tilespmem:$0x10480] =	vst v63  }
0x33: {  	s0 =	sshll.u32 s21, $0x6  }
0x34: {  	s0 =	sand.u32 $0x40, s0  }
0x35: {  	v1 =	vld [tilespmem:s0+$0x400]  }
0x36: {  	v0 =	vld [tilespmem:s0+$0x410]  }
0x37: {  	v3 =	vld [tilespmem:s0+$0x430]  }
0x38: {  	v2 =	vld [tilespmem:s0+$0x420];
	_ =	swait.ge [sflag:s13], $0x2000  }
0x39: {  	[sflag:s13] =	ssyncset.done $0x0  }
0x3a: {  	[sflag:s13] =	ssyncadd.s32 $0xFFFFE000  }
0x3b: {  	[tilespmem:s3+$0x0] =	vst.add.f32.msk $0xffff, v1  }
0x3c: {  	[tilespmem:s3+$0x1F0] =	vst.add.f32.msk $0xffff, v3  }
0x3d: {  	[tilespmem:s3+$0x1E0] =	vst.add.f32.msk $0xffff, v2  }
0x3e: {  	[tilespmem:s3+$0x1D0] =	vst.add.f32.msk $0xffff, v0  }
0x3f: {  	[tilespmem:s3+$0x1C0] =	vst.add.f32.msk $0xffff, v1  }
0x40: {  	[tilespmem:s3+$0x1B0] =	vst.add.f32.msk $0xffff, v3  }
0x41: {  	[tilespmem:s3+$0x1A0] =	vst.add.f32.msk $0xffff, v2  }
0x42: {  	[tilespmem:s3+$0x190] =	vst.add.f32.msk $0xffff, v0  }
0x43: {  	[tilespmem:s3+$0x180] =	vst.add.f32.msk $0xffff, v1  }
0x44: {  	[tilespmem:s3+$0x170] =	vst.add.f32.msk $0xffff, v3  }
0x45: {  	[tilespmem:s3+$0x160] =	vst.add.f32.msk $0xffff, v2  }
0x46: {  	[tilespmem:s3+$0x150] =	vst.add.f32.msk $0xffff, v0  }
0x47: {  	[tilespmem:s3+$0x140] =	vst.add.f32.msk $0xffff, v1  }
0x48: {  	[tilespmem:s3+$0x130] =	vst.add.f32.msk $0xffff, v3  }
0x49: {  	[tilespmem:s3+$0x120] =	vst.add.f32.msk $0xffff, v2  }
0x4a: {  	[tilespmem:s3+$0x110] =	vst.add.f32.msk $0xffff, v0  }
0x4b: {  	[tilespmem:s3+$0x100] =	vst.add.f32.msk $0xffff, v1  }
0x4c: {  	[tilespmem:s3+$0xF0] =	vst.add.f32.msk $0xffff, v3  }
0x4d: {  	[tilespmem:s3+$0xE0] =	vst.add.f32.msk $0xffff, v2  }
0x4e: {  	[tilespmem:s3+$0xD0] =	vst.add.f32.msk $0xffff, v0  }
0x4f: {  	[tilespmem:s3+$0xC0] =	vst.add.f32.msk $0xffff, v1  }
0x50: {  	[tilespmem:s3+$0xB0] =	vst.add.f32.msk $0xffff, v3  }
0x51: {  	[tilespmem:s3+$0xA0] =	vst.add.f32.msk $0xffff, v2  }
0x52: {  	[tilespmem:s3+$0x90] =	vst.add.f32.msk $0xffff, v0  }
0x53: {  	[tilespmem:s3+$0x80] =	vst.add.f32.msk $0xffff, v1  }
0x54: {  	[tilespmem:s3+$0x70] =	vst.add.f32.msk $0xffff, v3  }
0x55: {  	[tilespmem:s3+$0x60] =	vst.add.f32.msk $0xffff, v2  }
0x56: {  	p1 =	por !p1, p0;
	s31 =	simm.s32 $0x0;
	[tilespmem:s3+$0x50] =	vst.add.f32.msk $0xffff, v0  }
0x57: {  	s11 =	smov.u32 s24;
	s31 =	simm.s32 @p1 $0x1;
	s30 =	sadd.s32 @!p2 $0x1, s24;
	[tilespmem:s3+$0x40] =	vst.add.f32.msk $0xffff, v1  }
0x58: {  	s31 =	simm.s32 @p0 $0x0;
	s24 =	smov.u32 @p1 s30;
	s30 =	smov.u32 s3;
	[tilespmem:s3+$0x30] =	vst.add.f32.msk $0xffff, v3  }
0x59: {  	s0 =	sadd.s32 s7, s28;
	s24 =	smov.u32 @p0 s11;
	s11 =	simm.s32 $0x0;
	[tilespmem:s3+$0x20] =	vst.add.f32.msk $0xffff, v2  }
.LBB2_3:
0x5a: {  	s11 =	sadd.s32 $0x8, s11;
	[tilespmem:s30+$0x10] =	vst.add.f32.msk $0xffff, v0;
	s30 =	sadd.s32 $0x200, s30  }
0x5b: {  	[tilespmem:s30+$0x0] =	vst.add.f32.msk $0xffff, v1;
	p1 =	slt.u32 s11, $0x78  }
0x5c: {  	[tilespmem:s30+$0x1F0] =	vst.add.f32.msk $0xffff, v3  }
0x5d: {  	[tilespmem:s30+$0x1E0] =	vst.add.f32.msk $0xffff, v2  }
0x5e: {  	[tilespmem:s30+$0x1D0] =	vst.add.f32.msk $0xffff, v0  }
0x5f: {  	[tilespmem:s30+$0x1C0] =	vst.add.f32.msk $0xffff, v1  }
0x60: {  	[tilespmem:s30+$0x1B0] =	vst.add.f32.msk $0xffff, v3  }
0x61: {  	[tilespmem:s30+$0x1A0] =	vst.add.f32.msk $0xffff, v2  }
0x62: {  	[tilespmem:s30+$0x190] =	vst.add.f32.msk $0xffff, v0  }
0x63: {  	[tilespmem:s30+$0x180] =	vst.add.f32.msk $0xffff, v1  }
0x64: {  	[tilespmem:s30+$0x170] =	vst.add.f32.msk $0xffff, v3  }
0x65: {  	[tilespmem:s30+$0x160] =	vst.add.f32.msk $0xffff, v2  }
0x66: {  	[tilespmem:s30+$0x150] =	vst.add.f32.msk $0xffff, v0  }
0x67: {  	[tilespmem:s30+$0x140] =	vst.add.f32.msk $0xffff, v1  }
0x68: {  	[tilespmem:s30+$0x130] =	vst.add.f32.msk $0xffff, v3  }
0x69: {  	[tilespmem:s30+$0x120] =	vst.add.f32.msk $0xffff, v2  }
0x6a: {  	[tilespmem:s30+$0x110] =	vst.add.f32.msk $0xffff, v0  }
0x6b: {  	[tilespmem:s30+$0x100] =	vst.add.f32.msk $0xffff, v1  }
0x6c: {  	[tilespmem:s30+$0xF0] =	vst.add.f32.msk $0xffff, v3  }
0x6d: {  	[tilespmem:s30+$0xE0] =	vst.add.f32.msk $0xffff, v2  }
0x6e: {  	[tilespmem:s30+$0xD0] =	vst.add.f32.msk $0xffff, v0  }
0x6f: {  	[tilespmem:s30+$0xC0] =	vst.add.f32.msk $0xffff, v1  }
0x70: {  	[tilespmem:s30+$0xB0] =	vst.add.f32.msk $0xffff, v3  }
0x71: {  	[tilespmem:s30+$0xA0] =	vst.add.f32.msk $0xffff, v2  }
0x72: {  	[tilespmem:s30+$0x90] =	vst.add.f32.msk $0xffff, v0  }
0x73: {  	[tilespmem:s30+$0x80] =	vst.add.f32.msk $0xffff, v1  }
0x74: {  	[tilespmem:s30+$0x70] =	vst.add.f32.msk $0xffff, v3  }
.Ltmp0:
0x75: {  	[tilespmem:s30+$0x60] =	vst.add.f32.msk $0xffff, v2;
	(pc) =	sbr.rel @p1 .LBB2_3-.Ltmp0, $4  }
0x76: {  	[tilespmem:s30+$0x50] =	vst.add.f32.msk $0xffff, v0  }
0x77: {  	[tilespmem:s30+$0x40] =	vst.add.f32.msk $0xffff, v1  }
0x78: {  	[tilespmem:s30+$0x30] =	vst.add.f32.msk $0xffff, v3  }
0x79: {  	[tilespmem:s30+$0x20] =	vst.add.f32.msk $0xffff, v2  }
0x7a: {  	[tilespmem:s30+$0x10] =	vst.add.f32.msk $0xffff, v0  }
0x7b: {  	_ =	swait.ge [sflag:s14], $0x2000  }
0x7c: {  	[sflag:s14] =	ssyncset.done $0x0  }
0x7d: {  	s11 =	sadd.s32 $0x2480, s2;
	[sflag:s14] =	ssyncadd.s32 $0xFFFFE000  }
0x7e: {  	[tilespmem:s11+$0x0] =	vst.add.f32.msk $0xffff, v1  }
0x7f: {  	[tilespmem:s11+$0x1F0] =	vst.add.f32.msk $0xffff, v3  }
0x80: {  	[tilespmem:s11+$0x1E0] =	vst.add.f32.msk $0xffff, v2  }
0x81: {  	[tilespmem:s11+$0x1D0] =	vst.add.f32.msk $0xffff, v0  }
0x82: {  	[tilespmem:s11+$0x1C0] =	vst.add.f32.msk $0xffff, v1  }
0x83: {  	[tilespmem:s11+$0x1B0] =	vst.add.f32.msk $0xffff, v3  }
0x84: {  	[tilespmem:s11+$0x1A0] =	vst.add.f32.msk $0xffff, v2  }
0x85: {  	[tilespmem:s11+$0x190] =	vst.add.f32.msk $0xffff, v0  }
0x86: {  	[tilespmem:s11+$0x180] =	vst.add.f32.msk $0xffff, v1  }
0x87: {  	[tilespmem:s11+$0x170] =	vst.add.f32.msk $0xffff, v3  }
0x88: {  	[tilespmem:s11+$0x160] =	vst.add.f32.msk $0xffff, v2  }
0x89: {  	[tilespmem:s11+$0x150] =	vst.add.f32.msk $0xffff, v0  }
0x8a: {  	[tilespmem:s11+$0x140] =	vst.add.f32.msk $0xffff, v1  }
0x8b: {  	[tilespmem:s11+$0x130] =	vst.add.f32.msk $0xffff, v3  }
0x8c: {  	[tilespmem:s11+$0x120] =	vst.add.f32.msk $0xffff, v2  }
0x8d: {  	[tilespmem:s11+$0x110] =	vst.add.f32.msk $0xffff, v0  }
0x8e: {  	[tilespmem:s11+$0x100] =	vst.add.f32.msk $0xffff, v1  }
0x8f: {  	[tilespmem:s11+$0xF0] =	vst.add.f32.msk $0xffff, v3  }
0x90: {  	[tilespmem:s11+$0xE0] =	vst.add.f32.msk $0xffff, v2  }
0x91: {  	[tilespmem:s11+$0xD0] =	vst.add.f32.msk $0xffff, v0  }
0x92: {  	[tilespmem:s11+$0xC0] =	vst.add.f32.msk $0xffff, v1  }
0x93: {  	[tilespmem:s11+$0xB0] =	vst.add.f32.msk $0xffff, v3  }
0x94: {  	[tilespmem:s11+$0xA0] =	vst.add.f32.msk $0xffff, v2  }
0x95: {  	[tilespmem:s11+$0x90] =	vst.add.f32.msk $0xffff, v0  }
0x96: {  	[tilespmem:s11+$0x80] =	vst.add.f32.msk $0xffff, v1  }
0x97: {  	[tilespmem:s11+$0x70] =	vst.add.f32.msk $0xffff, v3  }
0x98: {  	[tilespmem:s11+$0x60] =	vst.add.f32.msk $0xffff, v2  }
0x99: {  	[tilespmem:s11+$0x50] =	vst.add.f32.msk $0xffff, v0  }
0x9a: {  	[tilespmem:s11+$0x40] =	vst.add.f32.msk $0xffff, v1  }
0x9b: {  	[tilespmem:s11+$0x30] =	vst.add.f32.msk $0xffff, v3  }
0x9c: {  	s30 =	simm.s32 $0x0;
	[tilespmem:s11+$0x20] =	vst.add.f32.msk $0xffff, v2  }
.LBB2_5:
0x9d: {  	s30 =	sadd.s32 $0x8, s30;
	[tilespmem:s11+$0x10] =	vst.add.f32.msk $0xffff, v0;
	s11 =	sadd.s32 $0x200, s11  }
0x9e: {  	[tilespmem:s11+$0x0] =	vst.add.f32.msk $0xffff, v1;
	p1 =	slt.u32 s30, $0x78  }
0x9f: {  	[tilespmem:s11+$0x1F0] =	vst.add.f32.msk $0xffff, v3  }
0xa0: {  	[tilespmem:s11+$0x1E0] =	vst.add.f32.msk $0xffff, v2  }
0xa1: {  	[tilespmem:s11+$0x1D0] =	vst.add.f32.msk $0xffff, v0  }
0xa2: {  	[tilespmem:s11+$0x1C0] =	vst.add.f32.msk $0xffff, v1  }
0xa3: {  	[tilespmem:s11+$0x1B0] =	vst.add.f32.msk $0xffff, v3  }
0xa4: {  	[tilespmem:s11+$0x1A0] =	vst.add.f32.msk $0xffff, v2  }
0xa5: {  	[tilespmem:s11+$0x190] =	vst.add.f32.msk $0xffff, v0  }
0xa6: {  	[tilespmem:s11+$0x180] =	vst.add.f32.msk $0xffff, v1  }
0xa7: {  	[tilespmem:s11+$0x170] =	vst.add.f32.msk $0xffff, v3  }
0xa8: {  	[tilespmem:s11+$0x160] =	vst.add.f32.msk $0xffff, v2  }
0xa9: {  	[tilespmem:s11+$0x150] =	vst.add.f32.msk $0xffff, v0  }
0xaa: {  	[tilespmem:s11+$0x140] =	vst.add.f32.msk $0xffff, v1  }
0xab: {  	[tilespmem:s11+$0x130] =	vst.add.f32.msk $0xffff, v3  }
0xac: {  	[tilespmem:s11+$0x120] =	vst.add.f32.msk $0xffff, v2  }
0xad: {  	[tilespmem:s11+$0x110] =	vst.add.f32.msk $0xffff, v0  }
0xae: {  	[tilespmem:s11+$0x100] =	vst.add.f32.msk $0xffff, v1  }
0xaf: {  	[tilespmem:s11+$0xF0] =	vst.add.f32.msk $0xffff, v3  }
0xb0: {  	[tilespmem:s11+$0xE0] =	vst.add.f32.msk $0xffff, v2  }
0xb1: {  	[tilespmem:s11+$0xD0] =	vst.add.f32.msk $0xffff, v0  }
0xb2: {  	[tilespmem:s11+$0xC0] =	vst.add.f32.msk $0xffff, v1  }
0xb3: {  	[tilespmem:s11+$0xB0] =	vst.add.f32.msk $0xffff, v3  }
0xb4: {  	[tilespmem:s11+$0xA0] =	vst.add.f32.msk $0xffff, v2  }
0xb5: {  	[tilespmem:s11+$0x90] =	vst.add.f32.msk $0xffff, v0  }
0xb6: {  	[tilespmem:s11+$0x80] =	vst.add.f32.msk $0xffff, v1  }
0xb7: {  	[tilespmem:s11+$0x70] =	vst.add.f32.msk $0xffff, v3  }
.Ltmp1:
0xb8: {  	[tilespmem:s11+$0x60] =	vst.add.f32.msk $0xffff, v2;
	(pc) =	sbr.rel @p1 .LBB2_5-.Ltmp1, $4  }
0xb9: {  	[tilespmem:s11+$0x50] =	vst.add.f32.msk $0xffff, v0  }
0xba: {  	[tilespmem:s11+$0x40] =	vst.add.f32.msk $0xffff, v1  }
0xbb: {  	[tilespmem:s11+$0x30] =	vst.add.f32.msk $0xffff, v3  }
0xbc: {  	[tilespmem:s11+$0x20] =	vst.add.f32.msk $0xffff, v2  }
0xbd: {  	[tilespmem:s11+$0x10] =	vst.add.f32.msk $0xffff, v0  }
0xbe: {  	_ =	swait.ge [sflag:s15], $0x2000  }
0xbf: {  	[sflag:s15] =	ssyncset.done $0x0  }
0xc0: {  	s11 =	sadd.s32 $0x4480, s2;
	[sflag:s15] =	ssyncadd.s32 $0xFFFFE000  }
0xc1: {  	[tilespmem:s11+$0x0] =	vst.add.f32.msk $0xffff, v1  }
0xc2: {  	[tilespmem:s11+$0x1F0] =	vst.add.f32.msk $0xffff, v3  }
0xc3: {  	[tilespmem:s11+$0x1E0] =	vst.add.f32.msk $0xffff, v2  }
0xc4: {  	[tilespmem:s11+$0x1D0] =	vst.add.f32.msk $0xffff, v0  }
0xc5: {  	[tilespmem:s11+$0x1C0] =	vst.add.f32.msk $0xffff, v1  }
0xc6: {  	[tilespmem:s11+$0x1B0] =	vst.add.f32.msk $0xffff, v3  }
0xc7: {  	[tilespmem:s11+$0x1A0] =	vst.add.f32.msk $0xffff, v2  }
0xc8: {  	[tilespmem:s11+$0x190] =	vst.add.f32.msk $0xffff, v0  }
0xc9: {  	[tilespmem:s11+$0x180] =	vst.add.f32.msk $0xffff, v1  }
0xca: {  	[tilespmem:s11+$0x170] =	vst.add.f32.msk $0xffff, v3  }
0xcb: {  	[tilespmem:s11+$0x160] =	vst.add.f32.msk $0xffff, v2  }
0xcc: {  	[tilespmem:s11+$0x150] =	vst.add.f32.msk $0xffff, v0  }
0xcd: {  	[tilespmem:s11+$0x140] =	vst.add.f32.msk $0xffff, v1  }
0xce: {  	[tilespmem:s11+$0x130] =	vst.add.f32.msk $0xffff, v3  }
0xcf: {  	[tilespmem:s11+$0x120] =	vst.add.f32.msk $0xffff, v2  }
0xd0: {  	[tilespmem:s11+$0x110] =	vst.add.f32.msk $0xffff, v0  }
0xd1: {  	[tilespmem:s11+$0x100] =	vst.add.f32.msk $0xffff, v1  }
0xd2: {  	[tilespmem:s11+$0xF0] =	vst.add.f32.msk $0xffff, v3  }
0xd3: {  	[tilespmem:s11+$0xE0] =	vst.add.f32.msk $0xffff, v2  }
0xd4: {  	[tilespmem:s11+$0xD0] =	vst.add.f32.msk $0xffff, v0  }
0xd5: {  	[tilespmem:s11+$0xC0] =	vst.add.f32.msk $0xffff, v1  }
0xd6: {  	[tilespmem:s11+$0xB0] =	vst.add.f32.msk $0xffff, v3  }
0xd7: {  	[tilespmem:s11+$0xA0] =	vst.add.f32.msk $0xffff, v2  }
0xd8: {  	[tilespmem:s11+$0x90] =	vst.add.f32.msk $0xffff, v0  }
0xd9: {  	[tilespmem:s11+$0x80] =	vst.add.f32.msk $0xffff, v1  }
0xda: {  	[tilespmem:s11+$0x70] =	vst.add.f32.msk $0xffff, v3  }
0xdb: {  	[tilespmem:s11+$0x60] =	vst.add.f32.msk $0xffff, v2  }
0xdc: {  	[tilespmem:s11+$0x50] =	vst.add.f32.msk $0xffff, v0  }
0xdd: {  	[tilespmem:s11+$0x40] =	vst.add.f32.msk $0xffff, v1  }
0xde: {  	[tilespmem:s11+$0x30] =	vst.add.f32.msk $0xffff, v3  }
0xdf: {  	s30 =	simm.s32 $0x0;
	[tilespmem:s11+$0x20] =	vst.add.f32.msk $0xffff, v2  }
.LBB2_7:
0xe0: {  	s30 =	sadd.s32 $0x8, s30;
	[tilespmem:s11+$0x10] =	vst.add.f32.msk $0xffff, v0;
	s11 =	sadd.s32 $0x200, s11  }
0xe1: {  	[tilespmem:s11+$0x0] =	vst.add.f32.msk $0xffff, v1;
	p1 =	slt.u32 s30, $0x78  }
0xe2: {  	[tilespmem:s11+$0x1F0] =	vst.add.f32.msk $0xffff, v3  }
0xe3: {  	[tilespmem:s11+$0x1E0] =	vst.add.f32.msk $0xffff, v2  }
0xe4: {  	[tilespmem:s11+$0x1D0] =	vst.add.f32.msk $0xffff, v0  }
0xe5: {  	[tilespmem:s11+$0x1C0] =	vst.add.f32.msk $0xffff, v1  }
0xe6: {  	[tilespmem:s11+$0x1B0] =	vst.add.f32.msk $0xffff, v3  }
0xe7: {  	[tilespmem:s11+$0x1A0] =	vst.add.f32.msk $0xffff, v2  }
0xe8: {  	[tilespmem:s11+$0x190] =	vst.add.f32.msk $0xffff, v0  }
0xe9: {  	[tilespmem:s11+$0x180] =	vst.add.f32.msk $0xffff, v1  }
0xea: {  	[tilespmem:s11+$0x170] =	vst.add.f32.msk $0xffff, v3  }
0xeb: {  	[tilespmem:s11+$0x160] =	vst.add.f32.msk $0xffff, v2  }
0xec: {  	[tilespmem:s11+$0x150] =	vst.add.f32.msk $0xffff, v0  }
0xed: {  	[tilespmem:s11+$0x140] =	vst.add.f32.msk $0xffff, v1  }
0xee: {  	[tilespmem:s11+$0x130] =	vst.add.f32.msk $0xffff, v3  }
0xef: {  	[tilespmem:s11+$0x120] =	vst.add.f32.msk $0xffff, v2  }
0xf0: {  	[tilespmem:s11+$0x110] =	vst.add.f32.msk $0xffff, v0  }
0xf1: {  	[tilespmem:s11+$0x100] =	vst.add.f32.msk $0xffff, v1  }
0xf2: {  	[tilespmem:s11+$0xF0] =	vst.add.f32.msk $0xffff, v3  }
0xf3: {  	[tilespmem:s11+$0xE0] =	vst.add.f32.msk $0xffff, v2  }
0xf4: {  	[tilespmem:s11+$0xD0] =	vst.add.f32.msk $0xffff, v0  }
0xf5: {  	[tilespmem:s11+$0xC0] =	vst.add.f32.msk $0xffff, v1  }
0xf6: {  	[tilespmem:s11+$0xB0] =	vst.add.f32.msk $0xffff, v3  }
0xf7: {  	[tilespmem:s11+$0xA0] =	vst.add.f32.msk $0xffff, v2  }
0xf8: {  	[tilespmem:s11+$0x90] =	vst.add.f32.msk $0xffff, v0  }
0xf9: {  	[tilespmem:s11+$0x80] =	vst.add.f32.msk $0xffff, v1  }
0xfa: {  	[tilespmem:s11+$0x70] =	vst.add.f32.msk $0xffff, v3  }
.Ltmp2:
0xfb: {  	[tilespmem:s11+$0x60] =	vst.add.f32.msk $0xffff, v2;
	(pc) =	sbr.rel @p1 .LBB2_7-.Ltmp2, $4  }
0xfc: {  	[tilespmem:s11+$0x50] =	vst.add.f32.msk $0xffff, v0  }
0xfd: {  	[tilespmem:s11+$0x40] =	vst.add.f32.msk $0xffff, v1  }
0xfe: {  	[tilespmem:s11+$0x30] =	vst.add.f32.msk $0xffff, v3  }
0xff: {  	[tilespmem:s11+$0x20] =	vst.add.f32.msk $0xffff, v2  }
0x100: {  	[tilespmem:s11+$0x10] =	vst.add.f32.msk $0xffff, v0  }
0x101: {  	_ =	swait.ge [sflag:s16], $0x2000  }
0x102: {  	[sflag:s16] =	ssyncset.done $0x0  }
0x103: {  	s2 =	sadd.s32 $0x6480, s2;
	[sflag:s16] =	ssyncadd.s32 $0xFFFFE000  }
0x104: {  	[tilespmem:s2+$0x0] =	vst.add.f32.msk $0xffff, v1  }
0x105: {  	[tilespmem:s2+$0x1F0] =	vst.add.f32.msk $0xffff, v3  }
0x106: {  	[tilespmem:s2+$0x1E0] =	vst.add.f32.msk $0xffff, v2  }
0x107: {  	[tilespmem:s2+$0x1D0] =	vst.add.f32.msk $0xffff, v0  }
0x108: {  	[tilespmem:s2+$0x1C0] =	vst.add.f32.msk $0xffff, v1  }
0x109: {  	[tilespmem:s2+$0x1B0] =	vst.add.f32.msk $0xffff, v3  }
0x10a: {  	[tilespmem:s2+$0x1A0] =	vst.add.f32.msk $0xffff, v2  }
0x10b: {  	[tilespmem:s2+$0x190] =	vst.add.f32.msk $0xffff, v0  }
0x10c: {  	[tilespmem:s2+$0x180] =	vst.add.f32.msk $0xffff, v1  }
0x10d: {  	[tilespmem:s2+$0x170] =	vst.add.f32.msk $0xffff, v3  }
0x10e: {  	[tilespmem:s2+$0x160] =	vst.add.f32.msk $0xffff, v2  }
0x10f: {  	[tilespmem:s2+$0x150] =	vst.add.f32.msk $0xffff, v0  }
0x110: {  	[tilespmem:s2+$0x140] =	vst.add.f32.msk $0xffff, v1  }
0x111: {  	[tilespmem:s2+$0x130] =	vst.add.f32.msk $0xffff, v3  }
0x112: {  	[tilespmem:s2+$0x120] =	vst.add.f32.msk $0xffff, v2  }
0x113: {  	[tilespmem:s2+$0x110] =	vst.add.f32.msk $0xffff, v0  }
0x114: {  	[tilespmem:s2+$0x100] =	vst.add.f32.msk $0xffff, v1  }
0x115: {  	[tilespmem:s2+$0xF0] =	vst.add.f32.msk $0xffff, v3  }
0x116: {  	[tilespmem:s2+$0xE0] =	vst.add.f32.msk $0xffff, v2  }
0x117: {  	[tilespmem:s2+$0xD0] =	vst.add.f32.msk $0xffff, v0  }
0x118: {  	[tilespmem:s2+$0xC0] =	vst.add.f32.msk $0xffff, v1  }
0x119: {  	[tilespmem:s2+$0xB0] =	vst.add.f32.msk $0xffff, v3  }
0x11a: {  	[tilespmem:s2+$0xA0] =	vst.add.f32.msk $0xffff, v2  }
0x11b: {  	[tilespmem:s2+$0x90] =	vst.add.f32.msk $0xffff, v0  }
0x11c: {  	[tilespmem:s2+$0x80] =	vst.add.f32.msk $0xffff, v1  }
0x11d: {  	[tilespmem:s2+$0x70] =	vst.add.f32.msk $0xffff, v3  }
0x11e: {  	[tilespmem:s2+$0x60] =	vst.add.f32.msk $0xffff, v2  }
0x11f: {  	[tilespmem:s2+$0x50] =	vst.add.f32.msk $0xffff, v0  }
0x120: {  	[tilespmem:s2+$0x40] =	vst.add.f32.msk $0xffff, v1  }
0x121: {  	[tilespmem:s2+$0x30] =	vst.add.f32.msk $0xffff, v3  }
0x122: {  	s11 =	simm.s32 $0x0;
	[tilespmem:s2+$0x20] =	vst.add.f32.msk $0xffff, v2  }
.LBB2_9:
0x123: {  	s11 =	sadd.s32 $0x8, s11;
	[tilespmem:s2+$0x10] =	vst.add.f32.msk $0xffff, v0;
	s2 =	sadd.s32 $0x200, s2  }
0x124: {  	[tilespmem:s2+$0x0] =	vst.add.f32.msk $0xffff, v1;
	p1 =	slt.u32 s11, $0x78  }
0x125: {  	[tilespmem:s2+$0x1F0] =	vst.add.f32.msk $0xffff, v3  }
0x126: {  	[tilespmem:s2+$0x1E0] =	vst.add.f32.msk $0xffff, v2  }
0x127: {  	[tilespmem:s2+$0x1D0] =	vst.add.f32.msk $0xffff, v0  }
0x128: {  	[tilespmem:s2+$0x1C0] =	vst.add.f32.msk $0xffff, v1  }
0x129: {  	[tilespmem:s2+$0x1B0] =	vst.add.f32.msk $0xffff, v3  }
0x12a: {  	[tilespmem:s2+$0x1A0] =	vst.add.f32.msk $0xffff, v2  }
0x12b: {  	[tilespmem:s2+$0x190] =	vst.add.f32.msk $0xffff, v0  }
0x12c: {  	[tilespmem:s2+$0x180] =	vst.add.f32.msk $0xffff, v1  }
0x12d: {  	[tilespmem:s2+$0x170] =	vst.add.f32.msk $0xffff, v3  }
0x12e: {  	[tilespmem:s2+$0x160] =	vst.add.f32.msk $0xffff, v2  }
0x12f: {  	[tilespmem:s2+$0x150] =	vst.add.f32.msk $0xffff, v0  }
0x130: {  	[tilespmem:s2+$0x140] =	vst.add.f32.msk $0xffff, v1  }
0x131: {  	[tilespmem:s2+$0x130] =	vst.add.f32.msk $0xffff, v3  }
0x132: {  	[tilespmem:s2+$0x120] =	vst.add.f32.msk $0xffff, v2  }
0x133: {  	[tilespmem:s2+$0x110] =	vst.add.f32.msk $0xffff, v0  }
0x134: {  	[tilespmem:s2+$0x100] =	vst.add.f32.msk $0xffff, v1  }
0x135: {  	[tilespmem:s2+$0xF0] =	vst.add.f32.msk $0xffff, v3  }
0x136: {  	[tilespmem:s2+$0xE0] =	vst.add.f32.msk $0xffff, v2  }
0x137: {  	[tilespmem:s2+$0xD0] =	vst.add.f32.msk $0xffff, v0  }
0x138: {  	[tilespmem:s2+$0xC0] =	vst.add.f32.msk $0xffff, v1  }
0x139: {  	[tilespmem:s2+$0xB0] =	vst.add.f32.msk $0xffff, v3  }
0x13a: {  	[tilespmem:s2+$0xA0] =	vst.add.f32.msk $0xffff, v2  }
0x13b: {  	[tilespmem:s2+$0x90] =	vst.add.f32.msk $0xffff, v0  }
0x13c: {  	[tilespmem:s2+$0x80] =	vst.add.f32.msk $0xffff, v1  }
0x13d: {  	[tilespmem:s2+$0x70] =	vst.add.f32.msk $0xffff, v3  }
.Ltmp3:
0x13e: {  	[tilespmem:s2+$0x60] =	vst.add.f32.msk $0xffff, v2;
	(pc) =	sbr.rel @p1 .LBB2_9-.Ltmp3, $4  }
0x13f: {  	[tilespmem:s2+$0x50] =	vst.add.f32.msk $0xffff, v0  }
0x140: {  	[tilespmem:s2+$0x40] =	vst.add.f32.msk $0xffff, v1  }
0x141: {  	[tilespmem:s2+$0x30] =	vst.add.f32.msk $0xffff, v3  }
0x142: {  	[tilespmem:s2+$0x20] =	vst.add.f32.msk $0xffff, v2  }
0x143: {  	p1 =	sne.s32 s28, s26  }
0x144: {  	[tilespmem:s2+$0x10] =	vst.add.f32.msk $0xffff, v0;
	p0 =	por p0, p1  }
0x145: {  	_ =	strace $0x9000004D;
	s0 =	sshll.u32 @p0 s0, $0xC  }
0x146: {  	p1 =	seq.s32 s25, $0x0;
	_ =	strace @p0 $0x8000004E;
	s0 =	sand.u32 @p0 $0x1FFFF000, s0  }
0x147: {  	s2 =	sadd.s32 @p0 $0x9, s29;
	s11 =	simm.s32 @p0 $0x0;
	s0 =	sadd.s32 @p0 s1, s0  }
0x148: {  	[hbm4b:s0+s11] =	stream.linear.scatter @p0 [tilespmem:s3], [sflag:s2], $0x8000, $0x200038;
	[tilespmem:$0x10480] =	vst v63  }
0x149: {  	s0 =	sand.u32 @!p1 $0x1, s19;
	_ =	strace @p0 $0x9000004E  }
0x14a: {  	s0 =	sadd.s32 @!p1 $0x9, s0;
	_ =	strace @!p1 $0x8000004F  }
0x14b: {  	s2 =	simm.s32 $0x1;
	_ =	swait.ge @!p1 [sflag:s0], $0x8000  }
0x14c: {  	s2 =	simm.s32 @!p0 $0x0;
	p0 =	sne.s32 s25, $0x0;
	[sflag:s0] =	ssyncset.done @!p1 $0x0  }
0x14d: {  	s25 =	sadd.s32 $0x1, s25;
	[sflag:s0] =	ssyncadd.s32 @!p1 $0xFFFF8000;
	s0 =	simm.s32 $0x1  }
0x14e: {  	s0 =	simm.s32 @!p0 $0x0;
	p0 =	sne.s32 s25, $0x32  }
.Ltmp4:
0x14f: {  	_ = 	snop;
	(pc) =	sbr.rel @p0 .LBB2_2-.Ltmp4, $4  }
0x150: {  	_ = 	snop  }
0x151: {  	s22 =	sadd.s32 s22, s31  }
0x152: {  	s28 =	smov.u32 s26;
	s20 =	sadd.s32 s2, s20;
	s23 =	sadd.s32 s2, s23  }
0x153: {  	s21 =	sadd.s32 s2, s21;
	_ =	strace @!p1 $0x9000004F;
	s19 =	sadd.s32 s0, s19  }
0x154: {  	s18 =	sadd.s32 $0x1, s18  }
0x155: {  	p0 =	sne.s32 s18, s10  }
.Ltmp5:
0x156: {  	_ =	strace $0x80000050;
	(pc) =	sbr.rel @p0 .LBB2_1-.Ltmp5, $4  }
0x157: {  	_ =	swait.ge [sflag:s17], $0x8000  }
0x158: {  	[sflag:s17] =	ssyncset.done $0x0  }
0x159: {  	[sflag:s17] =	ssyncadd.s32 $0xFFFF8000  }
0x15a: {  	_ =	strace $0x90000050  }
0x15b: {  	_ =	sfence.sel $0x180000  }
0x15c: {  	[bflag:$0x0] =	sbarrier.arrive $0xFFFF  }
0x15d: {  	_ =	strace $0x90000047  }
0x15e: {  	s0 =	stileid.u32;
	[bflag:$0x2] =	sbarrier.arrive $0xFFFF  }
0x15f: {  	p0 =	sne.s32 s0, $0x0;
	s0 =	rddreg [dreg:$0x2]  }
0x160: {  	s0 =	sadd.s32 @!p0 $0x100000, s0  }
0x161: {  	[sflag:s0] =	ssyncadd.tile.s32 @!p0 $0x1;
	_ =	shalt  }
.Lfunc_end2:
_tile_overlayer_lowered:
.L_overlay_start_2:
0x162: {  	(tag) =	ssettag $0x2  }
0x163: {  	s0 =	rddreg [dreg:$0x0];
	s2 =	stileid.u32  }
0x164: {  	s1 =	rddreg [dreg:$0x1];
	p0 =	sne.s32 s2, $0x0  }
0x165: {  	s3 =	rddreg [dreg:$0x2];
	[bflag:$0x3] =	sbarrier.arrive $0xFFFF;
	s2 =	simm.s32 @!p0 $0x1C05  }
0x166: {  	[timem:s3], [sflag:s2] =	dma.local @!p0 [hbm:s0], s1  }
0x167: {  	s0 =	simm.s32 @!p0 $0x5  }
0x168: {  	_ =	swait.ge @!p0 [sflag:s0], s1  }
0x169: {  	s1 =	ssub.s32 @!p0 $0x0, s1;
	[sflag:s0] =	ssyncset.done @!p0 $0x0  }
0x16a: {  	[sflag:s0] =	ssyncadd.s32 @!p0 s1  }
0x16b: {  	[bflag:$0x3] =	sbarrier.arrive $0xFFFF  }
0x16c: {  	_ =	shalt  }

// kernel: sparse-core-data-format-call.cloned.1.call-start
scs
called_computation_lowered:
.L_overlay_start_0:
0x0: {  	s2 =	sld [smem:$0x3FD9]  }
0x1: {  	s3 =	sld [smem:$0x3FFE];
	_ =	sdelay $0x1  }
0x2: {  	s1 =	srdreg.scid  }
0x3: {  	s0 =	sand.u32 $0x1, s1  }
0x4: {  	s18 =	sshll.u32 s0, $0xA;
	s2 =	sadd.s32 s3, s2  }
0x5: {  	s2 =	sadd.s32 s2, s18  }
0x6: {  	[smem:$0x3FC6] =	sst s2  }
0x7: {  	_ = 	snop  }
0x8: {  	s2 =	sld [smem:$0x3FD0];
	(tm) =	ssettm $0x1  }
0x9: {  	s19 =	sld [smem:$0x3FFB];
	_ =	sdelay $0x3  }
0xa: {  	_ =	strace s19  }
0xb: {  	s3 =	sld [smem:$0x3FFC];
	_ =	sdelay $0x3  }
0xc: {  	_ =	strace s3  }
0xd: {  	s3 =	sld [smem:$0x3FFD];
	_ =	sdelay $0x3  }
0xe: {  	_ =	strace s3  }
0xf: {  	_ =	strace $0x8FFFFFFF  }
0x10: {  	s20 =	sld [smem:$0x3FDB];
	_ =	sdelay $0x1  }
0x11: {  	s4 =	simm.s32 $_scs_section_size  }
0x12: {  	s5 =	simm.s32 $_size__tile_overlayer_lowered;
	s6 =	simm.s32 $_tile_overlayer_lowered  }
0x13: {  	s23 =	simm.s32 $0x1BFF;
	s22 =	sshll.u32 s6, $0x1;
	s3 =	sadd.s32 s4, s20  }
0x14: {  	s7 =	simm.s32 $0x0;
	s21 =	sshll.u32 s5, $0x1;
	s5 =	sadd.s32 s22, s3  }
0x15: {  	[timem:s7], [sflag:s23] =	dma.local [hbm:s5], s21  }
0x16: {  	_ =	swait.ge [sflag:s23], s21  }
0x17: {  	s4 =	ssub.s32 $0x0, s21;
	[sflag:s23] =	ssyncset.done $0x0  }
0x18: {  	[sflag:s23] =	ssyncadd.s32 s4;
	_ =	sdelay $0x1  }
0x19: {  	s24 =	simm.s32 $0x1B8B  }
0x1a: {  	_ =	swait.ge [sflag:s24], $0x1  }
0x1b: {  	[sflag:s24] =	ssyncset.done $0x0  }
0x1c: {  	s26 =	simm.s32 $0x1B8E;
	s25 =	sld [smem:$0x3FFE];
	[sflag:s24] =	ssyncadd.s32 $0xFFFFFFFF  }
0x1d: {  	s27 =	simm.s32 $execute0_lowered;
	[smem:$0x3FD2] =	sst s26  }
0x1e: {  	s5 =	sshll.u32 s27, $0x1;
	_ =	strace $0x80000052;
	[dreg:$0x1] =	wrdreg $0xFFFFFFFF  }
0x1f: {  	s28 =	simm.s32 $_size_execute0_lowered;
	s3 =	sadd.s32 s3, s5;
	[dreg:$0x0] =	wrdreg $0x0  }
0x20: {  	s5 =	sshll.u32 s28, $0x1;
	[dreg:$0x2] =	wrdreg s3  }
0x21: {  	[dreg:$0x3] =	wrdreg s5  }
0x22: {  	[dreg:$0x4] =	wrdreg $0xC0  }
0x23: {  	_ =	task [dreg:s7], $0x5FFFF  }
0x24: {  	[dreg:$0x1] =	wrdreg $0xFFFFFFFF  }
0x25: {  	[dreg:$0x0] =	wrdreg $0x60  }
0x26: {  	[dreg:$0x2] =	wrdreg s25  }
0x27: {  	[dreg:$0x3] =	wrdreg s2  }
0x28: {  	[dreg:$0x4] =	wrdreg $0x9  }
0x29: {  	_ =	task.clear_ibuf [dreg:s7], $0x5FFFF;
	_ =	strace $0x90000052  }
0x2a: {  	s29 =	simm.s32 $0x9;
	_ =	strace $0x80000054  }
0x2b: {  	_ =	swait.ge [sflag:s29], $0x1  }
0x2c: {  	[sflag:s29] =	ssyncadd.s32 $0xFFFFFFFF  }
0x2d: {  	_ =	strace $0x90000054  }
0x2e: {  	_ =	sfence  }
0x2f: {  	s30 =	sld [smem:$0x0];
	_ =	sdelay $0x2  }
0x30: {  	s31 =	sshll.u32 s1, $0xD;
	s1 =	sshrl.u32 s1, $0x2  }
0x31: {  	s3 =	sand.u32 $0x4000, s31;
	s1 =	sadd.s32 s1, s30  }
0x32: {  	s0 =	sor.u32 s3, s0;
	s1 =	sshll.u32 s1, $0x11  }
0x33: {  	s0 =	sor.u32 s1, s0  }
0x34: {  	s0 =	sadd.s32 $0x8F2B, s0  }
0x35: {  	[sflag:s0] =	ssyncadd.remote.s32 $0x1  }
0x36: {  	_ =	sfence.sel $0xFFFF  }
0x37: {  	[dreg:$0x0] =	wrdreg $0xFFFFFFFF;
	(pc) =	sbr.abs _section_cstart, $3  }
0x38: {  	[dreg:$0x1] =	wrdreg $0xFFFFFFFF  }
0x39: {  	_ =	task.clear_ibuf [dreg:s7], $0x2FFFF;
	_ =	strace $0x9FFFFFFF  }
0x3a: {  	(tm) =	ssettm $0x7FFFFFFF  }
0x3b: {  	_ =	shalt  }
tec
execute0_lowered:
.L_overlay_start_1:
0x0: {  	(tag) =	ssettag $0x1  }
0x1: {  	s0 =	srdreg.scid  }
0x2: {  	s1 =	sshll.u32 s0, $0x4  }
0x3: {  	s5 =	rddreg [dreg:$0x0];
	s0 =	stileid.u32;
	s1 =	sand.u32 $0x10, s1  }
0x4: {  	s3 =	rddreg [dreg:$0x1];
	s31 =	simm.s32 $0x2;
	s4 =	sor.u32 s0, s1  }
0x5: {  	s13 =	simm.s32 $0x0;
	s9 =	simm.s32 $0x400;
	s2 =	sshll.u32 s4, $0x7  }
0x6: {  	s10 =	simm.s32 $0x8000;
	s14 =	simm.s32 $0x0;
	s6 =	ssub.s32 $0x1000, s2  }
0x7: {  	s1 =	rddreg [dreg:$0x2];
	_ =	strace $0x80000053;
	s7 =	sand.u32 $0xF80, s6  }
0x8: {  	s4 =	sshll.u32 s4, $0xB;
	p0 =	sne.s32 s7, $0x0;
	s7 =	simm.s32 $0x1  }
.Ltmp0:
0x9: {  	s6 =	sshrl.u32 s6, $0xC;
	s7 =	simm.s32 @!p0 $0x0;
	(pc) =	sbr.rel .LBB1_1-.Ltmp0, $4  }
0xa: {  	s8 =	sadd.s32 s4, s5;
	s4 =	simm.s32 $0x1;
	s30 =	sadd.s32 s7, s6  }
0xb: {  	s11 =	simm.s32 $0x0;
	[sflag:s4] =	ssyncpa.u1 $0x0;
	s5 =	smul.u32 $0x64, s30  }
0xc: {  	s12 =	simm.s32 $0x0;
	[sflag:s31] =	ssyncpa.u1 $0x0;
	p0 =	por $0x0, $0x0  }
0xd: {  	s6 =	sadd.s32 $0x800, s8;
	s7 =	sadd.s32 $0x10800, s8;
	s8 =	sor.u32 $0x1, s5  }
.LBB1_7:
0xe: {  	s15 =	sadd.s32 $0x2, s11  }
0xf: {  	p2 =	sgt.s32 s15, $0xC7  }
0x10: {  	s15 =	simm.s32 @p2 $0x0;
	p2 =	sne.s32 s12, s8  }
.Ltmp1:
0x11: {  	p1 =	slt.u32 s12, $0x2;
	(pc) =	sbr.rel @!p2 .LBB1_8-.Ltmp1, $4  }
0x12: {  	s13 =	simm.s32 @!p1 $0x2  }
0x13: {  	s16 =	sadd.s32 $0x1, s12;
	s14 =	smov.u32 s11;
	_ =	swait.ge @!p1 [sflag:s13], $0x4000  }
0x14: {  	p0 =	por !p0, !p0;
	s12 =	smov.u32 s16;
	[sflag:s13] =	ssyncset.done @!p1 $0x0  }
0x15: {  	s11 =	smov.u32 s15;
	[sflag:s13] =	ssyncadd.s32 @!p1 $0xFFFFC000;
	s13 =	smov.u32 s2  }
.LBB1_1:
0x16: {  	p1 =	sge.u32 s12, s5  }
0x17: {  	s15 =	sxor.u32 @!p1 $0xFFFFFFFF, s12  }
0x18: {  	s16 =	sshll.u32 @!p1 s11, $0x10;
	s18 =	simm.s32 @!p1 $0x40;
	s15 =	sshll.u32 @!p1 s15, $0xE  }
0x19: {  	s19 =	simm.s32 @!p1 $0x80;
	s17 =	sadd.s32 @!p1 s16, s6;
	s15 =	sand.u32 @!p1 $0x4000, s15  }
0x1a: {  	[tilespmem:s15], [sflag:$0x1] =	stream.strided.gather @!p1 [hbm4b:s17+s18], $0x2000, s19, s18, $0x38;
	[tilespmem:$0x10100] =	vst v63  }
0x1b: {  	s31 =	sadd.s32 $0xFFFFFFFF, s12;
	s16 =	sadd.s32 @!p1 s16, s7;
	s15 =	sor.u32 @!p1 $0x2000, s15  }
0x1c: {  	[tilespmem:s15], [sflag:$0x1] =	stream.strided.gather @!p1 [hbm4b:s16+s18], $0x2000, s19, s18, $0x38;
	[tilespmem:$0x10100] =	vst v63  }
0x1d: {  	p1 =	sge.u32 s31, s5  }
.Ltmp2:
0x1e: {  	_ = 	snop;
	(pc) =	sbr.rel @p1 .LBB1_7-.Ltmp2, $1  }
0x1f: {  	_ =	sdelay $0x3  }
0x20: {  	s15 =	simm.s32 $0x1;
	s17 =	sand.u32 $0x1, s12  }
0x21: {  	_ =	swait.ge [sflag:s4], $0x4000;
	s15 =	simm.s32 @!p0 $0x0;
	s17 =	smul.u32 $0x10200, s17  }
0x22: {  	p2 =	por $0x1, $0x1;
	[sflag:s4] =	ssyncset.done $0x0;
	s16 =	smul.u32 $0x10200, s15  }
0x23: {  	s18 =	sshll.u32 s15, $0x10;
	[sflag:s4] =	ssyncadd.s32 $0xFFFFC000;
	s30 =	sshrl.u32 s17, $0x2  }
0x24: {  	s31 =	sshrl.u32 s18, $0x2;
	s18 =	simm.s32 $0x0;
	s16 =	sshrl.u32 s16, $0x2  }
0x25: {  	s15 =	sor.u32 $0x8000, s30;
	s17 =	sadd.s32 $0x20, s31;
	s16 =	sor.u32 $0x8000, s16  }
.LBB1_3:
0x26: {  	s19 =	sshll.u32 s18, $0xD  }
0x27: {  	s19 =	sand.u32 $0x3FFFE000, s19  }
0x28: {  	s21 =	sadd.s32 s19, s17  }
0x29: {  	s31 =	smul.u32 $0x8100, s18;
	v3 =	vld [tilespmem:s21+$0x10]  }
0x2a: {  	v1 =	vld [tilespmem:s21+$0xFFFFFFF0]  }
0x2b: {  	s18 =	sshra.s32 s31, $0x2;
	v0 =	vld [tilespmem:s21+$0x0]  }
0x2c: {  	s18 =	sadd.s32 s18, s16;
	v2 =	vld [tilespmem:s21+$0xFFFFFFE0]  }
0x2d: {  	s19 =	sadd.s32 $0x0, s18  }
0x2e: {  	p1 =	por p2, p2;
	s20 =	simm.s32 $0x4;
	s21 =	sadd.s32 $0x40, s21;
	[tilespmem:s19+$0x1830 ss:$0x81] =	vst.msk $0xffff, v3  }
.LBB1_4:
0x2f: {  	v3 =	vld [tilespmem:s21+$0x10];
	p2 =	sne.s32 s20, $0x1FC;
	[tilespmem:s19+$0x810 ss:$0x81] =	vst.msk $0xffff, v1;
	s22 =	smov.u32 s20;
	s20 =	sadd.s32 $0x4, s20  }
.Ltmp3:
0x30: {  	v1 =	vld [tilespmem:s21+$0xFFFFFFF0];
	[tilespmem:s19+$0x1020 ss:$0x81] =	vst.msk $0xffff, v0;
	(pc) =	sbr.rel @p2 .LBB1_4-.Ltmp3, $4  }
0x31: {  	v0 =	vld [tilespmem:s21+$0x0];
	[tilespmem:s19+$0x0 ss:$0x81] =	vst.msk $0xffff, v2  }
0x32: {  	s19 =	sshra.s32 s22, $0x2;
	v2 =	vld [tilespmem:s21+$0xFFFFFFE0]  }
0x33: {  	s19 =	sadd.s32 s19, s18  }
0x34: {  	s21 =	sadd.s32 $0x40, s21;
	[tilespmem:s19+$0x1830 ss:$0x81] =	vst.msk $0xffff, v3  }
.Ltmp4:
0x35: {  	(pc) =	sbr.rel @p1 .LBB1_3-.Ltmp4, $4  }
0x36: {  	_ = 	snop  }
0x37: {  	[tilespmem:s19+$0x810 ss:$0x81] =	vst.msk $0xffff, v1  }
0x38: {  	[tilespmem:s19+$0x1020 ss:$0x81] =	vst.msk $0xffff, v0  }
0x39: {  	s18 =	simm.s32 $0x1;
	p2 =	por $0x0, $0x0;
	[tilespmem:s19+$0x0 ss:$0x81] =	vst.msk $0xffff, v2  }
.Ltmp5:
0x3a: {  	(pc) =	sbr.rel .LBB1_7-.Ltmp5, $4  }
0x3b: {  	s14 =	sshll.u32 s14, $0xF  }
0x3c: {  	s14 =	sadd.s32 s3, s14  }
0x3d: {  	s13 =	sadd.s32 s13, s14  }
0x3e: {  	[hbm4b:s13+s9] =	stream.strided.scatter [tilespmem:s15], [sflag:$0x2], $0x4000, s10, s9, $0x20;
	[tilespmem:$0x10100] =	vst v63  }
.LBB1_8:
0x3f: {  	_ =	sfence.sel $0x180000  }
0x40: {  	s2 =	simm.s32 $0x1;
	[bflag:$0x0] =	sbarrier.arrive $0xFFFF  }
0x41: {  	s31 =	simm.s32 $0x2;
	[sflag:s2] =	ssyncpa.u1 $0x1  }
0x42: {  	[sflag:s31] =	ssyncpa.u1 $0x1  }
0x43: {  	p0 =	sne.s32 s0, $0x0;
	_ =	strace $0x90000053  }
0x44: {  	s0 =	sadd.s32 @!p0 $0x100000, s1;
	[bflag:$0x2] =	sbarrier.arrive $0xFFFF  }
0x45: {  	[sflag:s0] =	ssyncadd.tile.s32 @!p0 $0x1;
	_ =	shalt  }
.Lfunc_end1:
_tile_overlayer_lowered:
.L_overlay_start_2:
0x46: {  	(tag) =	ssettag $0x2  }
0x47: {  	s0 =	rddreg [dreg:$0x0];
	s2 =	stileid.u32  }
0x48: {  	s1 =	rddreg [dreg:$0x1];
	p0 =	sne.s32 s2, $0x0  }
0x49: {  	s3 =	rddreg [dreg:$0x2];
	[bflag:$0x3] =	sbarrier.arrive $0xFFFF;
	s2 =	simm.s32 @!p0 $0x1C01  }
0x4a: {  	[timem:s3], [sflag:s2] =	dma.local @!p0 [hbm:s0], s1  }
0x4b: {  	s0 =	simm.s32 @!p0 $0x1  }
0x4c: {  	_ =	swait.ge @!p0 [sflag:s0], s1  }
0x4d: {  	s1 =	ssub.s32 @!p0 $0x0, s1;
	[sflag:s0] =	ssyncset.done @!p0 $0x0  }
0x4e: {  	[sflag:s0] =	ssyncadd.s32 @!p0 s1  }
0x4f: {  	[bflag:$0x3] =	sbarrier.arrive $0xFFFF  }
0x50: {  	_ =	shalt  }

</sc_bundles>
